<compile_context>
chip_gen: v7x
topology: tpu7x:2x2x1
jax: 0.10.2.dev20260603
libtpu: 0.0.44.dev20260713+nightly
codegen_flags: <defaults>
</compile_context>

<pallas_src>
import functools

import jax
import jax.numpy as jnp
from jax import lax
from jax.experimental import pallas as pl
from jax.experimental.pallas import tpu as pltpu
from jax.experimental.pallas import tpu_sc as plsc

_W = 8
_BLK = 125
_NBUF = 10
_LEAD = 5
_DDEP = 2
_NC = 2
_NS = 16
_R = 1000
_RCH = 400

_MAGIC = 0x5F3759DF


def _sc_mesh():
    return plsc.VectorSubcoreMesh(core_axis_name="c", subcore_axis_name="s")


def _sc_params():
    return pltpu.CompilerParams(
        use_tc_tiling_on_sc=False, needs_layout_passes=False)


def _chunks_foreach_tile(s, n, fn):
    nch = n // _RCH
    trips = (nch + _NS - 1) // _NS

    def body(i, carry):
        cid = s + i * _NS

        @pl.when(cid < nch)
        def _():
            fn(cid, pl.multiple_of(cid * _RCH, 8))

        return carry

    lax.fori_loop(0, trips, body, 0)


def _flat_idx(v):
    io = lax.iota(jnp.int32, 16)
    return 2 * v + (io >> 3), io & 7


def _rsqrt_sc(d):
    i = plsc.bitcast(d, jnp.int32)
    y = plsc.bitcast(_MAGIC - (i >> 1), jnp.float32)
    for _ in range(3):
        y = y * (1.5 - 0.5 * d * y * y)
    return y


def _prop_ring(nblk, gtab, sidx2, didx2, acc, msgs, gsem, ssem):

    def gather_start(j, b):
        pltpu.async_copy(gtab.at[sidx2.at[j]], msgs[b], gsem[b])

    def gather_wait(j, b):
        pltpu.make_async_copy(gtab.at[sidx2.at[j]], msgs[b], gsem[b]).wait()

    def scatter_start(j, b):
        pltpu.async_copy(msgs[b], acc.at[didx2.at[j]], ssem[b], add=True)

    def scatter_wait(j, b):
        pltpu.make_async_copy(msgs[b], acc.at[didx2.at[j]], ssem[b]).wait()

    for b in range(_LEAD):
        gather_start(b, b)

    def slot(j, b):
        gather_wait(j, b)
        scatter_start(j, b)
        pb = (b - _LEAD) % _NBUF

        @pl.when(j >= _LEAD)
        def _():
            scatter_wait(j - _LEAD, pb)

        @pl.when(j + _LEAD < nblk)
        def _():
            gather_start(j + _LEAD, pb)

    def body(k, carry):
        for b in range(_NBUF):
            slot(k * _NBUF + b, b)
        return carry

    lax.fori_loop(0, nblk // _NBUF, body, 0)
    for j in range(nblk - _LEAD, nblk):
        scatter_wait(j, j % _NBUF)


@functools.lru_cache(maxsize=None)
def _make_sc(n, e):
    nblk = e // _NS // _BLK
    nvec = _RCH * _W // 16

    @functools.partial(
        pl.kernel,
        mesh=_sc_mesh(),
        out_type=jax.ShapeDtypeStruct((n, 2), jnp.float32),
        compiler_params=_sc_params(),
        scratch_types=[
            pltpu.VMEM((nblk, _BLK), jnp.int32),
            pltpu.VMEM((nblk, _BLK), jnp.int32),
            pltpu.VMEM((_BLK, _W), jnp.float32),
            [pltpu.VMEM((_BLK, _W), jnp.float32)] * _NBUF,
            pltpu.VMEM((_RCH, _W), jnp.float32),
            pltpu.VMEM((_RCH, _W), jnp.float32),
            pltpu.VMEM((_RCH, _W), jnp.float32),
            pltpu.VMEM((_RCH, _W), jnp.float32),
            pltpu.VMEM((_RCH, 2), jnp.float32),
            pltpu.VMEM((8, _W), jnp.float32),
            pltpu.VMEM_SHARED((n, _W), jnp.float32),
            pltpu.VMEM_SHARED((n, _W), jnp.float32),
            pltpu.VMEM_SHARED((n, _W), jnp.float32),
            pltpu.VMEM_SHARED((n, _W), jnp.float32),
            [pltpu.SemaphoreType.DMA] * 2,
            [pltpu.SemaphoreType.DMA] * _NBUF,
            [pltpu.SemaphoreType.DMA] * _NBUF,
        ],
    )
    def sc(ei_hbm, zt_hbm, zeros_hbm, ones_hbm, cb_hbm, out_hbm,
           sidxf, didxf, ones_v, msgs, ca, cb, cc, cd, outc, cbv,
           dvtab, gtab, acc1, acc2, dsem, gsem, ssem):
        c = lax.axis_index("c")
        s = lax.axis_index("s")
        pltpu.sync_copy(ei_hbm.at[0, s], sidxf)
        pltpu.sync_copy(ei_hbm.at[1, s], didxf)
        pltpu.sync_copy(ones_hbm, ones_v)
        pltpu.sync_copy(cb_hbm, cbv)
        _chunks_foreach_tile(s, n, lambda cid, r0: pltpu.sync_copy(
            zeros_hbm.at[pl.ds(r0, _RCH)], dvtab.at[pl.ds(r0, _RCH)]))
        plsc.subcore_barrier()

        def dslot(j, b):
            pltpu.async_copy(ones_v, dvtab.at[didxf.at[j]], dsem[b], add=True)

            @pl.when(j >= _DDEP)
            def _():
                pltpu.make_async_copy(
                    ones_v, dvtab.at[didxf.at[j - _DDEP]], dsem[b]).wait()

        def dbody(k, carry):
            for b in range(_DDEP):
                dslot(_DDEP * k + b, b)
            return carry

        lax.fori_loop(0, nblk // _DDEP, dbody, 0)
        for b in range(_DDEP):
            pltpu.make_async_copy(
                ones_v, dvtab.at[didxf.at[nblk - _DDEP + b]], dsem[b]).wait()
        plsc.subcore_barrier()

        def build0(cid, r0):
            pltpu.sync_copy(dvtab.at[pl.ds(r0, _RCH)], ca)
            pltpu.sync_copy(zt_hbm.at[pl.ds(r0, _RCH)], cb)

            def vbody(v, carry):
                row, col = _flat_idx(v)
                d = plsc.load_gather(ca, [row, col]) + 1.0
                y = _rsqrt_sc(d)
                z = plsc.load_gather(cb, [row, col])
                plsc.store_scatter(cc, [row, col], y * z)
                plsc.store_scatter(cd, [row, col], y)
                return carry

            lax.fori_loop(0, nvec, vbody, 0)
            pltpu.sync_copy(cd, dvtab.at[pl.ds(r0, _RCH)])
            pltpu.sync_copy(cc, gtab.at[pl.ds(r0, _RCH)])
            pltpu.sync_copy(cc, acc1.at[pl.ds(r0, _RCH)])

        _chunks_foreach_tile(s, n, build0)
        plsc.subcore_barrier()

        _prop_ring(nblk, gtab, sidxf, didxf, acc1, msgs, gsem, ssem)
        plsc.subcore_barrier()

        def build1(cid, r0):
            pltpu.sync_copy(acc1.at[pl.ds(r0, _RCH)], ca)
            pltpu.sync_copy(dvtab.at[pl.ds(r0, _RCH)], cd)

            def vbody(v, carry):
                row, col = _flat_idx(v)
                t1 = plsc.load_gather(ca, [row, col])
                dv = plsc.load_gather(cd, [row, col])
                plsc.store_scatter(cc, [row, col], dv * dv * t1)
                plsc.store_scatter(cb, [row, col], dv * t1)
                return carry

            lax.fori_loop(0, nvec, vbody, 0)
            pltpu.sync_copy(cc, gtab.at[pl.ds(r0, _RCH)])
            pltpu.sync_copy(cc, acc2.at[pl.ds(r0, _RCH)])
            pltpu.sync_copy(cb, acc1.at[pl.ds(r0, _RCH)])

        _chunks_foreach_tile(s, n, build1)
        plsc.subcore_barrier()

        _prop_ring(nblk, gtab, sidxf, didxf, acc2, msgs, gsem, ssem)
        plsc.subcore_barrier()

        io = lax.iota(jnp.int32, 16)
        z16 = io * 0

        def finish(cid, r0):
            @pl.when(cid % _NC == c)
            def _():
                pltpu.sync_copy(acc2.at[pl.ds(r0, _RCH)], ca)
                pltpu.sync_copy(dvtab.at[pl.ds(r0, _RCH)], cd)
                pltpu.sync_copy(acc1.at[pl.ds(r0, _RCH)], cb)
                c0 = plsc.load_gather(cbv, [z16, z16])
                c1 = plsc.load_gather(cbv, [z16, z16 + 1])
                b20 = plsc.load_gather(cbv, [z16 + 1, z16])
                b21 = plsc.load_gather(cbv, [z16 + 1, z16 + 1])

                def vbody(v, carry):
                    ridx = 16 * v + io
                    t20 = plsc.load_gather(ca, [ridx, z16])
                    t21 = plsc.load_gather(ca, [ridx, z16 + 1])
                    dv = plsc.load_gather(cd, [ridx, z16])
                    tx = plsc.load_gather(cb, [ridx, z16 + 2])
                    y0 = dv * t20 + tx * c0 + b20
                    y1 = dv * t21 + tx * c1 + b21
                    m = jnp.maximum(y0, y1)
                    e0 = jnp.exp(y0 - m)
                    e1 = jnp.exp(y1 - m)
                    tot = e0 + e1
                    plsc.store_scatter(outc, [ridx, z16], e0 / tot)
                    plsc.store_scatter(outc, [ridx, z16 + 1], e1 / tot)
                    return carry

                lax.fori_loop(0, _RCH // 16, vbody, 0)
                pltpu.sync_copy(outc, out_hbm.at[pl.ds(r0, _RCH)])

        _chunks_foreach_tile(s, n, finish)

    return sc


def _tc_stage_a(x, w1, w2p, b1r, b2p):
    n, d = x.shape

    def ka(x_ref, w1_ref, w2p_ref, b1_ref, b2_ref, zt_ref, cb_ref):
        w12 = jnp.dot(w1_ref[...], w2p_ref[...],
                      preferred_element_type=jnp.float32)
        z16 = jnp.dot(x_ref[...], w12, preferred_element_type=jnp.float32)
        col = lax.broadcasted_iota(jnp.int32, z16.shape, 1)
        zt_ref[...] = z16 + jnp.where(col == 2, 1.0, 0.0)
        c16 = jnp.dot(b1_ref[...], w2p_ref[...],
                      preferred_element_type=jnp.float32)
        row = lax.broadcasted_iota(jnp.int32, (8, _W), 0)
        cb_ref[...] = jnp.where(row == 0, c16, jnp.where(row == 1,
                                                         b2_ref[...], 0.0))

    return pl.pallas_call(
        ka,
        grid=(n // _R,),
        in_specs=[
            pl.BlockSpec((_R, d), lambda i: (i, 0)),
            pl.BlockSpec((d, d), lambda i: (0, 0)),
            pl.BlockSpec((d, _W), lambda i: (0, 0)),
            pl.BlockSpec((1, d), lambda i: (0, 0)),
            pl.BlockSpec((1, _W), lambda i: (0, 0)),
        ],
        out_specs=[
            pl.BlockSpec((_R, _W), lambda i: (i, 0)),
            pl.BlockSpec((8, _W), lambda i: (0, 0)),
        ],
        out_shape=[
            jax.ShapeDtypeStruct((n, _W), jnp.float32),
            jax.ShapeDtypeStruct((8, _W), jnp.float32),
        ],
    )(x, w1, w2p, b1r, b2p)


def kernel(X, edge_index, W1, b1, W2, b2):
    n, _ = X.shape
    e = edge_index.shape[1]
    nblk = e // _NS // _BLK
    ei = edge_index.reshape(2, _NS, nblk, _BLK)

    w2p = jnp.pad(W2, ((0, 0), (0, _W - W2.shape[1])))
    b1r = b1.reshape(1, -1)
    b2p = jnp.pad(b2.reshape(1, -1), ((0, 0), (0, _W - b2.shape[0])))
    zeros_t = jnp.zeros((n, _W), jnp.float32)
    ones_t = jnp.ones((_BLK, _W), jnp.float32)

    zt, cb = _tc_stage_a(X, W1, w2p, b1r, b2p)
    return _make_sc(n, e)(ei, zt, zeros_t, ones_t, cb)

# --- scband reference (transcript-rebuilt; emitter-appended) ---
"""Pipeline reference for scband-y-prime-decoder-12137577578917 (READ-ONLY COPY).

The authoritative reference and input builder live on the scoring server;
editing this copy changes nothing except your own understanding.
"""

import jax, jax.numpy as jnp
import numpy as np

N = 10000
E = 320000
D = 128
H = 128


def setup_inputs(seed: int = 0) -> dict:
    key = jax.random.key(seed)
    k1, k2, k3, k4 = jax.random.split(key, 4)
    X = jax.random.normal(k1, (N, D), dtype=jnp.float32)
    edge_index = jax.random.randint(k2, (2, E), 0, N, dtype=jnp.int32)
    W1 = jax.random.normal(k3, (D, H), dtype=jnp.float32) * (1.0 / np.sqrt(D))
    b1 = jnp.zeros((H,), dtype=jnp.float32)
    W2 = jax.random.normal(k4, (H, 2), dtype=jnp.float32) * (1.0 / np.sqrt(H))
    b2 = jnp.zeros((2,), dtype=jnp.float32)
    return {"X": X, "edge_index": edge_index, "W1": W1, "b1": b1, "W2": W2, "b2": b2}


def gcn_conv(x, edge_index, W, b):
    # PyG GCNConv: x' = D^{-1/2} (A + I) D^{-1/2} X W + b
    num_nodes = x.shape[0]
    loop = jnp.arange(num_nodes, dtype=edge_index.dtype)
    src = jnp.concatenate([edge_index[0], loop])
    dst = jnp.concatenate([edge_index[1], loop])
    deg = jnp.zeros((num_nodes,), dtype=x.dtype).at[dst].add(1.0)
    dinv = jnp.where(deg > 0, 1.0 / jnp.sqrt(deg), 0.0)
    norm = dinv[src] * dinv[dst]
    h = x @ W
    msg = h[src] * norm[:, None]
    out = jnp.zeros((num_nodes, W.shape[1]), dtype=x.dtype).at[dst].add(msg)
    return out + b


def reference(X, edge_index, W1, b1, W2, b2):
    y = gcn_conv(X, edge_index, W1, b1)
    y = gcn_conv(y, edge_index, W2, b2)
    # original module calls .detach() before softmax
    y = jax.lax.stop_gradient(y)
    return jax.nn.softmax(y, axis=1)

if __name__ == "__main__":
    import jax
    _d = setup_inputs()
    print(jax.jit(kernel)(*tuple(_d.values())))

</pallas_src>

<mosaic_0001>
#map = affine_map<(d0, d1) -> (0, 0, 0, 0)>
#map1 = affine_map<(d0, d1) -> (0, 0)>
module attributes {stable_mosaic.version = 14 : i64} {
  func.func @sc(%arg0: i32, %arg1: i32, %arg2: memref<2x16x160x125xi32, #tpu.memory_space<hbm>>, %arg3: memref<10000x8xf32, #tpu.memory_space<hbm>>, %arg4: memref<10000x8xf32, #tpu.memory_space<hbm>>, %arg5: memref<125x8xf32, #tpu.memory_space<hbm>>, %arg6: memref<8x8xf32, #tpu.memory_space<hbm>>, %arg7: memref<10000x2xf32, #tpu.memory_space<hbm>>, %arg8: memref<160x125xi32, #tpu.memory_space<vmem>>, %arg9: memref<160x125xi32, #tpu.memory_space<vmem>>, %arg10: memref<125x8xf32, #tpu.memory_space<vmem>>, %arg11: memref<125x8xf32, #tpu.memory_space<vmem>>, %arg12: memref<125x8xf32, #tpu.memory_space<vmem>>, %arg13: memref<125x8xf32, #tpu.memory_space<vmem>>, %arg14: memref<125x8xf32, #tpu.memory_space<vmem>>, %arg15: memref<125x8xf32, #tpu.memory_space<vmem>>, %arg16: memref<125x8xf32, #tpu.memory_space<vmem>>, %arg17: memref<125x8xf32, #tpu.memory_space<vmem>>, %arg18: memref<125x8xf32, #tpu.memory_space<vmem>>, %arg19: memref<125x8xf32, #tpu.memory_space<vmem>>, %arg20: memref<125x8xf32, #tpu.memory_space<vmem>>, %arg21: memref<400x8xf32, #tpu.memory_space<vmem>>, %arg22: memref<400x8xf32, #tpu.memory_space<vmem>>, %arg23: memref<400x8xf32, #tpu.memory_space<vmem>>, %arg24: memref<400x8xf32, #tpu.memory_space<vmem>>, %arg25: memref<400x2xf32, #tpu.memory_space<vmem>>, %arg26: memref<8x8xf32, #tpu.memory_space<vmem>>, %arg27: memref<10000x8xf32, #tpu.memory_space<vmem_shared>>, %arg28: memref<10000x8xf32, #tpu.memory_space<vmem_shared>>, %arg29: memref<10000x8xf32, #tpu.memory_space<vmem_shared>>, %arg30: memref<10000x8xf32, #tpu.memory_space<vmem_shared>>, %arg31: memref<!tpu.dma_semaphore, #tpu.memory_space<semaphore_mem>>, %arg32: memref<!tpu.dma_semaphore, #tpu.memory_space<semaphore_mem>>, %arg33: memref<!tpu.dma_semaphore, #tpu.memory_space<semaphore_mem>>, %arg34: memref<!tpu.dma_semaphore, #tpu.memory_space<semaphore_mem>>, %arg35: memref<!tpu.dma_semaphore, #tpu.memory_space<semaphore_mem>>, %arg36: memref<!tpu.dma_semaphore, #tpu.memory_space<semaphore_mem>>, %arg37: memref<!tpu.dma_semaphore, #tpu.memory_space<semaphore_mem>>, %arg38: memref<!tpu.dma_semaphore, #tpu.memory_space<semaphore_mem>>, %arg39: memref<!tpu.dma_semaphore, #tpu.memory_space<semaphore_mem>>, %arg40: memref<!tpu.dma_semaphore, #tpu.memory_space<semaphore_mem>>, %arg41: memref<!tpu.dma_semaphore, #tpu.memory_space<semaphore_mem>>, %arg42: memref<!tpu.dma_semaphore, #tpu.memory_space<semaphore_mem>>, %arg43: memref<!tpu.dma_semaphore, #tpu.memory_space<semaphore_mem>>, %arg44: memref<!tpu.dma_semaphore, #tpu.memory_space<semaphore_mem>>, %arg45: memref<!tpu.dma_semaphore, #tpu.memory_space<semaphore_mem>>, %arg46: memref<!tpu.dma_semaphore, #tpu.memory_space<semaphore_mem>>, %arg47: memref<!tpu.dma_semaphore, #tpu.memory_space<semaphore_mem>>, %arg48: memref<!tpu.dma_semaphore, #tpu.memory_space<semaphore_mem>>, %arg49: memref<!tpu.dma_semaphore, #tpu.memory_space<semaphore_mem>>, %arg50: memref<!tpu.dma_semaphore, #tpu.memory_space<semaphore_mem>>, %arg51: memref<!tpu.dma_semaphore, #tpu.memory_space<semaphore_mem>>, %arg52: memref<!tpu.dma_semaphore, #tpu.memory_space<semaphore_mem>>) attributes {dimension_semantics = [#tpu.dimension_semantics<core_parallel>, #tpu.dimension_semantics<subcore_parallel>], iteration_bounds = array<i64: 2, 16>, scalar_prefetch = 0 : i64, scratch_operands = 45 : i64, tpu.core_type = #tpu.core_type<sc_vector_subcore>, window_params = [{transform_indices = #map}, {transform_indices = #map1}, {transform_indices = #map1}, {transform_indices = #map1}, {transform_indices = #map1}, {transform_indices = #map1}]} {
    %run_scoped3A = arith.constant 0 : i32
    "tpu.region"() ({
      %run_scoped3A_201 = tpu.sem_alloc : memref<!tpu.dma_semaphore, #tpu.memory_space<semaphore_mem>>
      %dma_start3A_202 = arith.constant 0 : i32
      %dma_start3A_203 = arith.constant 0 : i32
      %dma_start3A_204 = tpu.memref_slice %arg2[%run_scoped3A, %arg1, %dma_start3A_202, %dma_start3A_203] : memref<2x16x160x125xi32, #tpu.memory_space<hbm>> -> memref<1x1x160x125xi32, #tpu.memory_space<hbm>>
      %dma_start3A_205 = tpu.memref_squeeze %dma_start3A_204 : memref<1x1x160x125xi32, #tpu.memory_space<hbm>> -> memref<160x125xi32, #tpu.memory_space<hbm>>
      %dma_start3A_206 = arith.constant 0 : i32
      %dma_start3A_207 = arith.constant 0 : i32
      %dma_start3A_208 = tpu.memref_slice %arg2[%run_scoped3A, %arg1, %dma_start3A_206, %dma_start3A_207] : memref<2x16x160x125xi32, #tpu.memory_space<hbm>> -> memref<1x1x160x125xi32, #tpu.memory_space<hbm>>
      %dma_start3A_209 = tpu.memref_squeeze %dma_start3A_208 : memref<1x1x160x125xi32, #tpu.memory_space<hbm>> -> memref<160x125xi32, #tpu.memory_space<hbm>>
      tpu.enqueue_dma source(%dma_start3A_209 : memref<160x125xi32, #tpu.memory_space<hbm>>) target(%arg8 : memref<160x125xi32, #tpu.memory_space<vmem>>) target_semaphore(%run_scoped3A_201 : memref<!tpu.dma_semaphore, #tpu.memory_space<semaphore_mem>>)
      %dma_wait3A_210 = arith.constant 0 : i32
      %dma_wait3A_211 = arith.constant 0 : i32
      %dma_wait3A_212 = tpu.memref_slice %arg2[%run_scoped3A, %arg1, %dma_wait3A_210, %dma_wait3A_211] : memref<2x16x160x125xi32, #tpu.memory_space<hbm>> -> memref<1x1x160x125xi32, #tpu.memory_space<hbm>>
      %dma_wait3A_213 = tpu.memref_squeeze %dma_wait3A_212 : memref<1x1x160x125xi32, #tpu.memory_space<hbm>> -> memref<160x125xi32, #tpu.memory_space<hbm>>
      %dma_wait3A_214 = arith.constant 0 : i32
      %dma_wait3A_215 = arith.constant 0 : i32
      %dma_wait3A_216 = tpu.memref_slice %arg2[%run_scoped3A, %arg1, %dma_wait3A_214, %dma_wait3A_215] : memref<2x16x160x125xi32, #tpu.memory_space<hbm>> -> memref<1x1x160x125xi32, #tpu.memory_space<hbm>>
      %dma_wait3A_217 = tpu.memref_squeeze %dma_wait3A_216 : memref<1x1x160x125xi32, #tpu.memory_space<hbm>> -> memref<160x125xi32, #tpu.memory_space<hbm>>
      tpu.wait_dma2 semaphore(%run_scoped3A_201 : memref<!tpu.dma_semaphore, #tpu.memory_space<semaphore_mem>>) src(%dma_wait3A_217 : memref<160x125xi32, #tpu.memory_space<hbm>>) dst(%arg8 : memref<160x125xi32, #tpu.memory_space<vmem>>)
      tpu.yield
    }) : () -> ()
    %run_scoped3A_0 = arith.constant 1 : i32
    "tpu.region"() ({
      %run_scoped3A_201 = tpu.sem_alloc : memref<!tpu.dma_semaphore, #tpu.memory_space<semaphore_mem>>
      %dma_start3A_202 = arith.constant 0 : i32
      %dma_start3A_203 = arith.constant 0 : i32
      %dma_start3A_204 = tpu.memref_slice %arg2[%run_scoped3A_0, %arg1, %dma_start3A_202, %dma_start3A_203] : memref<2x16x160x125xi32, #tpu.memory_space<hbm>> -> memref<1x1x160x125xi32, #tpu.memory_space<hbm>>
      %dma_start3A_205 = tpu.memref_squeeze %dma_start3A_204 : memref<1x1x160x125xi32, #tpu.memory_space<hbm>> -> memref<160x125xi32, #tpu.memory_space<hbm>>
      %dma_start3A_206 = arith.constant 0 : i32
      %dma_start3A_207 = arith.constant 0 : i32
      %dma_start3A_208 = tpu.memref_slice %arg2[%run_scoped3A_0, %arg1, %dma_start3A_206, %dma_start3A_207] : memref<2x16x160x125xi32, #tpu.memory_space<hbm>> -> memref<1x1x160x125xi32, #tpu.memory_space<hbm>>
      %dma_start3A_209 = tpu.memref_squeeze %dma_start3A_208 : memref<1x1x160x125xi32, #tpu.memory_space<hbm>> -> memref<160x125xi32, #tpu.memory_space<hbm>>
      tpu.enqueue_dma source(%dma_start3A_209 : memref<160x125xi32, #tpu.memory_space<hbm>>) target(%arg9 : memref<160x125xi32, #tpu.memory_space<vmem>>) target_semaphore(%run_scoped3A_201 : memref<!tpu.dma_semaphore, #tpu.memory_space<semaphore_mem>>)
      %dma_wait3A_210 = arith.constant 0 : i32
      %dma_wait3A_211 = arith.constant 0 : i32
      %dma_wait3A_212 = tpu.memref_slice %arg2[%run_scoped3A_0, %arg1, %dma_wait3A_210, %dma_wait3A_211] : memref<2x16x160x125xi32, #tpu.memory_space<hbm>> -> memref<1x1x160x125xi32, #tpu.memory_space<hbm>>
      %dma_wait3A_213 = tpu.memref_squeeze %dma_wait3A_212 : memref<1x1x160x125xi32, #tpu.memory_space<hbm>> -> memref<160x125xi32, #tpu.memory_space<hbm>>
      %dma_wait3A_214 = arith.constant 0 : i32
      %dma_wait3A_215 = arith.constant 0 : i32
      %dma_wait3A_216 = tpu.memref_slice %arg2[%run_scoped3A_0, %arg1, %dma_wait3A_214, %dma_wait3A_215] : memref<2x16x160x125xi32, #tpu.memory_space<hbm>> -> memref<1x1x160x125xi32, #tpu.memory_space<hbm>>
      %dma_wait3A_217 = tpu.memref_squeeze %dma_wait3A_216 : memref<1x1x160x125xi32, #tpu.memory_space<hbm>> -> memref<160x125xi32, #tpu.memory_space<hbm>>
      tpu.wait_dma2 semaphore(%run_scoped3A_201 : memref<!tpu.dma_semaphore, #tpu.memory_space<semaphore_mem>>) src(%dma_wait3A_217 : memref<160x125xi32, #tpu.memory_space<hbm>>) dst(%arg9 : memref<160x125xi32, #tpu.memory_space<vmem>>)
      tpu.yield
    }) : () -> ()
    "tpu.region"() ({
      %run_scoped3A_201 = tpu.sem_alloc : memref<!tpu.dma_semaphore, #tpu.memory_space<semaphore_mem>>
      tpu.enqueue_dma source(%arg5 : memref<125x8xf32, #tpu.memory_space<hbm>>) target(%arg10 : memref<125x8xf32, #tpu.memory_space<vmem>>) target_semaphore(%run_scoped3A_201 : memref<!tpu.dma_semaphore, #tpu.memory_space<semaphore_mem>>)
      tpu.wait_dma2 semaphore(%run_scoped3A_201 : memref<!tpu.dma_semaphore, #tpu.memory_space<semaphore_mem>>) src(%arg5 : memref<125x8xf32, #tpu.memory_space<hbm>>) dst(%arg10 : memref<125x8xf32, #tpu.memory_space<vmem>>)
      tpu.yield
    }) : () -> ()
    "tpu.region"() ({
      %run_scoped3A_201 = tpu.sem_alloc : memref<!tpu.dma_semaphore, #tpu.memory_space<semaphore_mem>>
      tpu.enqueue_dma source(%arg6 : memref<8x8xf32, #tpu.memory_space<hbm>>) target(%arg26 : memref<8x8xf32, #tpu.memory_space<vmem>>) target_semaphore(%run_scoped3A_201 : memref<!tpu.dma_semaphore, #tpu.memory_space<semaphore_mem>>)
      tpu.wait_dma2 semaphore(%run_scoped3A_201 : memref<!tpu.dma_semaphore, #tpu.memory_space<semaphore_mem>>) src(%arg6 : memref<8x8xf32, #tpu.memory_space<hbm>>) dst(%arg26 : memref<8x8xf32, #tpu.memory_space<vmem>>)
      tpu.yield
    }) : () -> ()
    %scan3A = arith.constant 0 : i32
    %scan3A_1 = arith.constant 0 : i32
    %scan3A_2 = arith.constant 2 : i32
    %scan3A_3 = arith.addi %scan3A_1, %scan3A_2 : i32
    %scan3A_4 = arith.constant 1 : i32
    scf.for %scan3A_201 = %scan3A_1 to %scan3A_3 step %scan3A_4  : i32 {
      %mul3A_202 = arith.constant 16 : i32
      %mul3A_203 = arith.muli %scan3A_201, %mul3A_202 : i32
      %add3A = arith.addi %arg1, %mul3A_203 : i32
      %lt3A = arith.constant 25 : i32
      %lt3A_204 = arith.cmpi slt, %add3A, %lt3A : i32
      %convert_element_type3A = arith.extui %lt3A_204 : i1 to i32
      %cond3A = arith.constant 0 : i32
      %cond3A_205 = arith.cmpi ne, %convert_element_type3A, %cond3A : i32
      scf.if %cond3A_205 {
        %mul3A_206 = arith.constant 400 : i32
        %mul3A_207 = arith.muli %add3A, %mul3A_206 : i32
        %multiple_of3A = tpu.assume_multiple %mul3A_207, 8 : i32
        "tpu.region"() ({
          %run_scoped3A_208 = tpu.sem_alloc : memref<!tpu.dma_semaphore, #tpu.memory_space<semaphore_mem>>
          %dma_start3A_209 = arith.constant 0 : i32
          %dma_start3A_210 = tpu.memref_slice %arg27[%multiple_of3A, %dma_start3A_209] : memref<10000x8xf32, #tpu.memory_space<vmem_shared>> -> memref<400x8xf32, #tpu.memory_space<vmem_shared>>
          %dma_start3A_211 = arith.constant 0 : i32
          %dma_start3A_212 = tpu.memref_slice %arg4[%multiple_of3A, %dma_start3A_211] : memref<10000x8xf32, #tpu.memory_space<hbm>> -> memref<400x8xf32, #tpu.memory_space<hbm>>
          tpu.enqueue_dma source(%dma_start3A_212 : memref<400x8xf32, #tpu.memory_space<hbm>>) target(%dma_start3A_210 : memref<400x8xf32, #tpu.memory_space<vmem_shared>>) target_semaphore(%run_scoped3A_208 : memref<!tpu.dma_semaphore, #tpu.memory_space<semaphore_mem>>)
          %dma_wait3A_213 = arith.constant 0 : i32
          %dma_wait3A_214 = tpu.memref_slice %arg27[%multiple_of3A, %dma_wait3A_213] : memref<10000x8xf32, #tpu.memory_space<vmem_shared>> -> memref<400x8xf32, #tpu.memory_space<vmem_shared>>
          %dma_wait3A_215 = arith.constant 0 : i32
          %dma_wait3A_216 = tpu.memref_slice %arg4[%multiple_of3A, %dma_wait3A_215] : memref<10000x8xf32, #tpu.memory_space<hbm>> -> memref<400x8xf32, #tpu.memory_space<hbm>>
          tpu.wait_dma2 semaphore(%run_scoped3A_208 : memref<!tpu.dma_semaphore, #tpu.memory_space<semaphore_mem>>) src(%dma_wait3A_216 : memref<400x8xf32, #tpu.memory_space<hbm>>) dst(%dma_wait3A_214 : memref<400x8xf32, #tpu.memory_space<vmem_shared>>)
          tpu.yield
        }) : () -> ()
      } else {
      }
    }
    %scan3A_5 = arith.constant 2 : i32
    %barrier3A = arith.constant 0 : index
    tpu.barrier barrier_id(%barrier3A)
    %scan3A_6 = arith.constant 0 : i32
    %scan3A_7 = arith.constant 0 : i32
    %scan3A_8 = arith.constant 80 : i32
    %scan3A_9 = arith.addi %scan3A_7, %scan3A_8 : i32
    %scan3A_10 = arith.constant 1 : i32
    scf.for %scan3A_201 = %scan3A_7 to %scan3A_9 step %scan3A_10  : i32 {
      %mul3A_202 = arith.constant 2 : i32
      %mul3A_203 = arith.muli %mul3A_202, %scan3A_201 : i32
      %add3A = arith.constant 0 : i32
      %add3A_204 = arith.addi %mul3A_203, %add3A : i32
      %dma_start3A_205 = arith.constant 0 : i32
      %dma_start3A_206 = tpu.memref_slice %arg9[%add3A_204, %dma_start3A_205] : memref<160x125xi32, #tpu.memory_space<vmem>> -> memref<1x125xi32, #tpu.memory_space<vmem>>
      %dma_start3A_207 = tpu.memref_squeeze %dma_start3A_206 : memref<1x125xi32, #tpu.memory_space<vmem>> -> memref<125xi32, #tpu.memory_space<vmem>>
      %dma_start3A_208 = arith.constant 0 : i32
      %dma_start3A_209 = arith.constant 0 : i32
      %dma_start3A_210 = tpu.memref_slice %arg27[%dma_start3A_208, %dma_start3A_209] : memref<10000x8xf32, #tpu.memory_space<vmem_shared>> -> memref<10000x8xf32, #tpu.memory_space<vmem_shared>>
      tpu.enqueue_indirect_dma source(%arg10 : memref<125x8xf32, #tpu.memory_space<vmem>>) target(%dma_start3A_210 : memref<10000x8xf32, #tpu.memory_space<vmem_shared>>) offsets(%dma_start3A_207 : memref<125xi32, #tpu.memory_space<vmem>>) semaphore(%arg31 : memref<!tpu.dma_semaphore, #tpu.memory_space<semaphore_mem>>) {add = true}
      %ge3A = arith.constant 2 : i32
      %ge3A_211 = arith.cmpi sge, %add3A_204, %ge3A : i32
      %convert_element_type3A = arith.extui %ge3A_211 : i1 to i32
      %cond3A = arith.constant 0 : i32
      %cond3A_212 = arith.cmpi ne, %convert_element_type3A, %cond3A : i32
      scf.if %cond3A_212 {
        %sub3A = arith.constant 2 : i32
        %sub3A_228 = arith.subi %add3A_204, %sub3A : i32
        %dma_wait3A_229 = arith.constant 0 : i32
        %dma_wait3A_230 = tpu.memref_slice %arg9[%sub3A_228, %dma_wait3A_229] : memref<160x125xi32, #tpu.memory_space<vmem>> -> memref<1x125xi32, #tpu.memory_space<vmem>>
        %dma_wait3A_231 = tpu.memref_squeeze %dma_wait3A_230 : memref<1x125xi32, #tpu.memory_space<vmem>> -> memref<125xi32, #tpu.memory_space<vmem>>
        %dma_wait3A_232 = arith.constant 0 : i32
        %dma_wait3A_233 = arith.constant 0 : i32
        %dma_wait3A_234 = tpu.memref_slice %arg27[%dma_wait3A_232, %dma_wait3A_233] : memref<10000x8xf32, #tpu.memory_space<vmem_shared>> -> memref<10000x8xf32, #tpu.memory_space<vmem_shared>>
        tpu.wait_indirect_dma semaphore(%arg31 : memref<!tpu.dma_semaphore, #tpu.memory_space<semaphore_mem>>) src(%arg10 : memref<125x8xf32, #tpu.memory_space<vmem>>) dst(%dma_wait3A_234 : memref<10000x8xf32, #tpu.memory_space<vmem_shared>>)
      } else {
      }
      %mul3A_213 = arith.constant 2 : i32
      %mul3A_214 = arith.muli %mul3A_213, %scan3A_201 : i32
      %add3A_215 = arith.constant 1 : i32
      %add3A_216 = arith.addi %mul3A_214, %add3A_215 : i32
      %dma_start3A_217 = arith.constant 0 : i32
      %dma_start3A_218 = tpu.memref_slice %arg9[%add3A_216, %dma_start3A_217] : memref<160x125xi32, #tpu.memory_space<vmem>> -> memref<1x125xi32, #tpu.memory_space<vmem>>
      %dma_start3A_219 = tpu.memref_squeeze %dma_start3A_218 : memref<1x125xi32, #tpu.memory_space<vmem>> -> memref<125xi32, #tpu.memory_space<vmem>>
      %dma_start3A_220 = arith.constant 0 : i32
      %dma_start3A_221 = arith.constant 0 : i32
      %dma_start3A_222 = tpu.memref_slice %arg27[%dma_start3A_220, %dma_start3A_221] : memref<10000x8xf32, #tpu.memory_space<vmem_shared>> -> memref<10000x8xf32, #tpu.memory_space<vmem_shared>>
      tpu.enqueue_indirect_dma source(%arg10 : memref<125x8xf32, #tpu.memory_space<vmem>>) target(%dma_start3A_222 : memref<10000x8xf32, #tpu.memory_space<vmem_shared>>) offsets(%dma_start3A_219 : memref<125xi32, #tpu.memory_space<vmem>>) semaphore(%arg32 : memref<!tpu.dma_semaphore, #tpu.memory_space<semaphore_mem>>) {add = true}
      %ge3A_223 = arith.constant 2 : i32
      %ge3A_224 = arith.cmpi sge, %add3A_216, %ge3A_223 : i32
      %convert_element_type3A_225 = arith.extui %ge3A_224 : i1 to i32
      %cond3A_226 = arith.constant 0 : i32
      %cond3A_227 = arith.cmpi ne, %convert_element_type3A_225, %cond3A_226 : i32
      scf.if %cond3A_227 {
        %sub3A = arith.constant 2 : i32
        %sub3A_228 = arith.subi %add3A_216, %sub3A : i32
        %dma_wait3A_229 = arith.constant 0 : i32
        %dma_wait3A_230 = tpu.memref_slice %arg9[%sub3A_228, %dma_wait3A_229] : memref<160x125xi32, #tpu.memory_space<vmem>> -> memref<1x125xi32, #tpu.memory_space<vmem>>
        %dma_wait3A_231 = tpu.memref_squeeze %dma_wait3A_230 : memref<1x125xi32, #tpu.memory_space<vmem>> -> memref<125xi32, #tpu.memory_space<vmem>>
        %dma_wait3A_232 = arith.constant 0 : i32
        %dma_wait3A_233 = arith.constant 0 : i32
        %dma_wait3A_234 = tpu.memref_slice %arg27[%dma_wait3A_232, %dma_wait3A_233] : memref<10000x8xf32, #tpu.memory_space<vmem_shared>> -> memref<10000x8xf32, #tpu.memory_space<vmem_shared>>
        tpu.wait_indirect_dma semaphore(%arg32 : memref<!tpu.dma_semaphore, #tpu.memory_space<semaphore_mem>>) src(%arg10 : memref<125x8xf32, #tpu.memory_space<vmem>>) dst(%dma_wait3A_234 : memref<10000x8xf32, #tpu.memory_space<vmem_shared>>)
      } else {
      }
    }
    %scan3A_11 = arith.constant 80 : i32
    %dma_wait3A = arith.constant 158 : i32
    %dma_wait3A_12 = arith.constant 0 : i32
    %dma_wait3A_13 = tpu.memref_slice %arg9[%dma_wait3A, %dma_wait3A_12] : memref<160x125xi32, #tpu.memory_space<vmem>> -> memref<1x125xi32, #tpu.memory_space<vmem>>
    %dma_wait3A_14 = tpu.memref_squeeze %dma_wait3A_13 : memref<1x125xi32, #tpu.memory_space<vmem>> -> memref<125xi32, #tpu.memory_space<vmem>>
    %dma_wait3A_15 = arith.constant 0 : i32
    %dma_wait3A_16 = arith.constant 0 : i32
    %dma_wait3A_17 = tpu.memref_slice %arg27[%dma_wait3A_15, %dma_wait3A_16] : memref<10000x8xf32, #tpu.memory_space<vmem_shared>> -> memref<10000x8xf32, #tpu.memory_space<vmem_shared>>
    tpu.wait_indirect_dma semaphore(%arg31 : memref<!tpu.dma_semaphore, #tpu.memory_space<semaphore_mem>>) src(%arg10 : memref<125x8xf32, #tpu.memory_space<vmem>>) dst(%dma_wait3A_17 : memref<10000x8xf32, #tpu.memory_space<vmem_shared>>)
    %dma_wait3A_18 = arith.constant 159 : i32
    %dma_wait3A_19 = arith.constant 0 : i32
    %dma_wait3A_20 = tpu.memref_slice %arg9[%dma_wait3A_18, %dma_wait3A_19] : memref<160x125xi32, #tpu.memory_space<vmem>> -> memref<1x125xi32, #tpu.memory_space<vmem>>
    %dma_wait3A_21 = tpu.memref_squeeze %dma_wait3A_20 : memref<1x125xi32, #tpu.memory_space<vmem>> -> memref<125xi32, #tpu.memory_space<vmem>>
    %dma_wait3A_22 = arith.constant 0 : i32
    %dma_wait3A_23 = arith.constant 0 : i32
    %dma_wait3A_24 = tpu.memref_slice %arg27[%dma_wait3A_22, %dma_wait3A_23] : memref<10000x8xf32, #tpu.memory_space<vmem_shared>> -> memref<10000x8xf32, #tpu.memory_space<vmem_shared>>
    tpu.wait_indirect_dma semaphore(%arg32 : memref<!tpu.dma_semaphore, #tpu.memory_space<semaphore_mem>>) src(%arg10 : memref<125x8xf32, #tpu.memory_space<vmem>>) dst(%dma_wait3A_24 : memref<10000x8xf32, #tpu.memory_space<vmem_shared>>)
    %barrier3A_25 = arith.constant 0 : index
    tpu.barrier barrier_id(%barrier3A_25)
    %scan3A_26 = arith.constant 0 : i32
    %scan3A_27 = arith.constant 0 : i32
    %scan3A_28 = arith.constant 2 : i32
    %scan3A_29 = arith.addi %scan3A_27, %scan3A_28 : i32
    %scan3A_30 = arith.constant 1 : i32
    scf.for %scan3A_201 = %scan3A_27 to %scan3A_29 step %scan3A_30  : i32 {
      %mul3A_202 = arith.constant 16 : i32
      %mul3A_203 = arith.muli %scan3A_201, %mul3A_202 : i32
      %add3A = arith.addi %arg1, %mul3A_203 : i32
      %lt3A = arith.constant 25 : i32
      %lt3A_204 = arith.cmpi slt, %add3A, %lt3A : i32
      %convert_element_type3A = arith.extui %lt3A_204 : i1 to i32
      %cond3A = arith.constant 0 : i32
      %cond3A_205 = arith.cmpi ne, %convert_element_type3A, %cond3A : i32
      scf.if %cond3A_205 {
        %mul3A_206 = arith.constant 400 : i32
        %mul3A_207 = arith.muli %add3A, %mul3A_206 : i32
        %multiple_of3A = tpu.assume_multiple %mul3A_207, 8 : i32
        "tpu.region"() ({
          %run_scoped3A_214 = tpu.sem_alloc : memref<!tpu.dma_semaphore, #tpu.memory_space<semaphore_mem>>
          %dma_start3A_215 = arith.constant 0 : i32
          %dma_start3A_216 = tpu.memref_slice %arg27[%multiple_of3A, %dma_start3A_215] : memref<10000x8xf32, #tpu.memory_space<vmem_shared>> -> memref<400x8xf32, #tpu.memory_space<vmem_shared>>
          %dma_start3A_217 = arith.constant 0 : i32
          %dma_start3A_218 = tpu.memref_slice %arg27[%multiple_of3A, %dma_start3A_217] : memref<10000x8xf32, #tpu.memory_space<vmem_shared>> -> memref<400x8xf32, #tpu.memory_space<vmem_shared>>
          tpu.enqueue_dma source(%dma_start3A_218 : memref<400x8xf32, #tpu.memory_space<vmem_shared>>) target(%arg21 : memref<400x8xf32, #tpu.memory_space<vmem>>) target_semaphore(%run_scoped3A_214 : memref<!tpu.dma_semaphore, #tpu.memory_space<semaphore_mem>>)
          %dma_wait3A_219 = arith.constant 0 : i32
          %dma_wait3A_220 = tpu.memref_slice %arg27[%multiple_of3A, %dma_wait3A_219] : memref<10000x8xf32, #tpu.memory_space<vmem_shared>> -> memref<400x8xf32, #tpu.memory_space<vmem_shared>>
          %dma_wait3A_221 = arith.constant 0 : i32
          %dma_wait3A_222 = tpu.memref_slice %arg27[%multiple_of3A, %dma_wait3A_221] : memref<10000x8xf32, #tpu.memory_space<vmem_shared>> -> memref<400x8xf32, #tpu.memory_space<vmem_shared>>
          tpu.wait_dma2 semaphore(%run_scoped3A_214 : memref<!tpu.dma_semaphore, #tpu.memory_space<semaphore_mem>>) src(%dma_wait3A_222 : memref<400x8xf32, #tpu.memory_space<vmem_shared>>) dst(%arg21 : memref<400x8xf32, #tpu.memory_space<vmem>>)
          tpu.yield
        }) : () -> ()
        "tpu.region"() ({
          %run_scoped3A_214 = tpu.sem_alloc : memref<!tpu.dma_semaphore, #tpu.memory_space<semaphore_mem>>
          %dma_start3A_215 = arith.constant 0 : i32
          %dma_start3A_216 = tpu.memref_slice %arg3[%multiple_of3A, %dma_start3A_215] : memref<10000x8xf32, #tpu.memory_space<hbm>> -> memref<400x8xf32, #tpu.memory_space<hbm>>
          %dma_start3A_217 = arith.constant 0 : i32
          %dma_start3A_218 = tpu.memref_slice %arg3[%multiple_of3A, %dma_start3A_217] : memref<10000x8xf32, #tpu.memory_space<hbm>> -> memref<400x8xf32, #tpu.memory_space<hbm>>
          tpu.enqueue_dma source(%dma_start3A_218 : memref<400x8xf32, #tpu.memory_space<hbm>>) target(%arg22 : memref<400x8xf32, #tpu.memory_space<vmem>>) target_semaphore(%run_scoped3A_214 : memref<!tpu.dma_semaphore, #tpu.memory_space<semaphore_mem>>)
          %dma_wait3A_219 = arith.constant 0 : i32
          %dma_wait3A_220 = tpu.memref_slice %arg3[%multiple_of3A, %dma_wait3A_219] : memref<10000x8xf32, #tpu.memory_space<hbm>> -> memref<400x8xf32, #tpu.memory_space<hbm>>
          %dma_wait3A_221 = arith.constant 0 : i32
          %dma_wait3A_222 = tpu.memref_slice %arg3[%multiple_of3A, %dma_wait3A_221] : memref<10000x8xf32, #tpu.memory_space<hbm>> -> memref<400x8xf32, #tpu.memory_space<hbm>>
          tpu.wait_dma2 semaphore(%run_scoped3A_214 : memref<!tpu.dma_semaphore, #tpu.memory_space<semaphore_mem>>) src(%dma_wait3A_222 : memref<400x8xf32, #tpu.memory_space<hbm>>) dst(%arg22 : memref<400x8xf32, #tpu.memory_space<vmem>>)
          tpu.yield
        }) : () -> ()
        %scan3A_208 = arith.constant 0 : i32
        %scan3A_209 = arith.constant 0 : i32
        %scan3A_210 = arith.constant 200 : i32
        %scan3A_211 = arith.addi %scan3A_209, %scan3A_210 : i32
        %scan3A_212 = arith.constant 1 : i32
        scf.for %scan3A_214 = %scan3A_209 to %scan3A_211 step %scan3A_212  : i32 {
          %iota3A_215 = tpu.iota {dimensions = array<i32: 0>} : vector<16xi32>
          %mul3A_216 = arith.constant 2 : i32
          %mul3A_217 = arith.muli %mul3A_216, %scan3A_214 : i32
          %shift_right_arithmetic3A = arith.constant 3 : i32
          %shift_right_arithmetic3A_218 = vector.broadcast %shift_right_arithmetic3A : i32 to vector<16xi32>
          %shift_right_arithmetic3A_219 = arith.shrsi %iota3A_215, %shift_right_arithmetic3A_218 : vector<16xi32>
          %add3A_220 = vector.broadcast %mul3A_217 : i32 to vector<16xi32>
          %add3A_221 = arith.addi %add3A_220, %shift_right_arithmetic3A_219 : vector<16xi32>
          %and3A = arith.constant 7 : i32
          %and3A_222 = vector.broadcast %and3A : i32 to vector<16xi32>
          %and3A_223 = arith.andi %iota3A_215, %and3A_222 : vector<16xi32>
          %gather3A = tpu.vector_load_idx %arg21[%add3A_221, %and3A_223] : memref<400x8xf32, #tpu.memory_space<vmem>>[vector<16xi32>, vector<16xi32>], vector<16xf32>,
          %add3A_224 = arith.constant 1.000000e+00 : f32
          %add3A_225 = vector.broadcast %add3A_224 : f32 to vector<16xf32>
          %add3A_226 = arith.addf %gather3A, %add3A_225 : vector<16xf32>
          %bitcast3A = vector.bitcast %add3A_226 : vector<16xf32> to vector<16xi32>
          %shift_right_arithmetic3A_227 = arith.constant 1 : i32
          %shift_right_arithmetic3A_228 = vector.broadcast %shift_right_arithmetic3A_227 : i32 to vector<16xi32>
          %shift_right_arithmetic3A_229 = arith.shrsi %bitcast3A, %shift_right_arithmetic3A_228 : vector<16xi32>
          %sub3A = arith.constant 1597463007 : i32
          %sub3A_230 = vector.broadcast %sub3A : i32 to vector<16xi32>
          %sub3A_231 = arith.subi %sub3A_230, %shift_right_arithmetic3A_229 : vector<16xi32>
          %bitcast3A_232 = vector.bitcast %sub3A_231 : vector<16xi32> to vector<16xf32>
          %mul3A_233 = arith.constant 5.000000e-01 : f32
          %mul3A_234 = vector.broadcast %mul3A_233 : f32 to vector<16xf32>
          %mul3A_235 = arith.mulf %mul3A_234, %add3A_226 : vector<16xf32>
          %mul3A_236 = arith.mulf %mul3A_235, %bitcast3A_232 : vector<16xf32>
          %mul3A_237 = arith.mulf %mul3A_236, %bitcast3A_232 : vector<16xf32>
          %sub3A_238 = arith.constant 1.500000e+00 : f32
          %sub3A_239 = vector.broadcast %sub3A_238 : f32 to vector<16xf32>
          %sub3A_240 = arith.subf %sub3A_239, %mul3A_237 : vector<16xf32>
          %mul3A_241 = arith.mulf %bitcast3A_232, %sub3A_240 : vector<16xf32>
          %mul3A_242 = arith.constant 5.000000e-01 : f32
          %mul3A_243 = vector.broadcast %mul3A_242 : f32 to vector<16xf32>
          %mul3A_244 = arith.mulf %mul3A_243, %add3A_226 : vector<16xf32>
          %mul3A_245 = arith.mulf %mul3A_244, %mul3A_241 : vector<16xf32>
          %mul3A_246 = arith.mulf %mul3A_245, %mul3A_241 : vector<16xf32>
          %sub3A_247 = arith.constant 1.500000e+00 : f32
          %sub3A_248 = vector.broadcast %sub3A_247 : f32 to vector<16xf32>
          %sub3A_249 = arith.subf %sub3A_248, %mul3A_246 : vector<16xf32>
          %mul3A_250 = arith.mulf %mul3A_241, %sub3A_249 : vector<16xf32>
          %mul3A_251 = arith.constant 5.000000e-01 : f32
          %mul3A_252 = vector.broadcast %mul3A_251 : f32 to vector<16xf32>
          %mul3A_253 = arith.mulf %mul3A_252, %add3A_226 : vector<16xf32>
          %mul3A_254 = arith.mulf %mul3A_253, %mul3A_250 : vector<16xf32>
          %mul3A_255 = arith.mulf %mul3A_254, %mul3A_250 : vector<16xf32>
          %sub3A_256 = arith.constant 1.500000e+00 : f32
          %sub3A_257 = vector.broadcast %sub3A_256 : f32 to vector<16xf32>
          %sub3A_258 = arith.subf %sub3A_257, %mul3A_255 : vector<16xf32>
          %mul3A_259 = arith.mulf %mul3A_250, %sub3A_258 : vector<16xf32>
          %gather3A_260 = tpu.vector_load_idx %arg22[%add3A_221, %and3A_223] : memref<400x8xf32, #tpu.memory_space<vmem>>[vector<16xi32>, vector<16xi32>], vector<16xf32>,
          %mul3A_261 = arith.mulf %mul3A_259, %gather3A_260 : vector<16xf32>
          tpu.vector_store_idx %arg23[%add3A_221, %and3A_223], %mul3A_261 : memref<400x8xf32, #tpu.memory_space<vmem>>[vector<16xi32>, vector<16xi32>], vector<16xf32>,
          tpu.vector_store_idx %arg24[%add3A_221, %and3A_223], %mul3A_259 : memref<400x8xf32, #tpu.memory_space<vmem>>[vector<16xi32>, vector<16xi32>], vector<16xf32>,
        }
        %scan3A_213 = arith.constant 200 : i32
        "tpu.region"() ({
          %run_scoped3A_214 = tpu.sem_alloc : memref<!tpu.dma_semaphore, #tpu.memory_space<semaphore_mem>>
          %dma_start3A_215 = arith.constant 0 : i32
          %dma_start3A_216 = tpu.memref_slice %arg27[%multiple_of3A, %dma_start3A_215] : memref<10000x8xf32, #tpu.memory_space<vmem_shared>> -> memref<400x8xf32, #tpu.memory_space<vmem_shared>>
          %dma_start3A_217 = arith.constant 0 : i32
          %dma_start3A_218 = tpu.memref_slice %arg27[%multiple_of3A, %dma_start3A_217] : memref<10000x8xf32, #tpu.memory_space<vmem_shared>> -> memref<400x8xf32, #tpu.memory_space<vmem_shared>>
          tpu.enqueue_dma source(%arg24 : memref<400x8xf32, #tpu.memory_space<vmem>>) target(%dma_start3A_218 : memref<400x8xf32, #tpu.memory_space<vmem_shared>>) target_semaphore(%run_scoped3A_214 : memref<!tpu.dma_semaphore, #tpu.memory_space<semaphore_mem>>)
          %dma_wait3A_219 = arith.constant 0 : i32
          %dma_wait3A_220 = tpu.memref_slice %arg27[%multiple_of3A, %dma_wait3A_219] : memref<10000x8xf32, #tpu.memory_space<vmem_shared>> -> memref<400x8xf32, #tpu.memory_space<vmem_shared>>
          %dma_wait3A_221 = arith.constant 0 : i32
          %dma_wait3A_222 = tpu.memref_slice %arg27[%multiple_of3A, %dma_wait3A_221] : memref<10000x8xf32, #tpu.memory_space<vmem_shared>> -> memref<400x8xf32, #tpu.memory_space<vmem_shared>>
          tpu.wait_dma2 semaphore(%run_scoped3A_214 : memref<!tpu.dma_semaphore, #tpu.memory_space<semaphore_mem>>) src(%arg24 : memref<400x8xf32, #tpu.memory_space<vmem>>) dst(%dma_wait3A_222 : memref<400x8xf32, #tpu.memory_space<vmem_shared>>)
          tpu.yield
        }) : () -> ()
        "tpu.region"() ({
          %run_scoped3A_214 = tpu.sem_alloc : memref<!tpu.dma_semaphore, #tpu.memory_space<semaphore_mem>>
          %dma_start3A_215 = arith.constant 0 : i32
          %dma_start3A_216 = tpu.memref_slice %arg28[%multiple_of3A, %dma_start3A_215] : memref<10000x8xf32, #tpu.memory_space<vmem_shared>> -> memref<400x8xf32, #tpu.memory_space<vmem_shared>>
          %dma_start3A_217 = arith.constant 0 : i32
          %dma_start3A_218 = tpu.memref_slice %arg28[%multiple_of3A, %dma_start3A_217] : memref<10000x8xf32, #tpu.memory_space<vmem_shared>> -> memref<400x8xf32, #tpu.memory_space<vmem_shared>>
          tpu.enqueue_dma source(%arg23 : memref<400x8xf32, #tpu.memory_space<vmem>>) target(%dma_start3A_218 : memref<400x8xf32, #tpu.memory_space<vmem_shared>>) target_semaphore(%run_scoped3A_214 : memref<!tpu.dma_semaphore, #tpu.memory_space<semaphore_mem>>)
          %dma_wait3A_219 = arith.constant 0 : i32
          %dma_wait3A_220 = tpu.memref_slice %arg28[%multiple_of3A, %dma_wait3A_219] : memref<10000x8xf32, #tpu.memory_space<vmem_shared>> -> memref<400x8xf32, #tpu.memory_space<vmem_shared>>
          %dma_wait3A_221 = arith.constant 0 : i32
          %dma_wait3A_222 = tpu.memref_slice %arg28[%multiple_of3A, %dma_wait3A_221] : memref<10000x8xf32, #tpu.memory_space<vmem_shared>> -> memref<400x8xf32, #tpu.memory_space<vmem_shared>>
          tpu.wait_dma2 semaphore(%run_scoped3A_214 : memref<!tpu.dma_semaphore, #tpu.memory_space<semaphore_mem>>) src(%arg23 : memref<400x8xf32, #tpu.memory_space<vmem>>) dst(%dma_wait3A_222 : memref<400x8xf32, #tpu.memory_space<vmem_shared>>)
          tpu.yield
        }) : () -> ()
        "tpu.region"() ({
          %run_scoped3A_214 = tpu.sem_alloc : memref<!tpu.dma_semaphore, #tpu.memory_space<semaphore_mem>>
          %dma_start3A_215 = arith.constant 0 : i32
          %dma_start3A_216 = tpu.memref_slice %arg29[%multiple_of3A, %dma_start3A_215] : memref<10000x8xf32, #tpu.memory_space<vmem_shared>> -> memref<400x8xf32, #tpu.memory_space<vmem_shared>>
          %dma_start3A_217 = arith.constant 0 : i32
          %dma_start3A_218 = tpu.memref_slice %arg29[%multiple_of3A, %dma_start3A_217] : memref<10000x8xf32, #tpu.memory_space<vmem_shared>> -> memref<400x8xf32, #tpu.memory_space<vmem_shared>>
          tpu.enqueue_dma source(%arg23 : memref<400x8xf32, #tpu.memory_space<vmem>>) target(%dma_start3A_218 : memref<400x8xf32, #tpu.memory_space<vmem_shared>>) target_semaphore(%run_scoped3A_214 : memref<!tpu.dma_semaphore, #tpu.memory_space<semaphore_mem>>)
          %dma_wait3A_219 = arith.constant 0 : i32
          %dma_wait3A_220 = tpu.memref_slice %arg29[%multiple_of3A, %dma_wait3A_219] : memref<10000x8xf32, #tpu.memory_space<vmem_shared>> -> memref<400x8xf32, #tpu.memory_space<vmem_shared>>
          %dma_wait3A_221 = arith.constant 0 : i32
          %dma_wait3A_222 = tpu.memref_slice %arg29[%multiple_of3A, %dma_wait3A_221] : memref<10000x8xf32, #tpu.memory_space<vmem_shared>> -> memref<400x8xf32, #tpu.memory_space<vmem_shared>>
          tpu.wait_dma2 semaphore(%run_scoped3A_214 : memref<!tpu.dma_semaphore, #tpu.memory_space<semaphore_mem>>) src(%arg23 : memref<400x8xf32, #tpu.memory_space<vmem>>) dst(%dma_wait3A_222 : memref<400x8xf32, #tpu.memory_space<vmem_shared>>)
          tpu.yield
        }) : () -> ()
      } else {
      }
    }
    %scan3A_31 = arith.constant 2 : i32
    %barrier3A_32 = arith.constant 0 : index
    tpu.barrier barrier_id(%barrier3A_32)
    %dma_start3A = arith.constant 0 : i32
    %dma_start3A_33 = arith.constant 0 : i32
    %dma_start3A_34 = tpu.memref_slice %arg8[%dma_start3A, %dma_start3A_33] : memref<160x125xi32, #tpu.memory_space<vmem>> -> memref<1x125xi32, #tpu.memory_space<vmem>>
    %dma_start3A_35 = tpu.memref_squeeze %dma_start3A_34 : memref<1x125xi32, #tpu.memory_space<vmem>> -> memref<125xi32, #tpu.memory_space<vmem>>
    %dma_start3A_36 = arith.constant 0 : i32
    %dma_start3A_37 = arith.constant 0 : i32
    %dma_start3A_38 = tpu.memref_slice %arg28[%dma_start3A_36, %dma_start3A_37] : memref<10000x8xf32, #tpu.memory_space<vmem_shared>> -> memref<10000x8xf32, #tpu.memory_space<vmem_shared>>
    tpu.enqueue_indirect_dma source(%dma_start3A_38 : memref<10000x8xf32, #tpu.memory_space<vmem_shared>>) target(%arg11 : memref<125x8xf32, #tpu.memory_space<vmem>>) offsets(%dma_start3A_35 : memref<125xi32, #tpu.memory_space<vmem>>) semaphore(%arg33 : memref<!tpu.dma_semaphore, #tpu.memory_space<semaphore_mem>>)
    %dma_start3A_39 = arith.constant 1 : i32
    %dma_start3A_40 = arith.constant 0 : i32
    %dma_start3A_41 = tpu.memref_slice %arg8[%dma_start3A_39, %dma_start3A_40] : memref<160x125xi32, #tpu.memory_space<vmem>> -> memref<1x125xi32, #tpu.memory_space<vmem>>
    %dma_start3A_42 = tpu.memref_squeeze %dma_start3A_41 : memref<1x125xi32, #tpu.memory_space<vmem>> -> memref<125xi32, #tpu.memory_space<vmem>>
    %dma_start3A_43 = arith.constant 0 : i32
    %dma_start3A_44 = arith.constant 0 : i32
    %dma_start3A_45 = tpu.memref_slice %arg28[%dma_start3A_43, %dma_start3A_44] : memref<10000x8xf32, #tpu.memory_space<vmem_shared>> -> memref<10000x8xf32, #tpu.memory_space<vmem_shared>>
    tpu.enqueue_indirect_dma source(%dma_start3A_45 : memref<10000x8xf32, #tpu.memory_space<vmem_shared>>) target(%arg12 : memref<125x8xf32, #tpu.memory_space<vmem>>) offsets(%dma_start3A_42 : memref<125xi32, #tpu.memory_space<vmem>>) semaphore(%arg34 : memref<!tpu.dma_semaphore, #tpu.memory_space<semaphore_mem>>)
    %dma_start3A_46 = arith.constant 2 : i32
    %dma_start3A_47 = arith.constant 0 : i32
    %dma_start3A_48 = tpu.memref_slice %arg8[%dma_start3A_46, %dma_start3A_47] : memref<160x125xi32, #tpu.memory_space<vmem>> -> memref<1x125xi32, #tpu.memory_space<vmem>>
    %dma_start3A_49 = tpu.memref_squeeze %dma_start3A_48 : memref<1x125xi32, #tpu.memory_space<vmem>> -> memref<125xi32, #tpu.memory_space<vmem>>
    %dma_start3A_50 = arith.constant 0 : i32
    %dma_start3A_51 = arith.constant 0 : i32
    %dma_start3A_52 = tpu.memref_slice %arg28[%dma_start3A_50, %dma_start3A_51] : memref<10000x8xf32, #tpu.memory_space<vmem_shared>> -> memref<10000x8xf32, #tpu.memory_space<vmem_shared>>
    tpu.enqueue_indirect_dma source(%dma_start3A_52 : memref<10000x8xf32, #tpu.memory_space<vmem_shared>>) target(%arg13 : memref<125x8xf32, #tpu.memory_space<vmem>>) offsets(%dma_start3A_49 : memref<125xi32, #tpu.memory_space<vmem>>) semaphore(%arg35 : memref<!tpu.dma_semaphore, #tpu.memory_space<semaphore_mem>>)
    %dma_start3A_53 = arith.constant 3 : i32
    %dma_start3A_54 = arith.constant 0 : i32
    %dma_start3A_55 = tpu.memref_slice %arg8[%dma_start3A_53, %dma_start3A_54] : memref<160x125xi32, #tpu.memory_space<vmem>> -> memref<1x125xi32, #tpu.memory_space<vmem>>
    %dma_start3A_56 = tpu.memref_squeeze %dma_start3A_55 : memref<1x125xi32, #tpu.memory_space<vmem>> -> memref<125xi32, #tpu.memory_space<vmem>>
    %dma_start3A_57 = arith.constant 0 : i32
    %dma_start3A_58 = arith.constant 0 : i32
    %dma_start3A_59 = tpu.memref_slice %arg28[%dma_start3A_57, %dma_start3A_58] : memref<10000x8xf32, #tpu.memory_space<vmem_shared>> -> memref<10000x8xf32, #tpu.memory_space<vmem_shared>>
    tpu.enqueue_indirect_dma source(%dma_start3A_59 : memref<10000x8xf32, #tpu.memory_space<vmem_shared>>) target(%arg14 : memref<125x8xf32, #tpu.memory_space<vmem>>) offsets(%dma_start3A_56 : memref<125xi32, #tpu.memory_space<vmem>>) semaphore(%arg36 : memref<!tpu.dma_semaphore, #tpu.memory_space<semaphore_mem>>)
    %dma_start3A_60 = arith.constant 4 : i32
    %dma_start3A_61 = arith.constant 0 : i32
    %dma_start3A_62 = tpu.memref_slice %arg8[%dma_start3A_60, %dma_start3A_61] : memref<160x125xi32, #tpu.memory_space<vmem>> -> memref<1x125xi32, #tpu.memory_space<vmem>>
    %dma_start3A_63 = tpu.memref_squeeze %dma_start3A_62 : memref<1x125xi32, #tpu.memory_space<vmem>> -> memref<125xi32, #tpu.memory_space<vmem>>
    %dma_start3A_64 = arith.constant 0 : i32
    %dma_start3A_65 = arith.constant 0 : i32
    %dma_start3A_66 = tpu.memref_slice %arg28[%dma_start3A_64, %dma_start3A_65] : memref<10000x8xf32, #tpu.memory_space<vmem_shared>> -> memref<10000x8xf32, #tpu.memory_space<vmem_shared>>
    tpu.enqueue_indirect_dma source(%dma_start3A_66 : memref<10000x8xf32, #tpu.memory_space<vmem_shared>>) target(%arg15 : memref<125x8xf32, #tpu.memory_space<vmem>>) offsets(%dma_start3A_63 : memref<125xi32, #tpu.memory_space<vmem>>) semaphore(%arg37 : memref<!tpu.dma_semaphore, #tpu.memory_space<semaphore_mem>>)
    %scan3A_67 = arith.constant 0 : i32
    %scan3A_68 = arith.constant 0 : i32
    %scan3A_69 = arith.constant 16 : i32
    %scan3A_70 = arith.addi %scan3A_68, %scan3A_69 : i32
    %scan3A_71 = arith.constant 1 : i32
    scf.for %scan3A_201 = %scan3A_68 to %scan3A_70 step %scan3A_71  : i32 {
      %mul3A_202 = arith.constant 10 : i32
      %mul3A_203 = arith.muli %scan3A_201, %mul3A_202 : i32
      %add3A = arith.constant 0 : i32
      %add3A_204 = arith.addi %mul3A_203, %add3A : i32
      %dma_wait3A_205 = arith.constant 0 : i32
      %dma_wait3A_206 = tpu.memref_slice %arg8[%add3A_204, %dma_wait3A_205] : memref<160x125xi32, #tpu.memory_space<vmem>> -> memref<1x125xi32, #tpu.memory_space<vmem>>
      %dma_wait3A_207 = tpu.memref_squeeze %dma_wait3A_206 : memref<1x125xi32, #tpu.memory_space<vmem>> -> memref<125xi32, #tpu.memory_space<vmem>>
      %dma_wait3A_208 = arith.constant 0 : i32
      %dma_wait3A_209 = arith.constant 0 : i32
      %dma_wait3A_210 = tpu.memref_slice %arg28[%dma_wait3A_208, %dma_wait3A_209] : memref<10000x8xf32, #tpu.memory_space<vmem_shared>> -> memref<10000x8xf32, #tpu.memory_space<vmem_shared>>
      tpu.wait_indirect_dma semaphore(%arg33 : memref<!tpu.dma_semaphore, #tpu.memory_space<semaphore_mem>>) src(%dma_wait3A_210 : memref<10000x8xf32, #tpu.memory_space<vmem_shared>>) dst(%arg11 : memref<125x8xf32, #tpu.memory_space<vmem>>)
      %dma_start3A_211 = arith.constant 0 : i32
      %dma_start3A_212 = tpu.memref_slice %arg9[%add3A_204, %dma_start3A_211] : memref<160x125xi32, #tpu.memory_space<vmem>> -> memref<1x125xi32, #tpu.memory_space<vmem>>
      %dma_start3A_213 = tpu.memref_squeeze %dma_start3A_212 : memref<1x125xi32, #tpu.memory_space<vmem>> -> memref<125xi32, #tpu.memory_space<vmem>>
      %dma_start3A_214 = arith.constant 0 : i32
      %dma_start3A_215 = arith.constant 0 : i32
      %dma_start3A_216 = tpu.memref_slice %arg29[%dma_start3A_214, %dma_start3A_215] : memref<10000x8xf32, #tpu.memory_space<vmem_shared>> -> memref<10000x8xf32, #tpu.memory_space<vmem_shared>>
      tpu.enqueue_indirect_dma source(%arg11 : memref<125x8xf32, #tpu.memory_space<vmem>>) target(%dma_start3A_216 : memref<10000x8xf32, #tpu.memory_space<vmem_shared>>) offsets(%dma_start3A_213 : memref<125xi32, #tpu.memory_space<vmem>>) semaphore(%arg43 : memref<!tpu.dma_semaphore, #tpu.memory_space<semaphore_mem>>) {add = true}
      %ge3A = arith.constant 5 : i32
      %ge3A_217 = arith.cmpi sge, %add3A_204, %ge3A : i32
      %convert_element_type3A = arith.extui %ge3A_217 : i1 to i32
      %cond3A = arith.constant 0 : i32
      %cond3A_218 = arith.cmpi ne, %convert_element_type3A, %cond3A : i32
      scf.if %cond3A_218 {
        %sub3A = arith.constant 5 : i32
        %sub3A_477 = arith.subi %add3A_204, %sub3A : i32
        %dma_wait3A_478 = arith.constant 0 : i32
        %dma_wait3A_479 = tpu.memref_slice %arg9[%sub3A_477, %dma_wait3A_478] : memref<160x125xi32, #tpu.memory_space<vmem>> -> memref<1x125xi32, #tpu.memory_space<vmem>>
        %dma_wait3A_480 = tpu.memref_squeeze %dma_wait3A_479 : memref<1x125xi32, #tpu.memory_space<vmem>> -> memref<125xi32, #tpu.memory_space<vmem>>
        %dma_wait3A_481 = arith.constant 0 : i32
        %dma_wait3A_482 = arith.constant 0 : i32
        %dma_wait3A_483 = tpu.memref_slice %arg29[%dma_wait3A_481, %dma_wait3A_482] : memref<10000x8xf32, #tpu.memory_space<vmem_shared>> -> memref<10000x8xf32, #tpu.memory_space<vmem_shared>>
        tpu.wait_indirect_dma semaphore(%arg48 : memref<!tpu.dma_semaphore, #tpu.memory_space<semaphore_mem>>) src(%arg16 : memref<125x8xf32, #tpu.memory_space<vmem>>) dst(%dma_wait3A_483 : memref<10000x8xf32, #tpu.memory_space<vmem_shared>>)
      } else {
      }
      %add3A_219 = arith.constant 5 : i32
      %add3A_220 = arith.addi %add3A_204, %add3A_219 : i32
      %lt3A = arith.constant 160 : i32
      %lt3A_221 = arith.cmpi slt, %add3A_220, %lt3A : i32
      %convert_element_type3A_222 = arith.extui %lt3A_221 : i1 to i32
      %cond3A_223 = arith.constant 0 : i32
      %cond3A_224 = arith.cmpi ne, %convert_element_type3A_222, %cond3A_223 : i32
      scf.if %cond3A_224 {
        %add3A_477 = arith.constant 5 : i32
        %add3A_478 = arith.addi %add3A_204, %add3A_477 : i32
        %dma_start3A_479 = arith.constant 0 : i32
        %dma_start3A_480 = tpu.memref_slice %arg8[%add3A_478, %dma_start3A_479] : memref<160x125xi32, #tpu.memory_space<vmem>> -> memref<1x125xi32, #tpu.memory_space<vmem>>
        %dma_start3A_481 = tpu.memref_squeeze %dma_start3A_480 : memref<1x125xi32, #tpu.memory_space<vmem>> -> memref<125xi32, #tpu.memory_space<vmem>>
        %dma_start3A_482 = arith.constant 0 : i32
        %dma_start3A_483 = arith.constant 0 : i32
        %dma_start3A_484 = tpu.memref_slice %arg28[%dma_start3A_482, %dma_start3A_483] : memref<10000x8xf32, #tpu.memory_space<vmem_shared>> -> memref<10000x8xf32, #tpu.memory_space<vmem_shared>>
        tpu.enqueue_indirect_dma source(%dma_start3A_484 : memref<10000x8xf32, #tpu.memory_space<vmem_shared>>) target(%arg16 : memref<125x8xf32, #tpu.memory_space<vmem>>) offsets(%dma_start3A_481 : memref<125xi32, #tpu.memory_space<vmem>>) semaphore(%arg38 : memref<!tpu.dma_semaphore, #tpu.memory_space<semaphore_mem>>)
      } else {
      }
      %mul3A_225 = arith.constant 10 : i32
      %mul3A_226 = arith.muli %scan3A_201, %mul3A_225 : i32
      %add3A_227 = arith.constant 1 : i32
      %add3A_228 = arith.addi %mul3A_226, %add3A_227 : i32
      %dma_wait3A_229 = arith.constant 0 : i32
      %dma_wait3A_230 = tpu.memref_slice %arg8[%add3A_228, %dma_wait3A_229] : memref<160x125xi32, #tpu.memory_space<vmem>> -> memref<1x125xi32, #tpu.memory_space<vmem>>
      %dma_wait3A_231 = tpu.memref_squeeze %dma_wait3A_230 : memref<1x125xi32, #tpu.memory_space<vmem>> -> memref<125xi32, #tpu.memory_space<vmem>>
      %dma_wait3A_232 = arith.constant 0 : i32
      %dma_wait3A_233 = arith.constant 0 : i32
      %dma_wait3A_234 = tpu.memref_slice %arg28[%dma_wait3A_232, %dma_wait3A_233] : memref<10000x8xf32, #tpu.memory_space<vmem_shared>> -> memref<10000x8xf32, #tpu.memory_space<vmem_shared>>
      tpu.wait_indirect_dma semaphore(%arg34 : memref<!tpu.dma_semaphore, #tpu.memory_space<semaphore_mem>>) src(%dma_wait3A_234 : memref<10000x8xf32, #tpu.memory_space<vmem_shared>>) dst(%arg12 : memref<125x8xf32, #tpu.memory_space<vmem>>)
      %dma_start3A_235 = arith.constant 0 : i32
      %dma_start3A_236 = tpu.memref_slice %arg9[%add3A_228, %dma_start3A_235] : memref<160x125xi32, #tpu.memory_space<vmem>> -> memref<1x125xi32, #tpu.memory_space<vmem>>
      %dma_start3A_237 = tpu.memref_squeeze %dma_start3A_236 : memref<1x125xi32, #tpu.memory_space<vmem>> -> memref<125xi32, #tpu.memory_space<vmem>>
      %dma_start3A_238 = arith.constant 0 : i32
      %dma_start3A_239 = arith.constant 0 : i32
      %dma_start3A_240 = tpu.memref_slice %arg29[%dma_start3A_238, %dma_start3A_239] : memref<10000x8xf32, #tpu.memory_space<vmem_shared>> -> memref<10000x8xf32, #tpu.memory_space<vmem_shared>>
      tpu.enqueue_indirect_dma source(%arg12 : memref<125x8xf32, #tpu.memory_space<vmem>>) target(%dma_start3A_240 : memref<10000x8xf32, #tpu.memory_space<vmem_shared>>) offsets(%dma_start3A_237 : memref<125xi32, #tpu.memory_space<vmem>>) semaphore(%arg44 : memref<!tpu.dma_semaphore, #tpu.memory_space<semaphore_mem>>) {add = true}
      %ge3A_241 = arith.constant 5 : i32
      %ge3A_242 = arith.cmpi sge, %add3A_228, %ge3A_241 : i32
      %convert_element_type3A_243 = arith.extui %ge3A_242 : i1 to i32
      %cond3A_244 = arith.constant 0 : i32
      %cond3A_245 = arith.cmpi ne, %convert_element_type3A_243, %cond3A_244 : i32
      scf.if %cond3A_245 {
        %sub3A = arith.constant 5 : i32
        %sub3A_477 = arith.subi %add3A_228, %sub3A : i32
        %dma_wait3A_478 = arith.constant 0 : i32
        %dma_wait3A_479 = tpu.memref_slice %arg9[%sub3A_477, %dma_wait3A_478] : memref<160x125xi32, #tpu.memory_space<vmem>> -> memref<1x125xi32, #tpu.memory_space<vmem>>
        %dma_wait3A_480 = tpu.memref_squeeze %dma_wait3A_479 : memref<1x125xi32, #tpu.memory_space<vmem>> -> memref<125xi32, #tpu.memory_space<vmem>>
        %dma_wait3A_481 = arith.constant 0 : i32
        %dma_wait3A_482 = arith.constant 0 : i32
        %dma_wait3A_483 = tpu.memref_slice %arg29[%dma_wait3A_481, %dma_wait3A_482] : memref<10000x8xf32, #tpu.memory_space<vmem_shared>> -> memref<10000x8xf32, #tpu.memory_space<vmem_shared>>
        tpu.wait_indirect_dma semaphore(%arg49 : memref<!tpu.dma_semaphore, #tpu.memory_space<semaphore_mem>>) src(%arg17 : memref<125x8xf32, #tpu.memory_space<vmem>>) dst(%dma_wait3A_483 : memref<10000x8xf32, #tpu.memory_space<vmem_shared>>)
      } else {
      }
      %add3A_246 = arith.constant 5 : i32
      %add3A_247 = arith.addi %add3A_228, %add3A_246 : i32
      %lt3A_248 = arith.constant 160 : i32
      %lt3A_249 = arith.cmpi slt, %add3A_247, %lt3A_248 : i32
      %convert_element_type3A_250 = arith.extui %lt3A_249 : i1 to i32
      %cond3A_251 = arith.constant 0 : i32
      %cond3A_252 = arith.cmpi ne, %convert_element_type3A_250, %cond3A_251 : i32
      scf.if %cond3A_252 {
        %add3A_477 = arith.constant 5 : i32
        %add3A_478 = arith.addi %add3A_228, %add3A_477 : i32
        %dma_start3A_479 = arith.constant 0 : i32
        %dma_start3A_480 = tpu.memref_slice %arg8[%add3A_478, %dma_start3A_479] : memref<160x125xi32, #tpu.memory_space<vmem>> -> memref<1x125xi32, #tpu.memory_space<vmem>>
        %dma_start3A_481 = tpu.memref_squeeze %dma_start3A_480 : memref<1x125xi32, #tpu.memory_space<vmem>> -> memref<125xi32, #tpu.memory_space<vmem>>
        %dma_start3A_482 = arith.constant 0 : i32
        %dma_start3A_483 = arith.constant 0 : i32
        %dma_start3A_484 = tpu.memref_slice %arg28[%dma_start3A_482, %dma_start3A_483] : memref<10000x8xf32, #tpu.memory_space<vmem_shared>> -> memref<10000x8xf32, #tpu.memory_space<vmem_shared>>
        tpu.enqueue_indirect_dma source(%dma_start3A_484 : memref<10000x8xf32, #tpu.memory_space<vmem_shared>>) target(%arg17 : memref<125x8xf32, #tpu.memory_space<vmem>>) offsets(%dma_start3A_481 : memref<125xi32, #tpu.memory_space<vmem>>) semaphore(%arg39 : memref<!tpu.dma_semaphore, #tpu.memory_space<semaphore_mem>>)
      } else {
      }
      %mul3A_253 = arith.constant 10 : i32
      %mul3A_254 = arith.muli %scan3A_201, %mul3A_253 : i32
      %add3A_255 = arith.constant 2 : i32
      %add3A_256 = arith.addi %mul3A_254, %add3A_255 : i32
      %dma_wait3A_257 = arith.constant 0 : i32
      %dma_wait3A_258 = tpu.memref_slice %arg8[%add3A_256, %dma_wait3A_257] : memref<160x125xi32, #tpu.memory_space<vmem>> -> memref<1x125xi32, #tpu.memory_space<vmem>>
      %dma_wait3A_259 = tpu.memref_squeeze %dma_wait3A_258 : memref<1x125xi32, #tpu.memory_space<vmem>> -> memref<125xi32, #tpu.memory_space<vmem>>
      %dma_wait3A_260 = arith.constant 0 : i32
      %dma_wait3A_261 = arith.constant 0 : i32
      %dma_wait3A_262 = tpu.memref_slice %arg28[%dma_wait3A_260, %dma_wait3A_261] : memref<10000x8xf32, #tpu.memory_space<vmem_shared>> -> memref<10000x8xf32, #tpu.memory_space<vmem_shared>>
      tpu.wait_indirect_dma semaphore(%arg35 : memref<!tpu.dma_semaphore, #tpu.memory_space<semaphore_mem>>) src(%dma_wait3A_262 : memref<10000x8xf32, #tpu.memory_space<vmem_shared>>) dst(%arg13 : memref<125x8xf32, #tpu.memory_space<vmem>>)
      %dma_start3A_263 = arith.constant 0 : i32
      %dma_start3A_264 = tpu.memref_slice %arg9[%add3A_256, %dma_start3A_263] : memref<160x125xi32, #tpu.memory_space<vmem>> -> memref<1x125xi32, #tpu.memory_space<vmem>>
      %dma_start3A_265 = tpu.memref_squeeze %dma_start3A_264 : memref<1x125xi32, #tpu.memory_space<vmem>> -> memref<125xi32, #tpu.memory_space<vmem>>
      %dma_start3A_266 = arith.constant 0 : i32
      %dma_start3A_267 = arith.constant 0 : i32
      %dma_start3A_268 = tpu.memref_slice %arg29[%dma_start3A_266, %dma_start3A_267] : memref<10000x8xf32, #tpu.memory_space<vmem_shared>> -> memref<10000x8xf32, #tpu.memory_space<vmem_shared>>
      tpu.enqueue_indirect_dma source(%arg13 : memref<125x8xf32, #tpu.memory_space<vmem>>) target(%dma_start3A_268 : memref<10000x8xf32, #tpu.memory_space<vmem_shared>>) offsets(%dma_start3A_265 : memref<125xi32, #tpu.memory_space<vmem>>) semaphore(%arg45 : memref<!tpu.dma_semaphore, #tpu.memory_space<semaphore_mem>>) {add = true}
      %ge3A_269 = arith.constant 5 : i32
      %ge3A_270 = arith.cmpi sge, %add3A_256, %ge3A_269 : i32
      %convert_element_type3A_271 = arith.extui %ge3A_270 : i1 to i32
      %cond3A_272 = arith.constant 0 : i32
      %cond3A_273 = arith.cmpi ne, %convert_element_type3A_271, %cond3A_272 : i32
      scf.if %cond3A_273 {
        %sub3A = arith.constant 5 : i32
        %sub3A_477 = arith.subi %add3A_256, %sub3A : i32
        %dma_wait3A_478 = arith.constant 0 : i32
        %dma_wait3A_479 = tpu.memref_slice %arg9[%sub3A_477, %dma_wait3A_478] : memref<160x125xi32, #tpu.memory_space<vmem>> -> memref<1x125xi32, #tpu.memory_space<vmem>>
        %dma_wait3A_480 = tpu.memref_squeeze %dma_wait3A_479 : memref<1x125xi32, #tpu.memory_space<vmem>> -> memref<125xi32, #tpu.memory_space<vmem>>
        %dma_wait3A_481 = arith.constant 0 : i32
        %dma_wait3A_482 = arith.constant 0 : i32
        %dma_wait3A_483 = tpu.memref_slice %arg29[%dma_wait3A_481, %dma_wait3A_482] : memref<10000x8xf32, #tpu.memory_space<vmem_shared>> -> memref<10000x8xf32, #tpu.memory_space<vmem_shared>>
        tpu.wait_indirect_dma semaphore(%arg50 : memref<!tpu.dma_semaphore, #tpu.memory_space<semaphore_mem>>) src(%arg18 : memref<125x8xf32, #tpu.memory_space<vmem>>) dst(%dma_wait3A_483 : memref<10000x8xf32, #tpu.memory_space<vmem_shared>>)
      } else {
      }
      %add3A_274 = arith.constant 5 : i32
      %add3A_275 = arith.addi %add3A_256, %add3A_274 : i32
      %lt3A_276 = arith.constant 160 : i32
      %lt3A_277 = arith.cmpi slt, %add3A_275, %lt3A_276 : i32
      %convert_element_type3A_278 = arith.extui %lt3A_277 : i1 to i32
      %cond3A_279 = arith.constant 0 : i32
      %cond3A_280 = arith.cmpi ne, %convert_element_type3A_278, %cond3A_279 : i32
      scf.if %cond3A_280 {
        %add3A_477 = arith.constant 5 : i32
        %add3A_478 = arith.addi %add3A_256, %add3A_477 : i32
        %dma_start3A_479 = arith.constant 0 : i32
        %dma_start3A_480 = tpu.memref_slice %arg8[%add3A_478, %dma_start3A_479] : memref<160x125xi32, #tpu.memory_space<vmem>> -> memref<1x125xi32, #tpu.memory_space<vmem>>
        %dma_start3A_481 = tpu.memref_squeeze %dma_start3A_480 : memref<1x125xi32, #tpu.memory_space<vmem>> -> memref<125xi32, #tpu.memory_space<vmem>>
        %dma_start3A_482 = arith.constant 0 : i32
        %dma_start3A_483 = arith.constant 0 : i32
        %dma_start3A_484 = tpu.memref_slice %arg28[%dma_start3A_482, %dma_start3A_483] : memref<10000x8xf32, #tpu.memory_space<vmem_shared>> -> memref<10000x8xf32, #tpu.memory_space<vmem_shared>>
        tpu.enqueue_indirect_dma source(%dma_start3A_484 : memref<10000x8xf32, #tpu.memory_space<vmem_shared>>) target(%arg18 : memref<125x8xf32, #tpu.memory_space<vmem>>) offsets(%dma_start3A_481 : memref<125xi32, #tpu.memory_space<vmem>>) semaphore(%arg40 : memref<!tpu.dma_semaphore, #tpu.memory_space<semaphore_mem>>)
      } else {
      }
      %mul3A_281 = arith.constant 10 : i32
      %mul3A_282 = arith.muli %scan3A_201, %mul3A_281 : i32
      %add3A_283 = arith.constant 3 : i32
      %add3A_284 = arith.addi %mul3A_282, %add3A_283 : i32
      %dma_wait3A_285 = arith.constant 0 : i32
      %dma_wait3A_286 = tpu.memref_slice %arg8[%add3A_284, %dma_wait3A_285] : memref<160x125xi32, #tpu.memory_space<vmem>> -> memref<1x125xi32, #tpu.memory_space<vmem>>
      %dma_wait3A_287 = tpu.memref_squeeze %dma_wait3A_286 : memref<1x125xi32, #tpu.memory_space<vmem>> -> memref<125xi32, #tpu.memory_space<vmem>>
      %dma_wait3A_288 = arith.constant 0 : i32
      %dma_wait3A_289 = arith.constant 0 : i32
      %dma_wait3A_290 = tpu.memref_slice %arg28[%dma_wait3A_288, %dma_wait3A_289] : memref<10000x8xf32, #tpu.memory_space<vmem_shared>> -> memref<10000x8xf32, #tpu.memory_space<vmem_shared>>
      tpu.wait_indirect_dma semaphore(%arg36 : memref<!tpu.dma_semaphore, #tpu.memory_space<semaphore_mem>>) src(%dma_wait3A_290 : memref<10000x8xf32, #tpu.memory_space<vmem_shared>>) dst(%arg14 : memref<125x8xf32, #tpu.memory_space<vmem>>)
      %dma_start3A_291 = arith.constant 0 : i32
      %dma_start3A_292 = tpu.memref_slice %arg9[%add3A_284, %dma_start3A_291] : memref<160x125xi32, #tpu.memory_space<vmem>> -> memref<1x125xi32, #tpu.memory_space<vmem>>
      %dma_start3A_293 = tpu.memref_squeeze %dma_start3A_292 : memref<1x125xi32, #tpu.memory_space<vmem>> -> memref<125xi32, #tpu.memory_space<vmem>>
      %dma_start3A_294 = arith.constant 0 : i32
      %dma_start3A_295 = arith.constant 0 : i32
      %dma_start3A_296 = tpu.memref_slice %arg29[%dma_start3A_294, %dma_start3A_295] : memref<10000x8xf32, #tpu.memory_space<vmem_shared>> -> memref<10000x8xf32, #tpu.memory_space<vmem_shared>>
      tpu.enqueue_indirect_dma source(%arg14 : memref<125x8xf32, #tpu.memory_space<vmem>>) target(%dma_start3A_296 : memref<10000x8xf32, #tpu.memory_space<vmem_shared>>) offsets(%dma_start3A_293 : memref<125xi32, #tpu.memory_space<vmem>>) semaphore(%arg46 : memref<!tpu.dma_semaphore, #tpu.memory_space<semaphore_mem>>) {add = true}
      %ge3A_297 = arith.constant 5 : i32
      %ge3A_298 = arith.cmpi sge, %add3A_284, %ge3A_297 : i32
      %convert_element_type3A_299 = arith.extui %ge3A_298 : i1 to i32
      %cond3A_300 = arith.constant 0 : i32
      %cond3A_301 = arith.cmpi ne, %convert_element_type3A_299, %cond3A_300 : i32
      scf.if %cond3A_301 {
        %sub3A = arith.constant 5 : i32
        %sub3A_477 = arith.subi %add3A_284, %sub3A : i32
        %dma_wait3A_478 = arith.constant 0 : i32
        %dma_wait3A_479 = tpu.memref_slice %arg9[%sub3A_477, %dma_wait3A_478] : memref<160x125xi32, #tpu.memory_space<vmem>> -> memref<1x125xi32, #tpu.memory_space<vmem>>
        %dma_wait3A_480 = tpu.memref_squeeze %dma_wait3A_479 : memref<1x125xi32, #tpu.memory_space<vmem>> -> memref<125xi32, #tpu.memory_space<vmem>>
        %dma_wait3A_481 = arith.constant 0 : i32
        %dma_wait3A_482 = arith.constant 0 : i32
        %dma_wait3A_483 = tpu.memref_slice %arg29[%dma_wait3A_481, %dma_wait3A_482] : memref<10000x8xf32, #tpu.memory_space<vmem_shared>> -> memref<10000x8xf32, #tpu.memory_space<vmem_shared>>
        tpu.wait_indirect_dma semaphore(%arg51 : memref<!tpu.dma_semaphore, #tpu.memory_space<semaphore_mem>>) src(%arg19 : memref<125x8xf32, #tpu.memory_space<vmem>>) dst(%dma_wait3A_483 : memref<10000x8xf32, #tpu.memory_space<vmem_shared>>)
      } else {
      }
      %add3A_302 = arith.constant 5 : i32
      %add3A_303 = arith.addi %add3A_284, %add3A_302 : i32
      %lt3A_304 = arith.constant 160 : i32
      %lt3A_305 = arith.cmpi slt, %add3A_303, %lt3A_304 : i32
      %convert_element_type3A_306 = arith.extui %lt3A_305 : i1 to i32
      %cond3A_307 = arith.constant 0 : i32
      %cond3A_308 = arith.cmpi ne, %convert_element_type3A_306, %cond3A_307 : i32
      scf.if %cond3A_308 {
        %add3A_477 = arith.constant 5 : i32
        %add3A_478 = arith.addi %add3A_284, %add3A_477 : i32
        %dma_start3A_479 = arith.constant 0 : i32
        %dma_start3A_480 = tpu.memref_slice %arg8[%add3A_478, %dma_start3A_479] : memref<160x125xi32, #tpu.memory_space<vmem>> -> memref<1x125xi32, #tpu.memory_space<vmem>>
        %dma_start3A_481 = tpu.memref_squeeze %dma_start3A_480 : memref<1x125xi32, #tpu.memory_space<vmem>> -> memref<125xi32, #tpu.memory_space<vmem>>
        %dma_start3A_482 = arith.constant 0 : i32
        %dma_start3A_483 = arith.constant 0 : i32
        %dma_start3A_484 = tpu.memref_slice %arg28[%dma_start3A_482, %dma_start3A_483] : memref<10000x8xf32, #tpu.memory_space<vmem_shared>> -> memref<10000x8xf32, #tpu.memory_space<vmem_shared>>
        tpu.enqueue_indirect_dma source(%dma_start3A_484 : memref<10000x8xf32, #tpu.memory_space<vmem_shared>>) target(%arg19 : memref<125x8xf32, #tpu.memory_space<vmem>>) offsets(%dma_start3A_481 : memref<125xi32, #tpu.memory_space<vmem>>) semaphore(%arg41 : memref<!tpu.dma_semaphore, #tpu.memory_space<semaphore_mem>>)
      } else {
      }
      %mul3A_309 = arith.constant 10 : i32
      %mul3A_310 = arith.muli %scan3A_201, %mul3A_309 : i32
      %add3A_311 = arith.constant 4 : i32
      %add3A_312 = arith.addi %mul3A_310, %add3A_311 : i32
      %dma_wait3A_313 = arith.constant 0 : i32
      %dma_wait3A_314 = tpu.memref_slice %arg8[%add3A_312, %dma_wait3A_313] : memref<160x125xi32, #tpu.memory_space<vmem>> -> memref<1x125xi32, #tpu.memory_space<vmem>>
      %dma_wait3A_315 = tpu.memref_squeeze %dma_wait3A_314 : memref<1x125xi32, #tpu.memory_space<vmem>> -> memref<125xi32, #tpu.memory_space<vmem>>
      %dma_wait3A_316 = arith.constant 0 : i32
      %dma_wait3A_317 = arith.constant 0 : i32
      %dma_wait3A_318 = tpu.memref_slice %arg28[%dma_wait3A_316, %dma_wait3A_317] : memref<10000x8xf32, #tpu.memory_space<vmem_shared>> -> memref<10000x8xf32, #tpu.memory_space<vmem_shared>>
      tpu.wait_indirect_dma semaphore(%arg37 : memref<!tpu.dma_semaphore, #tpu.memory_space<semaphore_mem>>) src(%dma_wait3A_318 : memref<10000x8xf32, #tpu.memory_space<vmem_shared>>) dst(%arg15 : memref<125x8xf32, #tpu.memory_space<vmem>>)
      %dma_start3A_319 = arith.constant 0 : i32
      %dma_start3A_320 = tpu.memref_slice %arg9[%add3A_312, %dma_start3A_319] : memref<160x125xi32, #tpu.memory_space<vmem>> -> memref<1x125xi32, #tpu.memory_space<vmem>>
      %dma_start3A_321 = tpu.memref_squeeze %dma_start3A_320 : memref<1x125xi32, #tpu.memory_space<vmem>> -> memref<125xi32, #tpu.memory_space<vmem>>
      %dma_start3A_322 = arith.constant 0 : i32
      %dma_start3A_323 = arith.constant 0 : i32
      %dma_start3A_324 = tpu.memref_slice %arg29[%dma_start3A_322, %dma_start3A_323] : memref<10000x8xf32, #tpu.memory_space<vmem_shared>> -> memref<10000x8xf32, #tpu.memory_space<vmem_shared>>
      tpu.enqueue_indirect_dma source(%arg15 : memref<125x8xf32, #tpu.memory_space<vmem>>) target(%dma_start3A_324 : memref<10000x8xf32, #tpu.memory_space<vmem_shared>>) offsets(%dma_start3A_321 : memref<125xi32, #tpu.memory_space<vmem>>) semaphore(%arg47 : memref<!tpu.dma_semaphore, #tpu.memory_space<semaphore_mem>>) {add = true}
      %ge3A_325 = arith.constant 5 : i32
      %ge3A_326 = arith.cmpi sge, %add3A_312, %ge3A_325 : i32
      %convert_element_type3A_327 = arith.extui %ge3A_326 : i1 to i32
      %cond3A_328 = arith.constant 0 : i32
      %cond3A_329 = arith.cmpi ne, %convert_element_type3A_327, %cond3A_328 : i32
      scf.if %cond3A_329 {
        %sub3A = arith.constant 5 : i32
        %sub3A_477 = arith.subi %add3A_312, %sub3A : i32
        %dma_wait3A_478 = arith.constant 0 : i32
        %dma_wait3A_479 = tpu.memref_slice %arg9[%sub3A_477, %dma_wait3A_478] : memref<160x125xi32, #tpu.memory_space<vmem>> -> memref<1x125xi32, #tpu.memory_space<vmem>>
        %dma_wait3A_480 = tpu.memref_squeeze %dma_wait3A_479 : memref<1x125xi32, #tpu.memory_space<vmem>> -> memref<125xi32, #tpu.memory_space<vmem>>
        %dma_wait3A_481 = arith.constant 0 : i32
        %dma_wait3A_482 = arith.constant 0 : i32
        %dma_wait3A_483 = tpu.memref_slice %arg29[%dma_wait3A_481, %dma_wait3A_482] : memref<10000x8xf32, #tpu.memory_space<vmem_shared>> -> memref<10000x8xf32, #tpu.memory_space<vmem_shared>>
        tpu.wait_indirect_dma semaphore(%arg52 : memref<!tpu.dma_semaphore, #tpu.memory_space<semaphore_mem>>) src(%arg20 : memref<125x8xf32, #tpu.memory_space<vmem>>) dst(%dma_wait3A_483 : memref<10000x8xf32, #tpu.memory_space<vmem_shared>>)
      } else {
      }
      %add3A_330 = arith.constant 5 : i32
      %add3A_331 = arith.addi %add3A_312, %add3A_330 : i32
      %lt3A_332 = arith.constant 160 : i32
      %lt3A_333 = arith.cmpi slt, %add3A_331, %lt3A_332 : i32
      %convert_element_type3A_334 = arith.extui %lt3A_333 : i1 to i32
      %cond3A_335 = arith.constant 0 : i32
      %cond3A_336 = arith.cmpi ne, %convert_element_type3A_334, %cond3A_335 : i32
      scf.if %cond3A_336 {
        %add3A_477 = arith.constant 5 : i32
        %add3A_478 = arith.addi %add3A_312, %add3A_477 : i32
        %dma_start3A_479 = arith.constant 0 : i32
        %dma_start3A_480 = tpu.memref_slice %arg8[%add3A_478, %dma_start3A_479] : memref<160x125xi32, #tpu.memory_space<vmem>> -> memref<1x125xi32, #tpu.memory_space<vmem>>
        %dma_start3A_481 = tpu.memref_squeeze %dma_start3A_480 : memref<1x125xi32, #tpu.memory_space<vmem>> -> memref<125xi32, #tpu.memory_space<vmem>>
        %dma_start3A_482 = arith.constant 0 : i32
        %dma_start3A_483 = arith.constant 0 : i32
        %dma_start3A_484 = tpu.memref_slice %arg28[%dma_start3A_482, %dma_start3A_483] : memref<10000x8xf32, #tpu.memory_space<vmem_shared>> -> memref<10000x8xf32, #tpu.memory_space<vmem_shared>>
        tpu.enqueue_indirect_dma source(%dma_start3A_484 : memref<10000x8xf32, #tpu.memory_space<vmem_shared>>) target(%arg20 : memref<125x8xf32, #tpu.memory_space<vmem>>) offsets(%dma_start3A_481 : memref<125xi32, #tpu.memory_space<vmem>>) semaphore(%arg42 : memref<!tpu.dma_semaphore, #tpu.memory_space<semaphore_mem>>)
      } else {
      }
      %mul3A_337 = arith.constant 10 : i32
      %mul3A_338 = arith.muli %scan3A_201, %mul3A_337 : i32
      %add3A_339 = arith.constant 5 : i32
      %add3A_340 = arith.addi %mul3A_338, %add3A_339 : i32
      %dma_wait3A_341 = arith.constant 0 : i32
      %dma_wait3A_342 = tpu.memref_slice %arg8[%add3A_340, %dma_wait3A_341] : memref<160x125xi32, #tpu.memory_space<vmem>> -> memref<1x125xi32, #tpu.memory_space<vmem>>
      %dma_wait3A_343 = tpu.memref_squeeze %dma_wait3A_342 : memref<1x125xi32, #tpu.memory_space<vmem>> -> memref<125xi32, #tpu.memory_space<vmem>>
      %dma_wait3A_344 = arith.constant 0 : i32
      %dma_wait3A_345 = arith.constant 0 : i32
      %dma_wait3A_346 = tpu.memref_slice %arg28[%dma_wait3A_344, %dma_wait3A_345] : memref<10000x8xf32, #tpu.memory_space<vmem_shared>> -> memref<10000x8xf32, #tpu.memory_space<vmem_shared>>
      tpu.wait_indirect_dma semaphore(%arg38 : memref<!tpu.dma_semaphore, #tpu.memory_space<semaphore_mem>>) src(%dma_wait3A_346 : memref<10000x8xf32, #tpu.memory_space<vmem_shared>>) dst(%arg16 : memref<125x8xf32, #tpu.memory_space<vmem>>)
      %dma_start3A_347 = arith.constant 0 : i32
      %dma_start3A_348 = tpu.memref_slice %arg9[%add3A_340, %dma_start3A_347] : memref<160x125xi32, #tpu.memory_space<vmem>> -> memref<1x125xi32, #tpu.memory_space<vmem>>
      %dma_start3A_349 = tpu.memref_squeeze %dma_start3A_348 : memref<1x125xi32, #tpu.memory_space<vmem>> -> memref<125xi32, #tpu.memory_space<vmem>>
      %dma_start3A_350 = arith.constant 0 : i32
      %dma_start3A_351 = arith.constant 0 : i32
      %dma_start3A_352 = tpu.memref_slice %arg29[%dma_start3A_350, %dma_start3A_351] : memref<10000x8xf32, #tpu.memory_space<vmem_shared>> -> memref<10000x8xf32, #tpu.memory_space<vmem_shared>>
      tpu.enqueue_indirect_dma source(%arg16 : memref<125x8xf32, #tpu.memory_space<vmem>>) target(%dma_start3A_352 : memref<10000x8xf32, #tpu.memory_space<vmem_shared>>) offsets(%dma_start3A_349 : memref<125xi32, #tpu.memory_space<vmem>>) semaphore(%arg48 : memref<!tpu.dma_semaphore, #tpu.memory_space<semaphore_mem>>) {add = true}
      %ge3A_353 = arith.constant 5 : i32
      %ge3A_354 = arith.cmpi sge, %add3A_340, %ge3A_353 : i32
      %convert_element_type3A_355 = arith.extui %ge3A_354 : i1 to i32
      %cond3A_356 = arith.constant 0 : i32
      %cond3A_357 = arith.cmpi ne, %convert_element_type3A_355, %cond3A_356 : i32
      scf.if %cond3A_357 {
        %sub3A = arith.constant 5 : i32
        %sub3A_477 = arith.subi %add3A_340, %sub3A : i32
        %dma_wait3A_478 = arith.constant 0 : i32
        %dma_wait3A_479 = tpu.memref_slice %arg9[%sub3A_477, %dma_wait3A_478] : memref<160x125xi32, #tpu.memory_space<vmem>> -> memref<1x125xi32, #tpu.memory_space<vmem>>
        %dma_wait3A_480 = tpu.memref_squeeze %dma_wait3A_479 : memref<1x125xi32, #tpu.memory_space<vmem>> -> memref<125xi32, #tpu.memory_space<vmem>>
        %dma_wait3A_481 = arith.constant 0 : i32
        %dma_wait3A_482 = arith.constant 0 : i32
        %dma_wait3A_483 = tpu.memref_slice %arg29[%dma_wait3A_481, %dma_wait3A_482] : memref<10000x8xf32, #tpu.memory_space<vmem_shared>> -> memref<10000x8xf32, #tpu.memory_space<vmem_shared>>
        tpu.wait_indirect_dma semaphore(%arg43 : memref<!tpu.dma_semaphore, #tpu.memory_space<semaphore_mem>>) src(%arg11 : memref<125x8xf32, #tpu.memory_space<vmem>>) dst(%dma_wait3A_483 : memref<10000x8xf32, #tpu.memory_space<vmem_shared>>)
      } else {
      }
      %add3A_358 = arith.constant 5 : i32
      %add3A_359 = arith.addi %add3A_340, %add3A_358 : i32
      %lt3A_360 = arith.constant 160 : i32
      %lt3A_361 = arith.cmpi slt, %add3A_359, %lt3A_360 : i32
      %convert_element_type3A_362 = arith.extui %lt3A_361 : i1 to i32
      %cond3A_363 = arith.constant 0 : i32
      %cond3A_364 = arith.cmpi ne, %convert_element_type3A_362, %cond3A_363 : i32
      scf.if %cond3A_364 {
        %add3A_477 = arith.constant 5 : i32
        %add3A_478 = arith.addi %add3A_340, %add3A_477 : i32
        %dma_start3A_479 = arith.constant 0 : i32
        %dma_start3A_480 = tpu.memref_slice %arg8[%add3A_478, %dma_start3A_479] : memref<160x125xi32, #tpu.memory_space<vmem>> -> memref<1x125xi32, #tpu.memory_space<vmem>>
        %dma_start3A_481 = tpu.memref_squeeze %dma_start3A_480 : memref<1x125xi32, #tpu.memory_space<vmem>> -> memref<125xi32, #tpu.memory_space<vmem>>
        %dma_start3A_482 = arith.constant 0 : i32
        %dma_start3A_483 = arith.constant 0 : i32
        %dma_start3A_484 = tpu.memref_slice %arg28[%dma_start3A_482, %dma_start3A_483] : memref<10000x8xf32, #tpu.memory_space<vmem_shared>> -> memref<10000x8xf32, #tpu.memory_space<vmem_shared>>
        tpu.enqueue_indirect_dma source(%dma_start3A_484 : memref<10000x8xf32, #tpu.memory_space<vmem_shared>>) target(%arg11 : memref<125x8xf32, #tpu.memory_space<vmem>>) offsets(%dma_start3A_481 : memref<125xi32, #tpu.memory_space<vmem>>) semaphore(%arg33 : memref<!tpu.dma_semaphore, #tpu.memory_space<semaphore_mem>>)
      } else {
      }
      %mul3A_365 = arith.constant 10 : i32
      %mul3A_366 = arith.muli %scan3A_201, %mul3A_365 : i32
      %add3A_367 = arith.constant 6 : i32
      %add3A_368 = arith.addi %mul3A_366, %add3A_367 : i32
      %dma_wait3A_369 = arith.constant 0 : i32
      %dma_wait3A_370 = tpu.memref_slice %arg8[%add3A_368, %dma_wait3A_369] : memref<160x125xi32, #tpu.memory_space<vmem>> -> memref<1x125xi32, #tpu.memory_space<vmem>>
      %dma_wait3A_371 = tpu.memref_squeeze %dma_wait3A_370 : memref<1x125xi32, #tpu.memory_space<vmem>> -> memref<125xi32, #tpu.memory_space<vmem>>
      %dma_wait3A_372 = arith.constant 0 : i32
      %dma_wait3A_373 = arith.constant 0 : i32
      %dma_wait3A_374 = tpu.memref_slice %arg28[%dma_wait3A_372, %dma_wait3A_373] : memref<10000x8xf32, #tpu.memory_space<vmem_shared>> -> memref<10000x8xf32, #tpu.memory_space<vmem_shared>>
      tpu.wait_indirect_dma semaphore(%arg39 : memref<!tpu.dma_semaphore, #tpu.memory_space<semaphore_mem>>) src(%dma_wait3A_374 : memref<10000x8xf32, #tpu.memory_space<vmem_shared>>) dst(%arg17 : memref<125x8xf32, #tpu.memory_space<vmem>>)
      %dma_start3A_375 = arith.constant 0 : i32
      %dma_start3A_376 = tpu.memref_slice %arg9[%add3A_368, %dma_start3A_375] : memref<160x125xi32, #tpu.memory_space<vmem>> -> memref<1x125xi32, #tpu.memory_space<vmem>>
      %dma_start3A_377 = tpu.memref_squeeze %dma_start3A_376 : memref<1x125xi32, #tpu.memory_space<vmem>> -> memref<125xi32, #tpu.memory_space<vmem>>
      %dma_start3A_378 = arith.constant 0 : i32
      %dma_start3A_379 = arith.constant 0 : i32
      %dma_start3A_380 = tpu.memref_slice %arg29[%dma_start3A_378, %dma_start3A_379] : memref<10000x8xf32, #tpu.memory_space<vmem_shared>> -> memref<10000x8xf32, #tpu.memory_space<vmem_shared>>
      tpu.enqueue_indirect_dma source(%arg17 : memref<125x8xf32, #tpu.memory_space<vmem>>) target(%dma_start3A_380 : memref<10000x8xf32, #tpu.memory_space<vmem_shared>>) offsets(%dma_start3A_377 : memref<125xi32, #tpu.memory_space<vmem>>) semaphore(%arg49 : memref<!tpu.dma_semaphore, #tpu.memory_space<semaphore_mem>>) {add = true}
      %ge3A_381 = arith.constant 5 : i32
      %ge3A_382 = arith.cmpi sge, %add3A_368, %ge3A_381 : i32
      %convert_element_type3A_383 = arith.extui %ge3A_382 : i1 to i32
      %cond3A_384 = arith.constant 0 : i32
      %cond3A_385 = arith.cmpi ne, %convert_element_type3A_383, %cond3A_384 : i32
      scf.if %cond3A_385 {
        %sub3A = arith.constant 5 : i32
        %sub3A_477 = arith.subi %add3A_368, %sub3A : i32
        %dma_wait3A_478 = arith.constant 0 : i32
        %dma_wait3A_479 = tpu.memref_slice %arg9[%sub3A_477, %dma_wait3A_478] : memref<160x125xi32, #tpu.memory_space<vmem>> -> memref<1x125xi32, #tpu.memory_space<vmem>>
        %dma_wait3A_480 = tpu.memref_squeeze %dma_wait3A_479 : memref<1x125xi32, #tpu.memory_space<vmem>> -> memref<125xi32, #tpu.memory_space<vmem>>
        %dma_wait3A_481 = arith.constant 0 : i32
        %dma_wait3A_482 = arith.constant 0 : i32
        %dma_wait3A_483 = tpu.memref_slice %arg29[%dma_wait3A_481, %dma_wait3A_482] : memref<10000x8xf32, #tpu.memory_space<vmem_shared>> -> memref<10000x8xf32, #tpu.memory_space<vmem_shared>>
        tpu.wait_indirect_dma semaphore(%arg44 : memref<!tpu.dma_semaphore, #tpu.memory_space<semaphore_mem>>) src(%arg12 : memref<125x8xf32, #tpu.memory_space<vmem>>) dst(%dma_wait3A_483 : memref<10000x8xf32, #tpu.memory_space<vmem_shared>>)
      } else {
      }
      %add3A_386 = arith.constant 5 : i32
      %add3A_387 = arith.addi %add3A_368, %add3A_386 : i32
      %lt3A_388 = arith.constant 160 : i32
      %lt3A_389 = arith.cmpi slt, %add3A_387, %lt3A_388 : i32
      %convert_element_type3A_390 = arith.extui %lt3A_389 : i1 to i32
      %cond3A_391 = arith.constant 0 : i32
      %cond3A_392 = arith.cmpi ne, %convert_element_type3A_390, %cond3A_391 : i32
      scf.if %cond3A_392 {
        %add3A_477 = arith.constant 5 : i32
        %add3A_478 = arith.addi %add3A_368, %add3A_477 : i32
        %dma_start3A_479 = arith.constant 0 : i32
        %dma_start3A_480 = tpu.memref_slice %arg8[%add3A_478, %dma_start3A_479] : memref<160x125xi32, #tpu.memory_space<vmem>> -> memref<1x125xi32, #tpu.memory_space<vmem>>
        %dma_start3A_481 = tpu.memref_squeeze %dma_start3A_480 : memref<1x125xi32, #tpu.memory_space<vmem>> -> memref<125xi32, #tpu.memory_space<vmem>>
        %dma_start3A_482 = arith.constant 0 : i32
        %dma_start3A_483 = arith.constant 0 : i32
        %dma_start3A_484 = tpu.memref_slice %arg28[%dma_start3A_482, %dma_start3A_483] : memref<10000x8xf32, #tpu.memory_space<vmem_shared>> -> memref<10000x8xf32, #tpu.memory_space<vmem_shared>>
        tpu.enqueue_indirect_dma source(%dma_start3A_484 : memref<10000x8xf32, #tpu.memory_space<vmem_shared>>) target(%arg12 : memref<125x8xf32, #tpu.memory_space<vmem>>) offsets(%dma_start3A_481 : memref<125xi32, #tpu.memory_space<vmem>>) semaphore(%arg34 : memref<!tpu.dma_semaphore, #tpu.memory_space<semaphore_mem>>)
      } else {
      }
      %mul3A_393 = arith.constant 10 : i32
      %mul3A_394 = arith.muli %scan3A_201, %mul3A_393 : i32
      %add3A_395 = arith.constant 7 : i32
      %add3A_396 = arith.addi %mul3A_394, %add3A_395 : i32
      %dma_wait3A_397 = arith.constant 0 : i32
      %dma_wait3A_398 = tpu.memref_slice %arg8[%add3A_396, %dma_wait3A_397] : memref<160x125xi32, #tpu.memory_space<vmem>> -> memref<1x125xi32, #tpu.memory_space<vmem>>
      %dma_wait3A_399 = tpu.memref_squeeze %dma_wait3A_398 : memref<1x125xi32, #tpu.memory_space<vmem>> -> memref<125xi32, #tpu.memory_space<vmem>>
      %dma_wait3A_400 = arith.constant 0 : i32
      %dma_wait3A_401 = arith.constant 0 : i32
      %dma_wait3A_402 = tpu.memref_slice %arg28[%dma_wait3A_400, %dma_wait3A_401] : memref<10000x8xf32, #tpu.memory_space<vmem_shared>> -> memref<10000x8xf32, #tpu.memory_space<vmem_shared>>
      tpu.wait_indirect_dma semaphore(%arg40 : memref<!tpu.dma_semaphore, #tpu.memory_space<semaphore_mem>>) src(%dma_wait3A_402 : memref<10000x8xf32, #tpu.memory_space<vmem_shared>>) dst(%arg18 : memref<125x8xf32, #tpu.memory_space<vmem>>)
      %dma_start3A_403 = arith.constant 0 : i32
      %dma_start3A_404 = tpu.memref_slice %arg9[%add3A_396, %dma_start3A_403] : memref<160x125xi32, #tpu.memory_space<vmem>> -> memref<1x125xi32, #tpu.memory_space<vmem>>
      %dma_start3A_405 = tpu.memref_squeeze %dma_start3A_404 : memref<1x125xi32, #tpu.memory_space<vmem>> -> memref<125xi32, #tpu.memory_space<vmem>>
      %dma_start3A_406 = arith.constant 0 : i32
      %dma_start3A_407 = arith.constant 0 : i32
      %dma_start3A_408 = tpu.memref_slice %arg29[%dma_start3A_406, %dma_start3A_407] : memref<10000x8xf32, #tpu.memory_space<vmem_shared>> -> memref<10000x8xf32, #tpu.memory_space<vmem_shared>>
      tpu.enqueue_indirect_dma source(%arg18 : memref<125x8xf32, #tpu.memory_space<vmem>>) target(%dma_start3A_408 : memref<10000x8xf32, #tpu.memory_space<vmem_shared>>) offsets(%dma_start3A_405 : memref<125xi32, #tpu.memory_space<vmem>>) semaphore(%arg50 : memref<!tpu.dma_semaphore, #tpu.memory_space<semaphore_mem>>) {add = true}
      %ge3A_409 = arith.constant 5 : i32
      %ge3A_410 = arith.cmpi sge, %add3A_396, %ge3A_409 : i32
      %convert_element_type3A_411 = arith.extui %ge3A_410 : i1 to i32
      %cond3A_412 = arith.constant 0 : i32
      %cond3A_413 = arith.cmpi ne, %convert_element_type3A_411, %cond3A_412 : i32
      scf.if %cond3A_413 {
        %sub3A = arith.constant 5 : i32
        %sub3A_477 = arith.subi %add3A_396, %sub3A : i32
        %dma_wait3A_478 = arith.constant 0 : i32
        %dma_wait3A_479 = tpu.memref_slice %arg9[%sub3A_477, %dma_wait3A_478] : memref<160x125xi32, #tpu.memory_space<vmem>> -> memref<1x125xi32, #tpu.memory_space<vmem>>
        %dma_wait3A_480 = tpu.memref_squeeze %dma_wait3A_479 : memref<1x125xi32, #tpu.memory_space<vmem>> -> memref<125xi32, #tpu.memory_space<vmem>>
        %dma_wait3A_481 = arith.constant 0 : i32
        %dma_wait3A_482 = arith.constant 0 : i32
        %dma_wait3A_483 = tpu.memref_slice %arg29[%dma_wait3A_481, %dma_wait3A_482] : memref<10000x8xf32, #tpu.memory_space<vmem_shared>> -> memref<10000x8xf32, #tpu.memory_space<vmem_shared>>
        tpu.wait_indirect_dma semaphore(%arg45 : memref<!tpu.dma_semaphore, #tpu.memory_space<semaphore_mem>>) src(%arg13 : memref<125x8xf32, #tpu.memory_space<vmem>>) dst(%dma_wait3A_483 : memref<10000x8xf32, #tpu.memory_space<vmem_shared>>)
      } else {
      }
      %add3A_414 = arith.constant 5 : i32
      %add3A_415 = arith.addi %add3A_396, %add3A_414 : i32
      %lt3A_416 = arith.constant 160 : i32
      %lt3A_417 = arith.cmpi slt, %add3A_415, %lt3A_416 : i32
      %convert_element_type3A_418 = arith.extui %lt3A_417 : i1 to i32
      %cond3A_419 = arith.constant 0 : i32
      %cond3A_420 = arith.cmpi ne, %convert_element_type3A_418, %cond3A_419 : i32
      scf.if %cond3A_420 {
        %add3A_477 = arith.constant 5 : i32
        %add3A_478 = arith.addi %add3A_396, %add3A_477 : i32
        %dma_start3A_479 = arith.constant 0 : i32
        %dma_start3A_480 = tpu.memref_slice %arg8[%add3A_478, %dma_start3A_479] : memref<160x125xi32, #tpu.memory_space<vmem>> -> memref<1x125xi32, #tpu.memory_space<vmem>>
        %dma_start3A_481 = tpu.memref_squeeze %dma_start3A_480 : memref<1x125xi32, #tpu.memory_space<vmem>> -> memref<125xi32, #tpu.memory_space<vmem>>
        %dma_start3A_482 = arith.constant 0 : i32
        %dma_start3A_483 = arith.constant 0 : i32
        %dma_start3A_484 = tpu.memref_slice %arg28[%dma_start3A_482, %dma_start3A_483] : memref<10000x8xf32, #tpu.memory_space<vmem_shared>> -> memref<10000x8xf32, #tpu.memory_space<vmem_shared>>
        tpu.enqueue_indirect_dma source(%dma_start3A_484 : memref<10000x8xf32, #tpu.memory_space<vmem_shared>>) target(%arg13 : memref<125x8xf32, #tpu.memory_space<vmem>>) offsets(%dma_start3A_481 : memref<125xi32, #tpu.memory_space<vmem>>) semaphore(%arg35 : memref<!tpu.dma_semaphore, #tpu.memory_space<semaphore_mem>>)
      } else {
      }
      %mul3A_421 = arith.constant 10 : i32
      %mul3A_422 = arith.muli %scan3A_201, %mul3A_421 : i32
      %add3A_423 = arith.constant 8 : i32
      %add3A_424 = arith.addi %mul3A_422, %add3A_423 : i32
      %dma_wait3A_425 = arith.constant 0 : i32
      %dma_wait3A_426 = tpu.memref_slice %arg8[%add3A_424, %dma_wait3A_425] : memref<160x125xi32, #tpu.memory_space<vmem>> -> memref<1x125xi32, #tpu.memory_space<vmem>>
      %dma_wait3A_427 = tpu.memref_squeeze %dma_wait3A_426 : memref<1x125xi32, #tpu.memory_space<vmem>> -> memref<125xi32, #tpu.memory_space<vmem>>
      %dma_wait3A_428 = arith.constant 0 : i32
      %dma_wait3A_429 = arith.constant 0 : i32
      %dma_wait3A_430 = tpu.memref_slice %arg28[%dma_wait3A_428, %dma_wait3A_429] : memref<10000x8xf32, #tpu.memory_space<vmem_shared>> -> memref<10000x8xf32, #tpu.memory_space<vmem_shared>>
      tpu.wait_indirect_dma semaphore(%arg41 : memref<!tpu.dma_semaphore, #tpu.memory_space<semaphore_mem>>) src(%dma_wait3A_430 : memref<10000x8xf32, #tpu.memory_space<vmem_shared>>) dst(%arg19 : memref<125x8xf32, #tpu.memory_space<vmem>>)
      %dma_start3A_431 = arith.constant 0 : i32
      %dma_start3A_432 = tpu.memref_slice %arg9[%add3A_424, %dma_start3A_431] : memref<160x125xi32, #tpu.memory_space<vmem>> -> memref<1x125xi32, #tpu.memory_space<vmem>>
      %dma_start3A_433 = tpu.memref_squeeze %dma_start3A_432 : memref<1x125xi32, #tpu.memory_space<vmem>> -> memref<125xi32, #tpu.memory_space<vmem>>
      %dma_start3A_434 = arith.constant 0 : i32
      %dma_start3A_435 = arith.constant 0 : i32
      %dma_start3A_436 = tpu.memref_slice %arg29[%dma_start3A_434, %dma_start3A_435] : memref<10000x8xf32, #tpu.memory_space<vmem_shared>> -> memref<10000x8xf32, #tpu.memory_space<vmem_shared>>
      tpu.enqueue_indirect_dma source(%arg19 : memref<125x8xf32, #tpu.memory_space<vmem>>) target(%dma_start3A_436 : memref<10000x8xf32, #tpu.memory_space<vmem_shared>>) offsets(%dma_start3A_433 : memref<125xi32, #tpu.memory_space<vmem>>) semaphore(%arg51 : memref<!tpu.dma_semaphore, #tpu.memory_space<semaphore_mem>>) {add = true}
      %ge3A_437 = arith.constant 5 : i32
      %ge3A_438 = arith.cmpi sge, %add3A_424, %ge3A_437 : i32
      %convert_element_type3A_439 = arith.extui %ge3A_438 : i1 to i32
      %cond3A_440 = arith.constant 0 : i32
      %cond3A_441 = arith.cmpi ne, %convert_element_type3A_439, %cond3A_440 : i32
      scf.if %cond3A_441 {
        %sub3A = arith.constant 5 : i32
        %sub3A_477 = arith.subi %add3A_424, %sub3A : i32
        %dma_wait3A_478 = arith.constant 0 : i32
        %dma_wait3A_479 = tpu.memref_slice %arg9[%sub3A_477, %dma_wait3A_478] : memref<160x125xi32, #tpu.memory_space<vmem>> -> memref<1x125xi32, #tpu.memory_space<vmem>>
        %dma_wait3A_480 = tpu.memref_squeeze %dma_wait3A_479 : memref<1x125xi32, #tpu.memory_space<vmem>> -> memref<125xi32, #tpu.memory_space<vmem>>
        %dma_wait3A_481 = arith.constant 0 : i32
        %dma_wait3A_482 = arith.constant 0 : i32
        %dma_wait3A_483 = tpu.memref_slice %arg29[%dma_wait3A_481, %dma_wait3A_482] : memref<10000x8xf32, #tpu.memory_space<vmem_shared>> -> memref<10000x8xf32, #tpu.memory_space<vmem_shared>>
        tpu.wait_indirect_dma semaphore(%arg46 : memref<!tpu.dma_semaphore, #tpu.memory_space<semaphore_mem>>) src(%arg14 : memref<125x8xf32, #tpu.memory_space<vmem>>) dst(%dma_wait3A_483 : memref<10000x8xf32, #tpu.memory_space<vmem_shared>>)
      } else {
      }
      %add3A_442 = arith.constant 5 : i32
      %add3A_443 = arith.addi %add3A_424, %add3A_442 : i32
      %lt3A_444 = arith.constant 160 : i32
      %lt3A_445 = arith.cmpi slt, %add3A_443, %lt3A_444 : i32
      %convert_element_type3A_446 = arith.extui %lt3A_445 : i1 to i32
      %cond3A_447 = arith.constant 0 : i32
      %cond3A_448 = arith.cmpi ne, %convert_element_type3A_446, %cond3A_447 : i32
      scf.if %cond3A_448 {
        %add3A_477 = arith.constant 5 : i32
        %add3A_478 = arith.addi %add3A_424, %add3A_477 : i32
        %dma_start3A_479 = arith.constant 0 : i32
        %dma_start3A_480 = tpu.memref_slice %arg8[%add3A_478, %dma_start3A_479] : memref<160x125xi32, #tpu.memory_space<vmem>> -> memref<1x125xi32, #tpu.memory_space<vmem>>
        %dma_start3A_481 = tpu.memref_squeeze %dma_start3A_480 : memref<1x125xi32, #tpu.memory_space<vmem>> -> memref<125xi32, #tpu.memory_space<vmem>>
        %dma_start3A_482 = arith.constant 0 : i32
        %dma_start3A_483 = arith.constant 0 : i32
        %dma_start3A_484 = tpu.memref_slice %arg28[%dma_start3A_482, %dma_start3A_483] : memref<10000x8xf32, #tpu.memory_space<vmem_shared>> -> memref<10000x8xf32, #tpu.memory_space<vmem_shared>>
        tpu.enqueue_indirect_dma source(%dma_start3A_484 : memref<10000x8xf32, #tpu.memory_space<vmem_shared>>) target(%arg14 : memref<125x8xf32, #tpu.memory_space<vmem>>) offsets(%dma_start3A_481 : memref<125xi32, #tpu.memory_space<vmem>>) semaphore(%arg36 : memref<!tpu.dma_semaphore, #tpu.memory_space<semaphore_mem>>)
      } else {
      }
      %mul3A_449 = arith.constant 10 : i32
      %mul3A_450 = arith.muli %scan3A_201, %mul3A_449 : i32
      %add3A_451 = arith.constant 9 : i32
      %add3A_452 = arith.addi %mul3A_450, %add3A_451 : i32
      %dma_wait3A_453 = arith.constant 0 : i32
      %dma_wait3A_454 = tpu.memref_slice %arg8[%add3A_452, %dma_wait3A_453] : memref<160x125xi32, #tpu.memory_space<vmem>> -> memref<1x125xi32, #tpu.memory_space<vmem>>
      %dma_wait3A_455 = tpu.memref_squeeze %dma_wait3A_454 : memref<1x125xi32, #tpu.memory_space<vmem>> -> memref<125xi32, #tpu.memory_space<vmem>>
      %dma_wait3A_456 = arith.constant 0 : i32
      %dma_wait3A_457 = arith.constant 0 : i32
      %dma_wait3A_458 = tpu.memref_slice %arg28[%dma_wait3A_456, %dma_wait3A_457] : memref<10000x8xf32, #tpu.memory_space<vmem_shared>> -> memref<10000x8xf32, #tpu.memory_space<vmem_shared>>
      tpu.wait_indirect_dma semaphore(%arg42 : memref<!tpu.dma_semaphore, #tpu.memory_space<semaphore_mem>>) src(%dma_wait3A_458 : memref<10000x8xf32, #tpu.memory_space<vmem_shared>>) dst(%arg20 : memref<125x8xf32, #tpu.memory_space<vmem>>)
      %dma_start3A_459 = arith.constant 0 : i32
      %dma_start3A_460 = tpu.memref_slice %arg9[%add3A_452, %dma_start3A_459] : memref<160x125xi32, #tpu.memory_space<vmem>> -> memref<1x125xi32, #tpu.memory_space<vmem>>
      %dma_start3A_461 = tpu.memref_squeeze %dma_start3A_460 : memref<1x125xi32, #tpu.memory_space<vmem>> -> memref<125xi32, #tpu.memory_space<vmem>>
      %dma_start3A_462 = arith.constant 0 : i32
      %dma_start3A_463 = arith.constant 0 : i32
      %dma_start3A_464 = tpu.memref_slice %arg29[%dma_start3A_462, %dma_start3A_463] : memref<10000x8xf32, #tpu.memory_space<vmem_shared>> -> memref<10000x8xf32, #tpu.memory_space<vmem_shared>>
      tpu.enqueue_indirect_dma source(%arg20 : memref<125x8xf32, #tpu.memory_space<vmem>>) target(%dma_start3A_464 : memref<10000x8xf32, #tpu.memory_space<vmem_shared>>) offsets(%dma_start3A_461 : memref<125xi32, #tpu.memory_space<vmem>>) semaphore(%arg52 : memref<!tpu.dma_semaphore, #tpu.memory_space<semaphore_mem>>) {add = true}
      %ge3A_465 = arith.constant 5 : i32
      %ge3A_466 = arith.cmpi sge, %add3A_452, %ge3A_465 : i32
      %convert_element_type3A_467 = arith.extui %ge3A_466 : i1 to i32
      %cond3A_468 = arith.constant 0 : i32
      %cond3A_469 = arith.cmpi ne, %convert_element_type3A_467, %cond3A_468 : i32
      scf.if %cond3A_469 {
        %sub3A = arith.constant 5 : i32
        %sub3A_477 = arith.subi %add3A_452, %sub3A : i32
        %dma_wait3A_478 = arith.constant 0 : i32
        %dma_wait3A_479 = tpu.memref_slice %arg9[%sub3A_477, %dma_wait3A_478] : memref<160x125xi32, #tpu.memory_space<vmem>> -> memref<1x125xi32, #tpu.memory_space<vmem>>
        %dma_wait3A_480 = tpu.memref_squeeze %dma_wait3A_479 : memref<1x125xi32, #tpu.memory_space<vmem>> -> memref<125xi32, #tpu.memory_space<vmem>>
        %dma_wait3A_481 = arith.constant 0 : i32
        %dma_wait3A_482 = arith.constant 0 : i32
        %dma_wait3A_483 = tpu.memref_slice %arg29[%dma_wait3A_481, %dma_wait3A_482] : memref<10000x8xf32, #tpu.memory_space<vmem_shared>> -> memref<10000x8xf32, #tpu.memory_space<vmem_shared>>
        tpu.wait_indirect_dma semaphore(%arg47 : memref<!tpu.dma_semaphore, #tpu.memory_space<semaphore_mem>>) src(%arg15 : memref<125x8xf32, #tpu.memory_space<vmem>>) dst(%dma_wait3A_483 : memref<10000x8xf32, #tpu.memory_space<vmem_shared>>)
      } else {
      }
      %add3A_470 = arith.constant 5 : i32
      %add3A_471 = arith.addi %add3A_452, %add3A_470 : i32
      %lt3A_472 = arith.constant 160 : i32
      %lt3A_473 = arith.cmpi slt, %add3A_471, %lt3A_472 : i32
      %convert_element_type3A_474 = arith.extui %lt3A_473 : i1 to i32
      %cond3A_475 = arith.constant 0 : i32
      %cond3A_476 = arith.cmpi ne, %convert_element_type3A_474, %cond3A_475 : i32
      scf.if %cond3A_476 {
        %add3A_477 = arith.constant 5 : i32
        %add3A_478 = arith.addi %add3A_452, %add3A_477 : i32
        %dma_start3A_479 = arith.constant 0 : i32
        %dma_start3A_480 = tpu.memref_slice %arg8[%add3A_478, %dma_start3A_479] : memref<160x125xi32, #tpu.memory_space<vmem>> -> memref<1x125xi32, #tpu.memory_space<vmem>>
        %dma_start3A_481 = tpu.memref_squeeze %dma_start3A_480 : memref<1x125xi32, #tpu.memory_space<vmem>> -> memref<125xi32, #tpu.memory_space<vmem>>
        %dma_start3A_482 = arith.constant 0 : i32
        %dma_start3A_483 = arith.constant 0 : i32
        %dma_start3A_484 = tpu.memref_slice %arg28[%dma_start3A_482, %dma_start3A_483] : memref<10000x8xf32, #tpu.memory_space<vmem_shared>> -> memref<10000x8xf32, #tpu.memory_space<vmem_shared>>
        tpu.enqueue_indirect_dma source(%dma_start3A_484 : memref<10000x8xf32, #tpu.memory_space<vmem_shared>>) target(%arg15 : memref<125x8xf32, #tpu.memory_space<vmem>>) offsets(%dma_start3A_481 : memref<125xi32, #tpu.memory_space<vmem>>) semaphore(%arg37 : memref<!tpu.dma_semaphore, #tpu.memory_space<semaphore_mem>>)
      } else {
      }
    }
    %scan3A_72 = arith.constant 16 : i32
    %dma_wait3A_73 = arith.constant 155 : i32
    %dma_wait3A_74 = arith.constant 0 : i32
    %dma_wait3A_75 = tpu.memref_slice %arg9[%dma_wait3A_73, %dma_wait3A_74] : memref<160x125xi32, #tpu.memory_space<vmem>> -> memref<1x125xi32, #tpu.memory_space<vmem>>
    %dma_wait3A_76 = tpu.memref_squeeze %dma_wait3A_75 : memref<1x125xi32, #tpu.memory_space<vmem>> -> memref<125xi32, #tpu.memory_space<vmem>>
    %dma_wait3A_77 = arith.constant 0 : i32
    %dma_wait3A_78 = arith.constant 0 : i32
    %dma_wait3A_79 = tpu.memref_slice %arg29[%dma_wait3A_77, %dma_wait3A_78] : memref<10000x8xf32, #tpu.memory_space<vmem_shared>> -> memref<10000x8xf32, #tpu.memory_space<vmem_shared>>
    tpu.wait_indirect_dma semaphore(%arg48 : memref<!tpu.dma_semaphore, #tpu.memory_space<semaphore_mem>>) src(%arg16 : memref<125x8xf32, #tpu.memory_space<vmem>>) dst(%dma_wait3A_79 : memref<10000x8xf32, #tpu.memory_space<vmem_shared>>)
    %dma_wait3A_80 = arith.constant 156 : i32
    %dma_wait3A_81 = arith.constant 0 : i32
    %dma_wait3A_82 = tpu.memref_slice %arg9[%dma_wait3A_80, %dma_wait3A_81] : memref<160x125xi32, #tpu.memory_space<vmem>> -> memref<1x125xi32, #tpu.memory_space<vmem>>
    %dma_wait3A_83 = tpu.memref_squeeze %dma_wait3A_82 : memref<1x125xi32, #tpu.memory_space<vmem>> -> memref<125xi32, #tpu.memory_space<vmem>>
    %dma_wait3A_84 = arith.constant 0 : i32
    %dma_wait3A_85 = arith.constant 0 : i32
    %dma_wait3A_86 = tpu.memref_slice %arg29[%dma_wait3A_84, %dma_wait3A_85] : memref<10000x8xf32, #tpu.memory_space<vmem_shared>> -> memref<10000x8xf32, #tpu.memory_space<vmem_shared>>
    tpu.wait_indirect_dma semaphore(%arg49 : memref<!tpu.dma_semaphore, #tpu.memory_space<semaphore_mem>>) src(%arg17 : memref<125x8xf32, #tpu.memory_space<vmem>>) dst(%dma_wait3A_86 : memref<10000x8xf32, #tpu.memory_space<vmem_shared>>)
    %dma_wait3A_87 = arith.constant 157 : i32
    %dma_wait3A_88 = arith.constant 0 : i32
    %dma_wait3A_89 = tpu.memref_slice %arg9[%dma_wait3A_87, %dma_wait3A_88] : memref<160x125xi32, #tpu.memory_space<vmem>> -> memref<1x125xi32, #tpu.memory_space<vmem>>
    %dma_wait3A_90 = tpu.memref_squeeze %dma_wait3A_89 : memref<1x125xi32, #tpu.memory_space<vmem>> -> memref<125xi32, #tpu.memory_space<vmem>>
    %dma_wait3A_91 = arith.constant 0 : i32
    %dma_wait3A_92 = arith.constant 0 : i32
    %dma_wait3A_93 = tpu.memref_slice %arg29[%dma_wait3A_91, %dma_wait3A_92] : memref<10000x8xf32, #tpu.memory_space<vmem_shared>> -> memref<10000x8xf32, #tpu.memory_space<vmem_shared>>
    tpu.wait_indirect_dma semaphore(%arg50 : memref<!tpu.dma_semaphore, #tpu.memory_space<semaphore_mem>>) src(%arg18 : memref<125x8xf32, #tpu.memory_space<vmem>>) dst(%dma_wait3A_93 : memref<10000x8xf32, #tpu.memory_space<vmem_shared>>)
    %dma_wait3A_94 = arith.constant 158 : i32
    %dma_wait3A_95 = arith.constant 0 : i32
    %dma_wait3A_96 = tpu.memref_slice %arg9[%dma_wait3A_94, %dma_wait3A_95] : memref<160x125xi32, #tpu.memory_space<vmem>> -> memref<1x125xi32, #tpu.memory_space<vmem>>
    %dma_wait3A_97 = tpu.memref_squeeze %dma_wait3A_96 : memref<1x125xi32, #tpu.memory_space<vmem>> -> memref<125xi32, #tpu.memory_space<vmem>>
    %dma_wait3A_98 = arith.constant 0 : i32
    %dma_wait3A_99 = arith.constant 0 : i32
    %dma_wait3A_100 = tpu.memref_slice %arg29[%dma_wait3A_98, %dma_wait3A_99] : memref<10000x8xf32, #tpu.memory_space<vmem_shared>> -> memref<10000x8xf32, #tpu.memory_space<vmem_shared>>
    tpu.wait_indirect_dma semaphore(%arg51 : memref<!tpu.dma_semaphore, #tpu.memory_space<semaphore_mem>>) src(%arg19 : memref<125x8xf32, #tpu.memory_space<vmem>>) dst(%dma_wait3A_100 : memref<10000x8xf32, #tpu.memory_space<vmem_shared>>)
    %dma_wait3A_101 = arith.constant 159 : i32
    %dma_wait3A_102 = arith.constant 0 : i32
    %dma_wait3A_103 = tpu.memref_slice %arg9[%dma_wait3A_101, %dma_wait3A_102] : memref<160x125xi32, #tpu.memory_space<vmem>> -> memref<1x125xi32, #tpu.memory_space<vmem>>
    %dma_wait3A_104 = tpu.memref_squeeze %dma_wait3A_103 : memref<1x125xi32, #tpu.memory_space<vmem>> -> memref<125xi32, #tpu.memory_space<vmem>>
    %dma_wait3A_105 = arith.constant 0 : i32
    %dma_wait3A_106 = arith.constant 0 : i32
    %dma_wait3A_107 = tpu.memref_slice %arg29[%dma_wait3A_105, %dma_wait3A_106] : memref<10000x8xf32, #tpu.memory_space<vmem_shared>> -> memref<10000x8xf32, #tpu.memory_space<vmem_shared>>
    tpu.wait_indirect_dma semaphore(%arg52 : memref<!tpu.dma_semaphore, #tpu.memory_space<semaphore_mem>>) src(%arg20 : memref<125x8xf32, #tpu.memory_space<vmem>>) dst(%dma_wait3A_107 : memref<10000x8xf32, #tpu.memory_space<vmem_shared>>)
    %barrier3A_108 = arith.constant 0 : index
    tpu.barrier barrier_id(%barrier3A_108)
    %scan3A_109 = arith.constant 0 : i32
    %scan3A_110 = arith.constant 0 : i32
    %scan3A_111 = arith.constant 2 : i32
    %scan3A_112 = arith.addi %scan3A_110, %scan3A_111 : i32
    %scan3A_113 = arith.constant 1 : i32
    scf.for %scan3A_201 = %scan3A_110 to %scan3A_112 step %scan3A_113  : i32 {
      %mul3A_202 = arith.constant 16 : i32
      %mul3A_203 = arith.muli %scan3A_201, %mul3A_202 : i32
      %add3A = arith.addi %arg1, %mul3A_203 : i32
      %lt3A = arith.constant 25 : i32
      %lt3A_204 = arith.cmpi slt, %add3A, %lt3A : i32
      %convert_element_type3A = arith.extui %lt3A_204 : i1 to i32
      %cond3A = arith.constant 0 : i32
      %cond3A_205 = arith.cmpi ne, %convert_element_type3A, %cond3A : i32
      scf.if %cond3A_205 {
        %mul3A_206 = arith.constant 400 : i32
        %mul3A_207 = arith.muli %add3A, %mul3A_206 : i32
        %multiple_of3A = tpu.assume_multiple %mul3A_207, 8 : i32
        "tpu.region"() ({
          %run_scoped3A_214 = tpu.sem_alloc : memref<!tpu.dma_semaphore, #tpu.memory_space<semaphore_mem>>
          %dma_start3A_215 = arith.constant 0 : i32
          %dma_start3A_216 = tpu.memref_slice %arg29[%multiple_of3A, %dma_start3A_215] : memref<10000x8xf32, #tpu.memory_space<vmem_shared>> -> memref<400x8xf32, #tpu.memory_space<vmem_shared>>
          %dma_start3A_217 = arith.constant 0 : i32
          %dma_start3A_218 = tpu.memref_slice %arg29[%multiple_of3A, %dma_start3A_217] : memref<10000x8xf32, #tpu.memory_space<vmem_shared>> -> memref<400x8xf32, #tpu.memory_space<vmem_shared>>
          tpu.enqueue_dma source(%dma_start3A_218 : memref<400x8xf32, #tpu.memory_space<vmem_shared>>) target(%arg21 : memref<400x8xf32, #tpu.memory_space<vmem>>) target_semaphore(%run_scoped3A_214 : memref<!tpu.dma_semaphore, #tpu.memory_space<semaphore_mem>>)
          %dma_wait3A_219 = arith.constant 0 : i32
          %dma_wait3A_220 = tpu.memref_slice %arg29[%multiple_of3A, %dma_wait3A_219] : memref<10000x8xf32, #tpu.memory_space<vmem_shared>> -> memref<400x8xf32, #tpu.memory_space<vmem_shared>>
          %dma_wait3A_221 = arith.constant 0 : i32
          %dma_wait3A_222 = tpu.memref_slice %arg29[%multiple_of3A, %dma_wait3A_221] : memref<10000x8xf32, #tpu.memory_space<vmem_shared>> -> memref<400x8xf32, #tpu.memory_space<vmem_shared>>
          tpu.wait_dma2 semaphore(%run_scoped3A_214 : memref<!tpu.dma_semaphore, #tpu.memory_space<semaphore_mem>>) src(%dma_wait3A_222 : memref<400x8xf32, #tpu.memory_space<vmem_shared>>) dst(%arg21 : memref<400x8xf32, #tpu.memory_space<vmem>>)
          tpu.yield
        }) : () -> ()
        "tpu.region"() ({
          %run_scoped3A_214 = tpu.sem_alloc : memref<!tpu.dma_semaphore, #tpu.memory_space<semaphore_mem>>
          %dma_start3A_215 = arith.constant 0 : i32
          %dma_start3A_216 = tpu.memref_slice %arg27[%multiple_of3A, %dma_start3A_215] : memref<10000x8xf32, #tpu.memory_space<vmem_shared>> -> memref<400x8xf32, #tpu.memory_space<vmem_shared>>
          %dma_start3A_217 = arith.constant 0 : i32
          %dma_start3A_218 = tpu.memref_slice %arg27[%multiple_of3A, %dma_start3A_217] : memref<10000x8xf32, #tpu.memory_space<vmem_shared>> -> memref<400x8xf32, #tpu.memory_space<vmem_shared>>
          tpu.enqueue_dma source(%dma_start3A_218 : memref<400x8xf32, #tpu.memory_space<vmem_shared>>) target(%arg24 : memref<400x8xf32, #tpu.memory_space<vmem>>) target_semaphore(%run_scoped3A_214 : memref<!tpu.dma_semaphore, #tpu.memory_space<semaphore_mem>>)
          %dma_wait3A_219 = arith.constant 0 : i32
          %dma_wait3A_220 = tpu.memref_slice %arg27[%multiple_of3A, %dma_wait3A_219] : memref<10000x8xf32, #tpu.memory_space<vmem_shared>> -> memref<400x8xf32, #tpu.memory_space<vmem_shared>>
          %dma_wait3A_221 = arith.constant 0 : i32
          %dma_wait3A_222 = tpu.memref_slice %arg27[%multiple_of3A, %dma_wait3A_221] : memref<10000x8xf32, #tpu.memory_space<vmem_shared>> -> memref<400x8xf32, #tpu.memory_space<vmem_shared>>
          tpu.wait_dma2 semaphore(%run_scoped3A_214 : memref<!tpu.dma_semaphore, #tpu.memory_space<semaphore_mem>>) src(%dma_wait3A_222 : memref<400x8xf32, #tpu.memory_space<vmem_shared>>) dst(%arg24 : memref<400x8xf32, #tpu.memory_space<vmem>>)
          tpu.yield
        }) : () -> ()
        %scan3A_208 = arith.constant 0 : i32
        %scan3A_209 = arith.constant 0 : i32
        %scan3A_210 = arith.constant 200 : i32
        %scan3A_211 = arith.addi %scan3A_209, %scan3A_210 : i32
        %scan3A_212 = arith.constant 1 : i32
        scf.for %scan3A_214 = %scan3A_209 to %scan3A_211 step %scan3A_212  : i32 {
          %iota3A_215 = tpu.iota {dimensions = array<i32: 0>} : vector<16xi32>
          %mul3A_216 = arith.constant 2 : i32
          %mul3A_217 = arith.muli %mul3A_216, %scan3A_214 : i32
          %shift_right_arithmetic3A = arith.constant 3 : i32
          %shift_right_arithmetic3A_218 = vector.broadcast %shift_right_arithmetic3A : i32 to vector<16xi32>
          %shift_right_arithmetic3A_219 = arith.shrsi %iota3A_215, %shift_right_arithmetic3A_218 : vector<16xi32>
          %add3A_220 = vector.broadcast %mul3A_217 : i32 to vector<16xi32>
          %add3A_221 = arith.addi %add3A_220, %shift_right_arithmetic3A_219 : vector<16xi32>
          %and3A = arith.constant 7 : i32
          %and3A_222 = vector.broadcast %and3A : i32 to vector<16xi32>
          %and3A_223 = arith.andi %iota3A_215, %and3A_222 : vector<16xi32>
          %gather3A = tpu.vector_load_idx %arg21[%add3A_221, %and3A_223] : memref<400x8xf32, #tpu.memory_space<vmem>>[vector<16xi32>, vector<16xi32>], vector<16xf32>,
          %gather3A_224 = tpu.vector_load_idx %arg24[%add3A_221, %and3A_223] : memref<400x8xf32, #tpu.memory_space<vmem>>[vector<16xi32>, vector<16xi32>], vector<16xf32>,
          %mul3A_225 = arith.mulf %gather3A_224, %gather3A_224 : vector<16xf32>
          %mul3A_226 = arith.mulf %mul3A_225, %gather3A : vector<16xf32>
          tpu.vector_store_idx %arg23[%add3A_221, %and3A_223], %mul3A_226 : memref<400x8xf32, #tpu.memory_space<vmem>>[vector<16xi32>, vector<16xi32>], vector<16xf32>,
          %mul3A_227 = arith.mulf %gather3A_224, %gather3A : vector<16xf32>
          tpu.vector_store_idx %arg22[%add3A_221, %and3A_223], %mul3A_227 : memref<400x8xf32, #tpu.memory_space<vmem>>[vector<16xi32>, vector<16xi32>], vector<16xf32>,
        }
        %scan3A_213 = arith.constant 200 : i32
        "tpu.region"() ({
          %run_scoped3A_214 = tpu.sem_alloc : memref<!tpu.dma_semaphore, #tpu.memory_space<semaphore_mem>>
          %dma_start3A_215 = arith.constant 0 : i32
          %dma_start3A_216 = tpu.memref_slice %arg28[%multiple_of3A, %dma_start3A_215] : memref<10000x8xf32, #tpu.memory_space<vmem_shared>> -> memref<400x8xf32, #tpu.memory_space<vmem_shared>>
          %dma_start3A_217 = arith.constant 0 : i32
          %dma_start3A_218 = tpu.memref_slice %arg28[%multiple_of3A, %dma_start3A_217] : memref<10000x8xf32, #tpu.memory_space<vmem_shared>> -> memref<400x8xf32, #tpu.memory_space<vmem_shared>>
          tpu.enqueue_dma source(%arg23 : memref<400x8xf32, #tpu.memory_space<vmem>>) target(%dma_start3A_218 : memref<400x8xf32, #tpu.memory_space<vmem_shared>>) target_semaphore(%run_scoped3A_214 : memref<!tpu.dma_semaphore, #tpu.memory_space<semaphore_mem>>)
          %dma_wait3A_219 = arith.constant 0 : i32
          %dma_wait3A_220 = tpu.memref_slice %arg28[%multiple_of3A, %dma_wait3A_219] : memref<10000x8xf32, #tpu.memory_space<vmem_shared>> -> memref<400x8xf32, #tpu.memory_space<vmem_shared>>
          %dma_wait3A_221 = arith.constant 0 : i32
          %dma_wait3A_222 = tpu.memref_slice %arg28[%multiple_of3A, %dma_wait3A_221] : memref<10000x8xf32, #tpu.memory_space<vmem_shared>> -> memref<400x8xf32, #tpu.memory_space<vmem_shared>>
          tpu.wait_dma2 semaphore(%run_scoped3A_214 : memref<!tpu.dma_semaphore, #tpu.memory_space<semaphore_mem>>) src(%arg23 : memref<400x8xf32, #tpu.memory_space<vmem>>) dst(%dma_wait3A_222 : memref<400x8xf32, #tpu.memory_space<vmem_shared>>)
          tpu.yield
        }) : () -> ()
        "tpu.region"() ({
          %run_scoped3A_214 = tpu.sem_alloc : memref<!tpu.dma_semaphore, #tpu.memory_space<semaphore_mem>>
          %dma_start3A_215 = arith.constant 0 : i32
          %dma_start3A_216 = tpu.memref_slice %arg30[%multiple_of3A, %dma_start3A_215] : memref<10000x8xf32, #tpu.memory_space<vmem_shared>> -> memref<400x8xf32, #tpu.memory_space<vmem_shared>>
          %dma_start3A_217 = arith.constant 0 : i32
          %dma_start3A_218 = tpu.memref_slice %arg30[%multiple_of3A, %dma_start3A_217] : memref<10000x8xf32, #tpu.memory_space<vmem_shared>> -> memref<400x8xf32, #tpu.memory_space<vmem_shared>>
          tpu.enqueue_dma source(%arg23 : memref<400x8xf32, #tpu.memory_space<vmem>>) target(%dma_start3A_218 : memref<400x8xf32, #tpu.memory_space<vmem_shared>>) target_semaphore(%run_scoped3A_214 : memref<!tpu.dma_semaphore, #tpu.memory_space<semaphore_mem>>)
          %dma_wait3A_219 = arith.constant 0 : i32
          %dma_wait3A_220 = tpu.memref_slice %arg30[%multiple_of3A, %dma_wait3A_219] : memref<10000x8xf32, #tpu.memory_space<vmem_shared>> -> memref<400x8xf32, #tpu.memory_space<vmem_shared>>
          %dma_wait3A_221 = arith.constant 0 : i32
          %dma_wait3A_222 = tpu.memref_slice %arg30[%multiple_of3A, %dma_wait3A_221] : memref<10000x8xf32, #tpu.memory_space<vmem_shared>> -> memref<400x8xf32, #tpu.memory_space<vmem_shared>>
          tpu.wait_dma2 semaphore(%run_scoped3A_214 : memref<!tpu.dma_semaphore, #tpu.memory_space<semaphore_mem>>) src(%arg23 : memref<400x8xf32, #tpu.memory_space<vmem>>) dst(%dma_wait3A_222 : memref<400x8xf32, #tpu.memory_space<vmem_shared>>)
          tpu.yield
        }) : () -> ()
        "tpu.region"() ({
          %run_scoped3A_214 = tpu.sem_alloc : memref<!tpu.dma_semaphore, #tpu.memory_space<semaphore_mem>>
          %dma_start3A_215 = arith.constant 0 : i32
          %dma_start3A_216 = tpu.memref_slice %arg29[%multiple_of3A, %dma_start3A_215] : memref<10000x8xf32, #tpu.memory_space<vmem_shared>> -> memref<400x8xf32, #tpu.memory_space<vmem_shared>>
          %dma_start3A_217 = arith.constant 0 : i32
          %dma_start3A_218 = tpu.memref_slice %arg29[%multiple_of3A, %dma_start3A_217] : memref<10000x8xf32, #tpu.memory_space<vmem_shared>> -> memref<400x8xf32, #tpu.memory_space<vmem_shared>>
          tpu.enqueue_dma source(%arg22 : memref<400x8xf32, #tpu.memory_space<vmem>>) target(%dma_start3A_218 : memref<400x8xf32, #tpu.memory_space<vmem_shared>>) target_semaphore(%run_scoped3A_214 : memref<!tpu.dma_semaphore, #tpu.memory_space<semaphore_mem>>)
          %dma_wait3A_219 = arith.constant 0 : i32
          %dma_wait3A_220 = tpu.memref_slice %arg29[%multiple_of3A, %dma_wait3A_219] : memref<10000x8xf32, #tpu.memory_space<vmem_shared>> -> memref<400x8xf32, #tpu.memory_space<vmem_shared>>
          %dma_wait3A_221 = arith.constant 0 : i32
          %dma_wait3A_222 = tpu.memref_slice %arg29[%multiple_of3A, %dma_wait3A_221] : memref<10000x8xf32, #tpu.memory_space<vmem_shared>> -> memref<400x8xf32, #tpu.memory_space<vmem_shared>>
          tpu.wait_dma2 semaphore(%run_scoped3A_214 : memref<!tpu.dma_semaphore, #tpu.memory_space<semaphore_mem>>) src(%arg22 : memref<400x8xf32, #tpu.memory_space<vmem>>) dst(%dma_wait3A_222 : memref<400x8xf32, #tpu.memory_space<vmem_shared>>)
          tpu.yield
        }) : () -> ()
      } else {
      }
    }
    %scan3A_114 = arith.constant 2 : i32
    %barrier3A_115 = arith.constant 0 : index
    tpu.barrier barrier_id(%barrier3A_115)
    %dma_start3A_116 = arith.constant 0 : i32
    %dma_start3A_117 = arith.constant 0 : i32
    %dma_start3A_118 = tpu.memref_slice %arg8[%dma_start3A_116, %dma_start3A_117] : memref<160x125xi32, #tpu.memory_space<vmem>> -> memref<1x125xi32, #tpu.memory_space<vmem>>
    %dma_start3A_119 = tpu.memref_squeeze %dma_start3A_118 : memref<1x125xi32, #tpu.memory_space<vmem>> -> memref<125xi32, #tpu.memory_space<vmem>>
    %dma_start3A_120 = arith.constant 0 : i32
    %dma_start3A_121 = arith.constant 0 : i32
    %dma_start3A_122 = tpu.memref_slice %arg28[%dma_start3A_120, %dma_start3A_121] : memref<10000x8xf32, #tpu.memory_space<vmem_shared>> -> memref<10000x8xf32, #tpu.memory_space<vmem_shared>>
    tpu.enqueue_indirect_dma source(%dma_start3A_122 : memref<10000x8xf32, #tpu.memory_space<vmem_shared>>) target(%arg11 : memref<125x8xf32, #tpu.memory_space<vmem>>) offsets(%dma_start3A_119 : memref<125xi32, #tpu.memory_space<vmem>>) semaphore(%arg33 : memref<!tpu.dma_semaphore, #tpu.memory_space<semaphore_mem>>)
    %dma_start3A_123 = arith.constant 1 : i32
    %dma_start3A_124 = arith.constant 0 : i32
    %dma_start3A_125 = tpu.memref_slice %arg8[%dma_start3A_123, %dma_start3A_124] : memref<160x125xi32, #tpu.memory_space<vmem>> -> memref<1x125xi32, #tpu.memory_space<vmem>>
    %dma_start3A_126 = tpu.memref_squeeze %dma_start3A_125 : memref<1x125xi32, #tpu.memory_space<vmem>> -> memref<125xi32, #tpu.memory_space<vmem>>
    %dma_start3A_127 = arith.constant 0 : i32
    %dma_start3A_128 = arith.constant 0 : i32
    %dma_start3A_129 = tpu.memref_slice %arg28[%dma_start3A_127, %dma_start3A_128] : memref<10000x8xf32, #tpu.memory_space<vmem_shared>> -> memref<10000x8xf32, #tpu.memory_space<vmem_shared>>
    tpu.enqueue_indirect_dma source(%dma_start3A_129 : memref<10000x8xf32, #tpu.memory_space<vmem_shared>>) target(%arg12 : memref<125x8xf32, #tpu.memory_space<vmem>>) offsets(%dma_start3A_126 : memref<125xi32, #tpu.memory_space<vmem>>) semaphore(%arg34 : memref<!tpu.dma_semaphore, #tpu.memory_space<semaphore_mem>>)
    %dma_start3A_130 = arith.constant 2 : i32
    %dma_start3A_131 = arith.constant 0 : i32
    %dma_start3A_132 = tpu.memref_slice %arg8[%dma_start3A_130, %dma_start3A_131] : memref<160x125xi32, #tpu.memory_space<vmem>> -> memref<1x125xi32, #tpu.memory_space<vmem>>
    %dma_start3A_133 = tpu.memref_squeeze %dma_start3A_132 : memref<1x125xi32, #tpu.memory_space<vmem>> -> memref<125xi32, #tpu.memory_space<vmem>>
    %dma_start3A_134 = arith.constant 0 : i32
    %dma_start3A_135 = arith.constant 0 : i32
    %dma_start3A_136 = tpu.memref_slice %arg28[%dma_start3A_134, %dma_start3A_135] : memref<10000x8xf32, #tpu.memory_space<vmem_shared>> -> memref<10000x8xf32, #tpu.memory_space<vmem_shared>>
    tpu.enqueue_indirect_dma source(%dma_start3A_136 : memref<10000x8xf32, #tpu.memory_space<vmem_shared>>) target(%arg13 : memref<125x8xf32, #tpu.memory_space<vmem>>) offsets(%dma_start3A_133 : memref<125xi32, #tpu.memory_space<vmem>>) semaphore(%arg35 : memref<!tpu.dma_semaphore, #tpu.memory_space<semaphore_mem>>)
    %dma_start3A_137 = arith.constant 3 : i32
    %dma_start3A_138 = arith.constant 0 : i32
    %dma_start3A_139 = tpu.memref_slice %arg8[%dma_start3A_137, %dma_start3A_138] : memref<160x125xi32, #tpu.memory_space<vmem>> -> memref<1x125xi32, #tpu.memory_space<vmem>>
    %dma_start3A_140 = tpu.memref_squeeze %dma_start3A_139 : memref<1x125xi32, #tpu.memory_space<vmem>> -> memref<125xi32, #tpu.memory_space<vmem>>
    %dma_start3A_141 = arith.constant 0 : i32
    %dma_start3A_142 = arith.constant 0 : i32
    %dma_start3A_143 = tpu.memref_slice %arg28[%dma_start3A_141, %dma_start3A_142] : memref<10000x8xf32, #tpu.memory_space<vmem_shared>> -> memref<10000x8xf32, #tpu.memory_space<vmem_shared>>
    tpu.enqueue_indirect_dma source(%dma_start3A_143 : memref<10000x8xf32, #tpu.memory_space<vmem_shared>>) target(%arg14 : memref<125x8xf32, #tpu.memory_space<vmem>>) offsets(%dma_start3A_140 : memref<125xi32, #tpu.memory_space<vmem>>) semaphore(%arg36 : memref<!tpu.dma_semaphore, #tpu.memory_space<semaphore_mem>>)
    %dma_start3A_144 = arith.constant 4 : i32
    %dma_start3A_145 = arith.constant 0 : i32
    %dma_start3A_146 = tpu.memref_slice %arg8[%dma_start3A_144, %dma_start3A_145] : memref<160x125xi32, #tpu.memory_space<vmem>> -> memref<1x125xi32, #tpu.memory_space<vmem>>
    %dma_start3A_147 = tpu.memref_squeeze %dma_start3A_146 : memref<1x125xi32, #tpu.memory_space<vmem>> -> memref<125xi32, #tpu.memory_space<vmem>>
    %dma_start3A_148 = arith.constant 0 : i32
    %dma_start3A_149 = arith.constant 0 : i32
    %dma_start3A_150 = tpu.memref_slice %arg28[%dma_start3A_148, %dma_start3A_149] : memref<10000x8xf32, #tpu.memory_space<vmem_shared>> -> memref<10000x8xf32, #tpu.memory_space<vmem_shared>>
    tpu.enqueue_indirect_dma source(%dma_start3A_150 : memref<10000x8xf32, #tpu.memory_space<vmem_shared>>) target(%arg15 : memref<125x8xf32, #tpu.memory_space<vmem>>) offsets(%dma_start3A_147 : memref<125xi32, #tpu.memory_space<vmem>>) semaphore(%arg37 : memref<!tpu.dma_semaphore, #tpu.memory_space<semaphore_mem>>)
    %scan3A_151 = arith.constant 0 : i32
    %scan3A_152 = arith.constant 0 : i32
    %scan3A_153 = arith.constant 16 : i32
    %scan3A_154 = arith.addi %scan3A_152, %scan3A_153 : i32
    %scan3A_155 = arith.constant 1 : i32
    scf.for %scan3A_201 = %scan3A_152 to %scan3A_154 step %scan3A_155  : i32 {
      %mul3A_202 = arith.constant 10 : i32
      %mul3A_203 = arith.muli %scan3A_201, %mul3A_202 : i32
      %add3A = arith.constant 0 : i32
      %add3A_204 = arith.addi %mul3A_203, %add3A : i32
      %dma_wait3A_205 = arith.constant 0 : i32
      %dma_wait3A_206 = tpu.memref_slice %arg8[%add3A_204, %dma_wait3A_205] : memref<160x125xi32, #tpu.memory_space<vmem>> -> memref<1x125xi32, #tpu.memory_space<vmem>>
      %dma_wait3A_207 = tpu.memref_squeeze %dma_wait3A_206 : memref<1x125xi32, #tpu.memory_space<vmem>> -> memref<125xi32, #tpu.memory_space<vmem>>
      %dma_wait3A_208 = arith.constant 0 : i32
      %dma_wait3A_209 = arith.constant 0 : i32
      %dma_wait3A_210 = tpu.memref_slice %arg28[%dma_wait3A_208, %dma_wait3A_209] : memref<10000x8xf32, #tpu.memory_space<vmem_shared>> -> memref<10000x8xf32, #tpu.memory_space<vmem_shared>>
      tpu.wait_indirect_dma semaphore(%arg33 : memref<!tpu.dma_semaphore, #tpu.memory_space<semaphore_mem>>) src(%dma_wait3A_210 : memref<10000x8xf32, #tpu.memory_space<vmem_shared>>) dst(%arg11 : memref<125x8xf32, #tpu.memory_space<vmem>>)
      %dma_start3A_211 = arith.constant 0 : i32
      %dma_start3A_212 = tpu.memref_slice %arg9[%add3A_204, %dma_start3A_211] : memref<160x125xi32, #tpu.memory_space<vmem>> -> memref<1x125xi32, #tpu.memory_space<vmem>>
      %dma_start3A_213 = tpu.memref_squeeze %dma_start3A_212 : memref<1x125xi32, #tpu.memory_space<vmem>> -> memref<125xi32, #tpu.memory_space<vmem>>
      %dma_start3A_214 = arith.constant 0 : i32
      %dma_start3A_215 = arith.constant 0 : i32
      %dma_start3A_216 = tpu.memref_slice %arg30[%dma_start3A_214, %dma_start3A_215] : memref<10000x8xf32, #tpu.memory_space<vmem_shared>> -> memref<10000x8xf32, #tpu.memory_space<vmem_shared>>
      tpu.enqueue_indirect_dma source(%arg11 : memref<125x8xf32, #tpu.memory_space<vmem>>) target(%dma_start3A_216 : memref<10000x8xf32, #tpu.memory_space<vmem_shared>>) offsets(%dma_start3A_213 : memref<125xi32, #tpu.memory_space<vmem>>) semaphore(%arg43 : memref<!tpu.dma_semaphore, #tpu.memory_space<semaphore_mem>>) {add = true}
      %ge3A = arith.constant 5 : i32
      %ge3A_217 = arith.cmpi sge, %add3A_204, %ge3A : i32
      %convert_element_type3A = arith.extui %ge3A_217 : i1 to i32
      %cond3A = arith.constant 0 : i32
      %cond3A_218 = arith.cmpi ne, %convert_element_type3A, %cond3A : i32
      scf.if %cond3A_218 {
        %sub3A = arith.constant 5 : i32
        %sub3A_477 = arith.subi %add3A_204, %sub3A : i32
        %dma_wait3A_478 = arith.constant 0 : i32
        %dma_wait3A_479 = tpu.memref_slice %arg9[%sub3A_477, %dma_wait3A_478] : memref<160x125xi32, #tpu.memory_space<vmem>> -> memref<1x125xi32, #tpu.memory_space<vmem>>
        %dma_wait3A_480 = tpu.memref_squeeze %dma_wait3A_479 : memref<1x125xi32, #tpu.memory_space<vmem>> -> memref<125xi32, #tpu.memory_space<vmem>>
        %dma_wait3A_481 = arith.constant 0 : i32
        %dma_wait3A_482 = arith.constant 0 : i32
        %dma_wait3A_483 = tpu.memref_slice %arg30[%dma_wait3A_481, %dma_wait3A_482] : memref<10000x8xf32, #tpu.memory_space<vmem_shared>> -> memref<10000x8xf32, #tpu.memory_space<vmem_shared>>
        tpu.wait_indirect_dma semaphore(%arg48 : memref<!tpu.dma_semaphore, #tpu.memory_space<semaphore_mem>>) src(%arg16 : memref<125x8xf32, #tpu.memory_space<vmem>>) dst(%dma_wait3A_483 : memref<10000x8xf32, #tpu.memory_space<vmem_shared>>)
      } else {
      }
      %add3A_219 = arith.constant 5 : i32
      %add3A_220 = arith.addi %add3A_204, %add3A_219 : i32
      %lt3A = arith.constant 160 : i32
      %lt3A_221 = arith.cmpi slt, %add3A_220, %lt3A : i32
      %convert_element_type3A_222 = arith.extui %lt3A_221 : i1 to i32
      %cond3A_223 = arith.constant 0 : i32
      %cond3A_224 = arith.cmpi ne, %convert_element_type3A_222, %cond3A_223 : i32
      scf.if %cond3A_224 {
        %add3A_477 = arith.constant 5 : i32
        %add3A_478 = arith.addi %add3A_204, %add3A_477 : i32
        %dma_start3A_479 = arith.constant 0 : i32
        %dma_start3A_480 = tpu.memref_slice %arg8[%add3A_478, %dma_start3A_479] : memref<160x125xi32, #tpu.memory_space<vmem>> -> memref<1x125xi32, #tpu.memory_space<vmem>>
        %dma_start3A_481 = tpu.memref_squeeze %dma_start3A_480 : memref<1x125xi32, #tpu.memory_space<vmem>> -> memref<125xi32, #tpu.memory_space<vmem>>
        %dma_start3A_482 = arith.constant 0 : i32
        %dma_start3A_483 = arith.constant 0 : i32
        %dma_start3A_484 = tpu.memref_slice %arg28[%dma_start3A_482, %dma_start3A_483] : memref<10000x8xf32, #tpu.memory_space<vmem_shared>> -> memref<10000x8xf32, #tpu.memory_space<vmem_shared>>
        tpu.enqueue_indirect_dma source(%dma_start3A_484 : memref<10000x8xf32, #tpu.memory_space<vmem_shared>>) target(%arg16 : memref<125x8xf32, #tpu.memory_space<vmem>>) offsets(%dma_start3A_481 : memref<125xi32, #tpu.memory_space<vmem>>) semaphore(%arg38 : memref<!tpu.dma_semaphore, #tpu.memory_space<semaphore_mem>>)
      } else {
      }
      %mul3A_225 = arith.constant 10 : i32
      %mul3A_226 = arith.muli %scan3A_201, %mul3A_225 : i32
      %add3A_227 = arith.constant 1 : i32
      %add3A_228 = arith.addi %mul3A_226, %add3A_227 : i32
      %dma_wait3A_229 = arith.constant 0 : i32
      %dma_wait3A_230 = tpu.memref_slice %arg8[%add3A_228, %dma_wait3A_229] : memref<160x125xi32, #tpu.memory_space<vmem>> -> memref<1x125xi32, #tpu.memory_space<vmem>>
      %dma_wait3A_231 = tpu.memref_squeeze %dma_wait3A_230 : memref<1x125xi32, #tpu.memory_space<vmem>> -> memref<125xi32, #tpu.memory_space<vmem>>
      %dma_wait3A_232 = arith.constant 0 : i32
      %dma_wait3A_233 = arith.constant 0 : i32
      %dma_wait3A_234 = tpu.memref_slice %arg28[%dma_wait3A_232, %dma_wait3A_233] : memref<10000x8xf32, #tpu.memory_space<vmem_shared>> -> memref<10000x8xf32, #tpu.memory_space<vmem_shared>>
      tpu.wait_indirect_dma semaphore(%arg34 : memref<!tpu.dma_semaphore, #tpu.memory_space<semaphore_mem>>) src(%dma_wait3A_234 : memref<10000x8xf32, #tpu.memory_space<vmem_shared>>) dst(%arg12 : memref<125x8xf32, #tpu.memory_space<vmem>>)
      %dma_start3A_235 = arith.constant 0 : i32
      %dma_start3A_236 = tpu.memref_slice %arg9[%add3A_228, %dma_start3A_235] : memref<160x125xi32, #tpu.memory_space<vmem>> -> memref<1x125xi32, #tpu.memory_space<vmem>>
      %dma_start3A_237 = tpu.memref_squeeze %dma_start3A_236 : memref<1x125xi32, #tpu.memory_space<vmem>> -> memref<125xi32, #tpu.memory_space<vmem>>
      %dma_start3A_238 = arith.constant 0 : i32
      %dma_start3A_239 = arith.constant 0 : i32
      %dma_start3A_240 = tpu.memref_slice %arg30[%dma_start3A_238, %dma_start3A_239] : memref<10000x8xf32, #tpu.memory_space<vmem_shared>> -> memref<10000x8xf32, #tpu.memory_space<vmem_shared>>
      tpu.enqueue_indirect_dma source(%arg12 : memref<125x8xf32, #tpu.memory_space<vmem>>) target(%dma_start3A_240 : memref<10000x8xf32, #tpu.memory_space<vmem_shared>>) offsets(%dma_start3A_237 : memref<125xi32, #tpu.memory_space<vmem>>) semaphore(%arg44 : memref<!tpu.dma_semaphore, #tpu.memory_space<semaphore_mem>>) {add = true}
      %ge3A_241 = arith.constant 5 : i32
      %ge3A_242 = arith.cmpi sge, %add3A_228, %ge3A_241 : i32
      %convert_element_type3A_243 = arith.extui %ge3A_242 : i1 to i32
      %cond3A_244 = arith.constant 0 : i32
      %cond3A_245 = arith.cmpi ne, %convert_element_type3A_243, %cond3A_244 : i32
      scf.if %cond3A_245 {
        %sub3A = arith.constant 5 : i32
        %sub3A_477 = arith.subi %add3A_228, %sub3A : i32
        %dma_wait3A_478 = arith.constant 0 : i32
        %dma_wait3A_479 = tpu.memref_slice %arg9[%sub3A_477, %dma_wait3A_478] : memref<160x125xi32, #tpu.memory_space<vmem>> -> memref<1x125xi32, #tpu.memory_space<vmem>>
        %dma_wait3A_480 = tpu.memref_squeeze %dma_wait3A_479 : memref<1x125xi32, #tpu.memory_space<vmem>> -> memref<125xi32, #tpu.memory_space<vmem>>
        %dma_wait3A_481 = arith.constant 0 : i32
        %dma_wait3A_482 = arith.constant 0 : i32
        %dma_wait3A_483 = tpu.memref_slice %arg30[%dma_wait3A_481, %dma_wait3A_482] : memref<10000x8xf32, #tpu.memory_space<vmem_shared>> -> memref<10000x8xf32, #tpu.memory_space<vmem_shared>>
        tpu.wait_indirect_dma semaphore(%arg49 : memref<!tpu.dma_semaphore, #tpu.memory_space<semaphore_mem>>) src(%arg17 : memref<125x8xf32, #tpu.memory_space<vmem>>) dst(%dma_wait3A_483 : memref<10000x8xf32, #tpu.memory_space<vmem_shared>>)
      } else {
      }
      %add3A_246 = arith.constant 5 : i32
      %add3A_247 = arith.addi %add3A_228, %add3A_246 : i32
      %lt3A_248 = arith.constant 160 : i32
      %lt3A_249 = arith.cmpi slt, %add3A_247, %lt3A_248 : i32
      %convert_element_type3A_250 = arith.extui %lt3A_249 : i1 to i32
      %cond3A_251 = arith.constant 0 : i32
      %cond3A_252 = arith.cmpi ne, %convert_element_type3A_250, %cond3A_251 : i32
      scf.if %cond3A_252 {
        %add3A_477 = arith.constant 5 : i32
        %add3A_478 = arith.addi %add3A_228, %add3A_477 : i32
        %dma_start3A_479 = arith.constant 0 : i32
        %dma_start3A_480 = tpu.memref_slice %arg8[%add3A_478, %dma_start3A_479] : memref<160x125xi32, #tpu.memory_space<vmem>> -> memref<1x125xi32, #tpu.memory_space<vmem>>
        %dma_start3A_481 = tpu.memref_squeeze %dma_start3A_480 : memref<1x125xi32, #tpu.memory_space<vmem>> -> memref<125xi32, #tpu.memory_space<vmem>>
        %dma_start3A_482 = arith.constant 0 : i32
        %dma_start3A_483 = arith.constant 0 : i32
        %dma_start3A_484 = tpu.memref_slice %arg28[%dma_start3A_482, %dma_start3A_483] : memref<10000x8xf32, #tpu.memory_space<vmem_shared>> -> memref<10000x8xf32, #tpu.memory_space<vmem_shared>>
        tpu.enqueue_indirect_dma source(%dma_start3A_484 : memref<10000x8xf32, #tpu.memory_space<vmem_shared>>) target(%arg17 : memref<125x8xf32, #tpu.memory_space<vmem>>) offsets(%dma_start3A_481 : memref<125xi32, #tpu.memory_space<vmem>>) semaphore(%arg39 : memref<!tpu.dma_semaphore, #tpu.memory_space<semaphore_mem>>)
      } else {
      }
      %mul3A_253 = arith.constant 10 : i32
      %mul3A_254 = arith.muli %scan3A_201, %mul3A_253 : i32
      %add3A_255 = arith.constant 2 : i32
      %add3A_256 = arith.addi %mul3A_254, %add3A_255 : i32
      %dma_wait3A_257 = arith.constant 0 : i32
      %dma_wait3A_258 = tpu.memref_slice %arg8[%add3A_256, %dma_wait3A_257] : memref<160x125xi32, #tpu.memory_space<vmem>> -> memref<1x125xi32, #tpu.memory_space<vmem>>
      %dma_wait3A_259 = tpu.memref_squeeze %dma_wait3A_258 : memref<1x125xi32, #tpu.memory_space<vmem>> -> memref<125xi32, #tpu.memory_space<vmem>>
      %dma_wait3A_260 = arith.constant 0 : i32
      %dma_wait3A_261 = arith.constant 0 : i32
      %dma_wait3A_262 = tpu.memref_slice %arg28[%dma_wait3A_260, %dma_wait3A_261] : memref<10000x8xf32, #tpu.memory_space<vmem_shared>> -> memref<10000x8xf32, #tpu.memory_space<vmem_shared>>
      tpu.wait_indirect_dma semaphore(%arg35 : memref<!tpu.dma_semaphore, #tpu.memory_space<semaphore_mem>>) src(%dma_wait3A_262 : memref<10000x8xf32, #tpu.memory_space<vmem_shared>>) dst(%arg13 : memref<125x8xf32, #tpu.memory_space<vmem>>)
      %dma_start3A_263 = arith.constant 0 : i32
      %dma_start3A_264 = tpu.memref_slice %arg9[%add3A_256, %dma_start3A_263] : memref<160x125xi32, #tpu.memory_space<vmem>> -> memref<1x125xi32, #tpu.memory_space<vmem>>
      %dma_start3A_265 = tpu.memref_squeeze %dma_start3A_264 : memref<1x125xi32, #tpu.memory_space<vmem>> -> memref<125xi32, #tpu.memory_space<vmem>>
      %dma_start3A_266 = arith.constant 0 : i32
      %dma_start3A_267 = arith.constant 0 : i32
      %dma_start3A_268 = tpu.memref_slice %arg30[%dma_start3A_266, %dma_start3A_267] : memref<10000x8xf32, #tpu.memory_space<vmem_shared>> -> memref<10000x8xf32, #tpu.memory_space<vmem_shared>>
      tpu.enqueue_indirect_dma source(%arg13 : memref<125x8xf32, #tpu.memory_space<vmem>>) target(%dma_start3A_268 : memref<10000x8xf32, #tpu.memory_space<vmem_shared>>) offsets(%dma_start3A_265 : memref<125xi32, #tpu.memory_space<vmem>>) semaphore(%arg45 : memref<!tpu.dma_semaphore, #tpu.memory_space<semaphore_mem>>) {add = true}
      %ge3A_269 = arith.constant 5 : i32
      %ge3A_270 = arith.cmpi sge, %add3A_256, %ge3A_269 : i32
      %convert_element_type3A_271 = arith.extui %ge3A_270 : i1 to i32
      %cond3A_272 = arith.constant 0 : i32
      %cond3A_273 = arith.cmpi ne, %convert_element_type3A_271, %cond3A_272 : i32
      scf.if %cond3A_273 {
        %sub3A = arith.constant 5 : i32
        %sub3A_477 = arith.subi %add3A_256, %sub3A : i32
        %dma_wait3A_478 = arith.constant 0 : i32
        %dma_wait3A_479 = tpu.memref_slice %arg9[%sub3A_477, %dma_wait3A_478] : memref<160x125xi32, #tpu.memory_space<vmem>> -> memref<1x125xi32, #tpu.memory_space<vmem>>
        %dma_wait3A_480 = tpu.memref_squeeze %dma_wait3A_479 : memref<1x125xi32, #tpu.memory_space<vmem>> -> memref<125xi32, #tpu.memory_space<vmem>>
        %dma_wait3A_481 = arith.constant 0 : i32
        %dma_wait3A_482 = arith.constant 0 : i32
        %dma_wait3A_483 = tpu.memref_slice %arg30[%dma_wait3A_481, %dma_wait3A_482] : memref<10000x8xf32, #tpu.memory_space<vmem_shared>> -> memref<10000x8xf32, #tpu.memory_space<vmem_shared>>
        tpu.wait_indirect_dma semaphore(%arg50 : memref<!tpu.dma_semaphore, #tpu.memory_space<semaphore_mem>>) src(%arg18 : memref<125x8xf32, #tpu.memory_space<vmem>>) dst(%dma_wait3A_483 : memref<10000x8xf32, #tpu.memory_space<vmem_shared>>)
      } else {
      }
      %add3A_274 = arith.constant 5 : i32
      %add3A_275 = arith.addi %add3A_256, %add3A_274 : i32
      %lt3A_276 = arith.constant 160 : i32
      %lt3A_277 = arith.cmpi slt, %add3A_275, %lt3A_276 : i32
      %convert_element_type3A_278 = arith.extui %lt3A_277 : i1 to i32
      %cond3A_279 = arith.constant 0 : i32
      %cond3A_280 = arith.cmpi ne, %convert_element_type3A_278, %cond3A_279 : i32
      scf.if %cond3A_280 {
        %add3A_477 = arith.constant 5 : i32
        %add3A_478 = arith.addi %add3A_256, %add3A_477 : i32
        %dma_start3A_479 = arith.constant 0 : i32
        %dma_start3A_480 = tpu.memref_slice %arg8[%add3A_478, %dma_start3A_479] : memref<160x125xi32, #tpu.memory_space<vmem>> -> memref<1x125xi32, #tpu.memory_space<vmem>>
        %dma_start3A_481 = tpu.memref_squeeze %dma_start3A_480 : memref<1x125xi32, #tpu.memory_space<vmem>> -> memref<125xi32, #tpu.memory_space<vmem>>
        %dma_start3A_482 = arith.constant 0 : i32
        %dma_start3A_483 = arith.constant 0 : i32
        %dma_start3A_484 = tpu.memref_slice %arg28[%dma_start3A_482, %dma_start3A_483] : memref<10000x8xf32, #tpu.memory_space<vmem_shared>> -> memref<10000x8xf32, #tpu.memory_space<vmem_shared>>
        tpu.enqueue_indirect_dma source(%dma_start3A_484 : memref<10000x8xf32, #tpu.memory_space<vmem_shared>>) target(%arg18 : memref<125x8xf32, #tpu.memory_space<vmem>>) offsets(%dma_start3A_481 : memref<125xi32, #tpu.memory_space<vmem>>) semaphore(%arg40 : memref<!tpu.dma_semaphore, #tpu.memory_space<semaphore_mem>>)
      } else {
      }
      %mul3A_281 = arith.constant 10 : i32
      %mul3A_282 = arith.muli %scan3A_201, %mul3A_281 : i32
      %add3A_283 = arith.constant 3 : i32
      %add3A_284 = arith.addi %mul3A_282, %add3A_283 : i32
      %dma_wait3A_285 = arith.constant 0 : i32
      %dma_wait3A_286 = tpu.memref_slice %arg8[%add3A_284, %dma_wait3A_285] : memref<160x125xi32, #tpu.memory_space<vmem>> -> memref<1x125xi32, #tpu.memory_space<vmem>>
      %dma_wait3A_287 = tpu.memref_squeeze %dma_wait3A_286 : memref<1x125xi32, #tpu.memory_space<vmem>> -> memref<125xi32, #tpu.memory_space<vmem>>
      %dma_wait3A_288 = arith.constant 0 : i32
      %dma_wait3A_289 = arith.constant 0 : i32
      %dma_wait3A_290 = tpu.memref_slice %arg28[%dma_wait3A_288, %dma_wait3A_289] : memref<10000x8xf32, #tpu.memory_space<vmem_shared>> -> memref<10000x8xf32, #tpu.memory_space<vmem_shared>>
      tpu.wait_indirect_dma semaphore(%arg36 : memref<!tpu.dma_semaphore, #tpu.memory_space<semaphore_mem>>) src(%dma_wait3A_290 : memref<10000x8xf32, #tpu.memory_space<vmem_shared>>) dst(%arg14 : memref<125x8xf32, #tpu.memory_space<vmem>>)
      %dma_start3A_291 = arith.constant 0 : i32
      %dma_start3A_292 = tpu.memref_slice %arg9[%add3A_284, %dma_start3A_291] : memref<160x125xi32, #tpu.memory_space<vmem>> -> memref<1x125xi32, #tpu.memory_space<vmem>>
      %dma_start3A_293 = tpu.memref_squeeze %dma_start3A_292 : memref<1x125xi32, #tpu.memory_space<vmem>> -> memref<125xi32, #tpu.memory_space<vmem>>
      %dma_start3A_294 = arith.constant 0 : i32
      %dma_start3A_295 = arith.constant 0 : i32
      %dma_start3A_296 = tpu.memref_slice %arg30[%dma_start3A_294, %dma_start3A_295] : memref<10000x8xf32, #tpu.memory_space<vmem_shared>> -> memref<10000x8xf32, #tpu.memory_space<vmem_shared>>
      tpu.enqueue_indirect_dma source(%arg14 : memref<125x8xf32, #tpu.memory_space<vmem>>) target(%dma_start3A_296 : memref<10000x8xf32, #tpu.memory_space<vmem_shared>>) offsets(%dma_start3A_293 : memref<125xi32, #tpu.memory_space<vmem>>) semaphore(%arg46 : memref<!tpu.dma_semaphore, #tpu.memory_space<semaphore_mem>>) {add = true}
      %ge3A_297 = arith.constant 5 : i32
      %ge3A_298 = arith.cmpi sge, %add3A_284, %ge3A_297 : i32
      %convert_element_type3A_299 = arith.extui %ge3A_298 : i1 to i32
      %cond3A_300 = arith.constant 0 : i32
      %cond3A_301 = arith.cmpi ne, %convert_element_type3A_299, %cond3A_300 : i32
      scf.if %cond3A_301 {
        %sub3A = arith.constant 5 : i32
        %sub3A_477 = arith.subi %add3A_284, %sub3A : i32
        %dma_wait3A_478 = arith.constant 0 : i32
        %dma_wait3A_479 = tpu.memref_slice %arg9[%sub3A_477, %dma_wait3A_478] : memref<160x125xi32, #tpu.memory_space<vmem>> -> memref<1x125xi32, #tpu.memory_space<vmem>>
        %dma_wait3A_480 = tpu.memref_squeeze %dma_wait3A_479 : memref<1x125xi32, #tpu.memory_space<vmem>> -> memref<125xi32, #tpu.memory_space<vmem>>
        %dma_wait3A_481 = arith.constant 0 : i32
        %dma_wait3A_482 = arith.constant 0 : i32
        %dma_wait3A_483 = tpu.memref_slice %arg30[%dma_wait3A_481, %dma_wait3A_482] : memref<10000x8xf32, #tpu.memory_space<vmem_shared>> -> memref<10000x8xf32, #tpu.memory_space<vmem_shared>>
        tpu.wait_indirect_dma semaphore(%arg51 : memref<!tpu.dma_semaphore, #tpu.memory_space<semaphore_mem>>) src(%arg19 : memref<125x8xf32, #tpu.memory_space<vmem>>) dst(%dma_wait3A_483 : memref<10000x8xf32, #tpu.memory_space<vmem_shared>>)
      } else {
      }
      %add3A_302 = arith.constant 5 : i32
      %add3A_303 = arith.addi %add3A_284, %add3A_302 : i32
      %lt3A_304 = arith.constant 160 : i32
      %lt3A_305 = arith.cmpi slt, %add3A_303, %lt3A_304 : i32
      %convert_element_type3A_306 = arith.extui %lt3A_305 : i1 to i32
      %cond3A_307 = arith.constant 0 : i32
      %cond3A_308 = arith.cmpi ne, %convert_element_type3A_306, %cond3A_307 : i32
      scf.if %cond3A_308 {
        %add3A_477 = arith.constant 5 : i32
        %add3A_478 = arith.addi %add3A_284, %add3A_477 : i32
        %dma_start3A_479 = arith.constant 0 : i32
        %dma_start3A_480 = tpu.memref_slice %arg8[%add3A_478, %dma_start3A_479] : memref<160x125xi32, #tpu.memory_space<vmem>> -> memref<1x125xi32, #tpu.memory_space<vmem>>
        %dma_start3A_481 = tpu.memref_squeeze %dma_start3A_480 : memref<1x125xi32, #tpu.memory_space<vmem>> -> memref<125xi32, #tpu.memory_space<vmem>>
        %dma_start3A_482 = arith.constant 0 : i32
        %dma_start3A_483 = arith.constant 0 : i32
        %dma_start3A_484 = tpu.memref_slice %arg28[%dma_start3A_482, %dma_start3A_483] : memref<10000x8xf32, #tpu.memory_space<vmem_shared>> -> memref<10000x8xf32, #tpu.memory_space<vmem_shared>>
        tpu.enqueue_indirect_dma source(%dma_start3A_484 : memref<10000x8xf32, #tpu.memory_space<vmem_shared>>) target(%arg19 : memref<125x8xf32, #tpu.memory_space<vmem>>) offsets(%dma_start3A_481 : memref<125xi32, #tpu.memory_space<vmem>>) semaphore(%arg41 : memref<!tpu.dma_semaphore, #tpu.memory_space<semaphore_mem>>)
      } else {
      }
      %mul3A_309 = arith.constant 10 : i32
      %mul3A_310 = arith.muli %scan3A_201, %mul3A_309 : i32
      %add3A_311 = arith.constant 4 : i32
      %add3A_312 = arith.addi %mul3A_310, %add3A_311 : i32
      %dma_wait3A_313 = arith.constant 0 : i32
      %dma_wait3A_314 = tpu.memref_slice %arg8[%add3A_312, %dma_wait3A_313] : memref<160x125xi32, #tpu.memory_space<vmem>> -> memref<1x125xi32, #tpu.memory_space<vmem>>
      %dma_wait3A_315 = tpu.memref_squeeze %dma_wait3A_314 : memref<1x125xi32, #tpu.memory_space<vmem>> -> memref<125xi32, #tpu.memory_space<vmem>>
      %dma_wait3A_316 = arith.constant 0 : i32
      %dma_wait3A_317 = arith.constant 0 : i32
      %dma_wait3A_318 = tpu.memref_slice %arg28[%dma_wait3A_316, %dma_wait3A_317] : memref<10000x8xf32, #tpu.memory_space<vmem_shared>> -> memref<10000x8xf32, #tpu.memory_space<vmem_shared>>
      tpu.wait_indirect_dma semaphore(%arg37 : memref<!tpu.dma_semaphore, #tpu.memory_space<semaphore_mem>>) src(%dma_wait3A_318 : memref<10000x8xf32, #tpu.memory_space<vmem_shared>>) dst(%arg15 : memref<125x8xf32, #tpu.memory_space<vmem>>)
      %dma_start3A_319 = arith.constant 0 : i32
      %dma_start3A_320 = tpu.memref_slice %arg9[%add3A_312, %dma_start3A_319] : memref<160x125xi32, #tpu.memory_space<vmem>> -> memref<1x125xi32, #tpu.memory_space<vmem>>
      %dma_start3A_321 = tpu.memref_squeeze %dma_start3A_320 : memref<1x125xi32, #tpu.memory_space<vmem>> -> memref<125xi32, #tpu.memory_space<vmem>>
      %dma_start3A_322 = arith.constant 0 : i32
      %dma_start3A_323 = arith.constant 0 : i32
      %dma_start3A_324 = tpu.memref_slice %arg30[%dma_start3A_322, %dma_start3A_323] : memref<10000x8xf32, #tpu.memory_space<vmem_shared>> -> memref<10000x8xf32, #tpu.memory_space<vmem_shared>>
      tpu.enqueue_indirect_dma source(%arg15 : memref<125x8xf32, #tpu.memory_space<vmem>>) target(%dma_start3A_324 : memref<10000x8xf32, #tpu.memory_space<vmem_shared>>) offsets(%dma_start3A_321 : memref<125xi32, #tpu.memory_space<vmem>>) semaphore(%arg47 : memref<!tpu.dma_semaphore, #tpu.memory_space<semaphore_mem>>) {add = true}
      %ge3A_325 = arith.constant 5 : i32
      %ge3A_326 = arith.cmpi sge, %add3A_312, %ge3A_325 : i32
      %convert_element_type3A_327 = arith.extui %ge3A_326 : i1 to i32
      %cond3A_328 = arith.constant 0 : i32
      %cond3A_329 = arith.cmpi ne, %convert_element_type3A_327, %cond3A_328 : i32
      scf.if %cond3A_329 {
        %sub3A = arith.constant 5 : i32
        %sub3A_477 = arith.subi %add3A_312, %sub3A : i32
        %dma_wait3A_478 = arith.constant 0 : i32
        %dma_wait3A_479 = tpu.memref_slice %arg9[%sub3A_477, %dma_wait3A_478] : memref<160x125xi32, #tpu.memory_space<vmem>> -> memref<1x125xi32, #tpu.memory_space<vmem>>
        %dma_wait3A_480 = tpu.memref_squeeze %dma_wait3A_479 : memref<1x125xi32, #tpu.memory_space<vmem>> -> memref<125xi32, #tpu.memory_space<vmem>>
        %dma_wait3A_481 = arith.constant 0 : i32
        %dma_wait3A_482 = arith.constant 0 : i32
        %dma_wait3A_483 = tpu.memref_slice %arg30[%dma_wait3A_481, %dma_wait3A_482] : memref<10000x8xf32, #tpu.memory_space<vmem_shared>> -> memref<10000x8xf32, #tpu.memory_space<vmem_shared>>
        tpu.wait_indirect_dma semaphore(%arg52 : memref<!tpu.dma_semaphore, #tpu.memory_space<semaphore_mem>>) src(%arg20 : memref<125x8xf32, #tpu.memory_space<vmem>>) dst(%dma_wait3A_483 : memref<10000x8xf32, #tpu.memory_space<vmem_shared>>)
      } else {
      }
      %add3A_330 = arith.constant 5 : i32
      %add3A_331 = arith.addi %add3A_312, %add3A_330 : i32
      %lt3A_332 = arith.constant 160 : i32
      %lt3A_333 = arith.cmpi slt, %add3A_331, %lt3A_332 : i32
      %convert_element_type3A_334 = arith.extui %lt3A_333 : i1 to i32
      %cond3A_335 = arith.constant 0 : i32
      %cond3A_336 = arith.cmpi ne, %convert_element_type3A_334, %cond3A_335 : i32
      scf.if %cond3A_336 {
        %add3A_477 = arith.constant 5 : i32
        %add3A_478 = arith.addi %add3A_312, %add3A_477 : i32
        %dma_start3A_479 = arith.constant 0 : i32
        %dma_start3A_480 = tpu.memref_slice %arg8[%add3A_478, %dma_start3A_479] : memref<160x125xi32, #tpu.memory_space<vmem>> -> memref<1x125xi32, #tpu.memory_space<vmem>>
        %dma_start3A_481 = tpu.memref_squeeze %dma_start3A_480 : memref<1x125xi32, #tpu.memory_space<vmem>> -> memref<125xi32, #tpu.memory_space<vmem>>
        %dma_start3A_482 = arith.constant 0 : i32
        %dma_start3A_483 = arith.constant 0 : i32
        %dma_start3A_484 = tpu.memref_slice %arg28[%dma_start3A_482, %dma_start3A_483] : memref<10000x8xf32, #tpu.memory_space<vmem_shared>> -> memref<10000x8xf32, #tpu.memory_space<vmem_shared>>
        tpu.enqueue_indirect_dma source(%dma_start3A_484 : memref<10000x8xf32, #tpu.memory_space<vmem_shared>>) target(%arg20 : memref<125x8xf32, #tpu.memory_space<vmem>>) offsets(%dma_start3A_481 : memref<125xi32, #tpu.memory_space<vmem>>) semaphore(%arg42 : memref<!tpu.dma_semaphore, #tpu.memory_space<semaphore_mem>>)
      } else {
      }
      %mul3A_337 = arith.constant 10 : i32
      %mul3A_338 = arith.muli %scan3A_201, %mul3A_337 : i32
      %add3A_339 = arith.constant 5 : i32
      %add3A_340 = arith.addi %mul3A_338, %add3A_339 : i32
      %dma_wait3A_341 = arith.constant 0 : i32
      %dma_wait3A_342 = tpu.memref_slice %arg8[%add3A_340, %dma_wait3A_341] : memref<160x125xi32, #tpu.memory_space<vmem>> -> memref<1x125xi32, #tpu.memory_space<vmem>>
      %dma_wait3A_343 = tpu.memref_squeeze %dma_wait3A_342 : memref<1x125xi32, #tpu.memory_space<vmem>> -> memref<125xi32, #tpu.memory_space<vmem>>
      %dma_wait3A_344 = arith.constant 0 : i32
      %dma_wait3A_345 = arith.constant 0 : i32
      %dma_wait3A_346 = tpu.memref_slice %arg28[%dma_wait3A_344, %dma_wait3A_345] : memref<10000x8xf32, #tpu.memory_space<vmem_shared>> -> memref<10000x8xf32, #tpu.memory_space<vmem_shared>>
      tpu.wait_indirect_dma semaphore(%arg38 : memref<!tpu.dma_semaphore, #tpu.memory_space<semaphore_mem>>) src(%dma_wait3A_346 : memref<10000x8xf32, #tpu.memory_space<vmem_shared>>) dst(%arg16 : memref<125x8xf32, #tpu.memory_space<vmem>>)
      %dma_start3A_347 = arith.constant 0 : i32
      %dma_start3A_348 = tpu.memref_slice %arg9[%add3A_340, %dma_start3A_347] : memref<160x125xi32, #tpu.memory_space<vmem>> -> memref<1x125xi32, #tpu.memory_space<vmem>>
      %dma_start3A_349 = tpu.memref_squeeze %dma_start3A_348 : memref<1x125xi32, #tpu.memory_space<vmem>> -> memref<125xi32, #tpu.memory_space<vmem>>
      %dma_start3A_350 = arith.constant 0 : i32
      %dma_start3A_351 = arith.constant 0 : i32
      %dma_start3A_352 = tpu.memref_slice %arg30[%dma_start3A_350, %dma_start3A_351] : memref<10000x8xf32, #tpu.memory_space<vmem_shared>> -> memref<10000x8xf32, #tpu.memory_space<vmem_shared>>
      tpu.enqueue_indirect_dma source(%arg16 : memref<125x8xf32, #tpu.memory_space<vmem>>) target(%dma_start3A_352 : memref<10000x8xf32, #tpu.memory_space<vmem_shared>>) offsets(%dma_start3A_349 : memref<125xi32, #tpu.memory_space<vmem>>) semaphore(%arg48 : memref<!tpu.dma_semaphore, #tpu.memory_space<semaphore_mem>>) {add = true}
      %ge3A_353 = arith.constant 5 : i32
      %ge3A_354 = arith.cmpi sge, %add3A_340, %ge3A_353 : i32
      %convert_element_type3A_355 = arith.extui %ge3A_354 : i1 to i32
      %cond3A_356 = arith.constant 0 : i32
      %cond3A_357 = arith.cmpi ne, %convert_element_type3A_355, %cond3A_356 : i32
      scf.if %cond3A_357 {
        %sub3A = arith.constant 5 : i32
        %sub3A_477 = arith.subi %add3A_340, %sub3A : i32
        %dma_wait3A_478 = arith.constant 0 : i32
        %dma_wait3A_479 = tpu.memref_slice %arg9[%sub3A_477, %dma_wait3A_478] : memref<160x125xi32, #tpu.memory_space<vmem>> -> memref<1x125xi32, #tpu.memory_space<vmem>>
        %dma_wait3A_480 = tpu.memref_squeeze %dma_wait3A_479 : memref<1x125xi32, #tpu.memory_space<vmem>> -> memref<125xi32, #tpu.memory_space<vmem>>
        %dma_wait3A_481 = arith.constant 0 : i32
        %dma_wait3A_482 = arith.constant 0 : i32
        %dma_wait3A_483 = tpu.memref_slice %arg30[%dma_wait3A_481, %dma_wait3A_482] : memref<10000x8xf32, #tpu.memory_space<vmem_shared>> -> memref<10000x8xf32, #tpu.memory_space<vmem_shared>>
        tpu.wait_indirect_dma semaphore(%arg43 : memref<!tpu.dma_semaphore, #tpu.memory_space<semaphore_mem>>) src(%arg11 : memref<125x8xf32, #tpu.memory_space<vmem>>) dst(%dma_wait3A_483 : memref<10000x8xf32, #tpu.memory_space<vmem_shared>>)
      } else {
      }
      %add3A_358 = arith.constant 5 : i32
      %add3A_359 = arith.addi %add3A_340, %add3A_358 : i32
      %lt3A_360 = arith.constant 160 : i32
      %lt3A_361 = arith.cmpi slt, %add3A_359, %lt3A_360 : i32
      %convert_element_type3A_362 = arith.extui %lt3A_361 : i1 to i32
      %cond3A_363 = arith.constant 0 : i32
      %cond3A_364 = arith.cmpi ne, %convert_element_type3A_362, %cond3A_363 : i32
      scf.if %cond3A_364 {
        %add3A_477 = arith.constant 5 : i32
        %add3A_478 = arith.addi %add3A_340, %add3A_477 : i32
        %dma_start3A_479 = arith.constant 0 : i32
        %dma_start3A_480 = tpu.memref_slice %arg8[%add3A_478, %dma_start3A_479] : memref<160x125xi32, #tpu.memory_space<vmem>> -> memref<1x125xi32, #tpu.memory_space<vmem>>
        %dma_start3A_481 = tpu.memref_squeeze %dma_start3A_480 : memref<1x125xi32, #tpu.memory_space<vmem>> -> memref<125xi32, #tpu.memory_space<vmem>>
        %dma_start3A_482 = arith.constant 0 : i32
        %dma_start3A_483 = arith.constant 0 : i32
        %dma_start3A_484 = tpu.memref_slice %arg28[%dma_start3A_482, %dma_start3A_483] : memref<10000x8xf32, #tpu.memory_space<vmem_shared>> -> memref<10000x8xf32, #tpu.memory_space<vmem_shared>>
        tpu.enqueue_indirect_dma source(%dma_start3A_484 : memref<10000x8xf32, #tpu.memory_space<vmem_shared>>) target(%arg11 : memref<125x8xf32, #tpu.memory_space<vmem>>) offsets(%dma_start3A_481 : memref<125xi32, #tpu.memory_space<vmem>>) semaphore(%arg33 : memref<!tpu.dma_semaphore, #tpu.memory_space<semaphore_mem>>)
      } else {
      }
      %mul3A_365 = arith.constant 10 : i32
      %mul3A_366 = arith.muli %scan3A_201, %mul3A_365 : i32
      %add3A_367 = arith.constant 6 : i32
      %add3A_368 = arith.addi %mul3A_366, %add3A_367 : i32
      %dma_wait3A_369 = arith.constant 0 : i32
      %dma_wait3A_370 = tpu.memref_slice %arg8[%add3A_368, %dma_wait3A_369] : memref<160x125xi32, #tpu.memory_space<vmem>> -> memref<1x125xi32, #tpu.memory_space<vmem>>
      %dma_wait3A_371 = tpu.memref_squeeze %dma_wait3A_370 : memref<1x125xi32, #tpu.memory_space<vmem>> -> memref<125xi32, #tpu.memory_space<vmem>>
      %dma_wait3A_372 = arith.constant 0 : i32
      %dma_wait3A_373 = arith.constant 0 : i32
      %dma_wait3A_374 = tpu.memref_slice %arg28[%dma_wait3A_372, %dma_wait3A_373] : memref<10000x8xf32, #tpu.memory_space<vmem_shared>> -> memref<10000x8xf32, #tpu.memory_space<vmem_shared>>
      tpu.wait_indirect_dma semaphore(%arg39 : memref<!tpu.dma_semaphore, #tpu.memory_space<semaphore_mem>>) src(%dma_wait3A_374 : memref<10000x8xf32, #tpu.memory_space<vmem_shared>>) dst(%arg17 : memref<125x8xf32, #tpu.memory_space<vmem>>)
      %dma_start3A_375 = arith.constant 0 : i32
      %dma_start3A_376 = tpu.memref_slice %arg9[%add3A_368, %dma_start3A_375] : memref<160x125xi32, #tpu.memory_space<vmem>> -> memref<1x125xi32, #tpu.memory_space<vmem>>
      %dma_start3A_377 = tpu.memref_squeeze %dma_start3A_376 : memref<1x125xi32, #tpu.memory_space<vmem>> -> memref<125xi32, #tpu.memory_space<vmem>>
      %dma_start3A_378 = arith.constant 0 : i32
      %dma_start3A_379 = arith.constant 0 : i32
      %dma_start3A_380 = tpu.memref_slice %arg30[%dma_start3A_378, %dma_start3A_379] : memref<10000x8xf32, #tpu.memory_space<vmem_shared>> -> memref<10000x8xf32, #tpu.memory_space<vmem_shared>>
      tpu.enqueue_indirect_dma source(%arg17 : memref<125x8xf32, #tpu.memory_space<vmem>>) target(%dma_start3A_380 : memref<10000x8xf32, #tpu.memory_space<vmem_shared>>) offsets(%dma_start3A_377 : memref<125xi32, #tpu.memory_space<vmem>>) semaphore(%arg49 : memref<!tpu.dma_semaphore, #tpu.memory_space<semaphore_mem>>) {add = true}
      %ge3A_381 = arith.constant 5 : i32
      %ge3A_382 = arith.cmpi sge, %add3A_368, %ge3A_381 : i32
      %convert_element_type3A_383 = arith.extui %ge3A_382 : i1 to i32
      %cond3A_384 = arith.constant 0 : i32
      %cond3A_385 = arith.cmpi ne, %convert_element_type3A_383, %cond3A_384 : i32
      scf.if %cond3A_385 {
        %sub3A = arith.constant 5 : i32
        %sub3A_477 = arith.subi %add3A_368, %sub3A : i32
        %dma_wait3A_478 = arith.constant 0 : i32
        %dma_wait3A_479 = tpu.memref_slice %arg9[%sub3A_477, %dma_wait3A_478] : memref<160x125xi32, #tpu.memory_space<vmem>> -> memref<1x125xi32, #tpu.memory_space<vmem>>
        %dma_wait3A_480 = tpu.memref_squeeze %dma_wait3A_479 : memref<1x125xi32, #tpu.memory_space<vmem>> -> memref<125xi32, #tpu.memory_space<vmem>>
        %dma_wait3A_481 = arith.constant 0 : i32
        %dma_wait3A_482 = arith.constant 0 : i32
        %dma_wait3A_483 = tpu.memref_slice %arg30[%dma_wait3A_481, %dma_wait3A_482] : memref<10000x8xf32, #tpu.memory_space<vmem_shared>> -> memref<10000x8xf32, #tpu.memory_space<vmem_shared>>
        tpu.wait_indirect_dma semaphore(%arg44 : memref<!tpu.dma_semaphore, #tpu.memory_space<semaphore_mem>>) src(%arg12 : memref<125x8xf32, #tpu.memory_space<vmem>>) dst(%dma_wait3A_483 : memref<10000x8xf32, #tpu.memory_space<vmem_shared>>)
      } else {
      }
      %add3A_386 = arith.constant 5 : i32
      %add3A_387 = arith.addi %add3A_368, %add3A_386 : i32
      %lt3A_388 = arith.constant 160 : i32
      %lt3A_389 = arith.cmpi slt, %add3A_387, %lt3A_388 : i32
      %convert_element_type3A_390 = arith.extui %lt3A_389 : i1 to i32
      %cond3A_391 = arith.constant 0 : i32
      %cond3A_392 = arith.cmpi ne, %convert_element_type3A_390, %cond3A_391 : i32
      scf.if %cond3A_392 {
        %add3A_477 = arith.constant 5 : i32
        %add3A_478 = arith.addi %add3A_368, %add3A_477 : i32
        %dma_start3A_479 = arith.constant 0 : i32
        %dma_start3A_480 = tpu.memref_slice %arg8[%add3A_478, %dma_start3A_479] : memref<160x125xi32, #tpu.memory_space<vmem>> -> memref<1x125xi32, #tpu.memory_space<vmem>>
        %dma_start3A_481 = tpu.memref_squeeze %dma_start3A_480 : memref<1x125xi32, #tpu.memory_space<vmem>> -> memref<125xi32, #tpu.memory_space<vmem>>
        %dma_start3A_482 = arith.constant 0 : i32
        %dma_start3A_483 = arith.constant 0 : i32
        %dma_start3A_484 = tpu.memref_slice %arg28[%dma_start3A_482, %dma_start3A_483] : memref<10000x8xf32, #tpu.memory_space<vmem_shared>> -> memref<10000x8xf32, #tpu.memory_space<vmem_shared>>
        tpu.enqueue_indirect_dma source(%dma_start3A_484 : memref<10000x8xf32, #tpu.memory_space<vmem_shared>>) target(%arg12 : memref<125x8xf32, #tpu.memory_space<vmem>>) offsets(%dma_start3A_481 : memref<125xi32, #tpu.memory_space<vmem>>) semaphore(%arg34 : memref<!tpu.dma_semaphore, #tpu.memory_space<semaphore_mem>>)
      } else {
      }
      %mul3A_393 = arith.constant 10 : i32
      %mul3A_394 = arith.muli %scan3A_201, %mul3A_393 : i32
      %add3A_395 = arith.constant 7 : i32
      %add3A_396 = arith.addi %mul3A_394, %add3A_395 : i32
      %dma_wait3A_397 = arith.constant 0 : i32
      %dma_wait3A_398 = tpu.memref_slice %arg8[%add3A_396, %dma_wait3A_397] : memref<160x125xi32, #tpu.memory_space<vmem>> -> memref<1x125xi32, #tpu.memory_space<vmem>>
      %dma_wait3A_399 = tpu.memref_squeeze %dma_wait3A_398 : memref<1x125xi32, #tpu.memory_space<vmem>> -> memref<125xi32, #tpu.memory_space<vmem>>
      %dma_wait3A_400 = arith.constant 0 : i32
      %dma_wait3A_401 = arith.constant 0 : i32
      %dma_wait3A_402 = tpu.memref_slice %arg28[%dma_wait3A_400, %dma_wait3A_401] : memref<10000x8xf32, #tpu.memory_space<vmem_shared>> -> memref<10000x8xf32, #tpu.memory_space<vmem_shared>>
      tpu.wait_indirect_dma semaphore(%arg40 : memref<!tpu.dma_semaphore, #tpu.memory_space<semaphore_mem>>) src(%dma_wait3A_402 : memref<10000x8xf32, #tpu.memory_space<vmem_shared>>) dst(%arg18 : memref<125x8xf32, #tpu.memory_space<vmem>>)
      %dma_start3A_403 = arith.constant 0 : i32
      %dma_start3A_404 = tpu.memref_slice %arg9[%add3A_396, %dma_start3A_403] : memref<160x125xi32, #tpu.memory_space<vmem>> -> memref<1x125xi32, #tpu.memory_space<vmem>>
      %dma_start3A_405 = tpu.memref_squeeze %dma_start3A_404 : memref<1x125xi32, #tpu.memory_space<vmem>> -> memref<125xi32, #tpu.memory_space<vmem>>
      %dma_start3A_406 = arith.constant 0 : i32
      %dma_start3A_407 = arith.constant 0 : i32
      %dma_start3A_408 = tpu.memref_slice %arg30[%dma_start3A_406, %dma_start3A_407] : memref<10000x8xf32, #tpu.memory_space<vmem_shared>> -> memref<10000x8xf32, #tpu.memory_space<vmem_shared>>
      tpu.enqueue_indirect_dma source(%arg18 : memref<125x8xf32, #tpu.memory_space<vmem>>) target(%dma_start3A_408 : memref<10000x8xf32, #tpu.memory_space<vmem_shared>>) offsets(%dma_start3A_405 : memref<125xi32, #tpu.memory_space<vmem>>) semaphore(%arg50 : memref<!tpu.dma_semaphore, #tpu.memory_space<semaphore_mem>>) {add = true}
      %ge3A_409 = arith.constant 5 : i32
      %ge3A_410 = arith.cmpi sge, %add3A_396, %ge3A_409 : i32
      %convert_element_type3A_411 = arith.extui %ge3A_410 : i1 to i32
      %cond3A_412 = arith.constant 0 : i32
      %cond3A_413 = arith.cmpi ne, %convert_element_type3A_411, %cond3A_412 : i32
      scf.if %cond3A_413 {
        %sub3A = arith.constant 5 : i32
        %sub3A_477 = arith.subi %add3A_396, %sub3A : i32
        %dma_wait3A_478 = arith.constant 0 : i32
        %dma_wait3A_479 = tpu.memref_slice %arg9[%sub3A_477, %dma_wait3A_478] : memref<160x125xi32, #tpu.memory_space<vmem>> -> memref<1x125xi32, #tpu.memory_space<vmem>>
        %dma_wait3A_480 = tpu.memref_squeeze %dma_wait3A_479 : memref<1x125xi32, #tpu.memory_space<vmem>> -> memref<125xi32, #tpu.memory_space<vmem>>
        %dma_wait3A_481 = arith.constant 0 : i32
        %dma_wait3A_482 = arith.constant 0 : i32
        %dma_wait3A_483 = tpu.memref_slice %arg30[%dma_wait3A_481, %dma_wait3A_482] : memref<10000x8xf32, #tpu.memory_space<vmem_shared>> -> memref<10000x8xf32, #tpu.memory_space<vmem_shared>>
        tpu.wait_indirect_dma semaphore(%arg45 : memref<!tpu.dma_semaphore, #tpu.memory_space<semaphore_mem>>) src(%arg13 : memref<125x8xf32, #tpu.memory_space<vmem>>) dst(%dma_wait3A_483 : memref<10000x8xf32, #tpu.memory_space<vmem_shared>>)
      } else {
      }
      %add3A_414 = arith.constant 5 : i32
      %add3A_415 = arith.addi %add3A_396, %add3A_414 : i32
      %lt3A_416 = arith.constant 160 : i32
      %lt3A_417 = arith.cmpi slt, %add3A_415, %lt3A_416 : i32
      %convert_element_type3A_418 = arith.extui %lt3A_417 : i1 to i32
      %cond3A_419 = arith.constant 0 : i32
      %cond3A_420 = arith.cmpi ne, %convert_element_type3A_418, %cond3A_419 : i32
      scf.if %cond3A_420 {
        %add3A_477 = arith.constant 5 : i32
        %add3A_478 = arith.addi %add3A_396, %add3A_477 : i32
        %dma_start3A_479 = arith.constant 0 : i32
        %dma_start3A_480 = tpu.memref_slice %arg8[%add3A_478, %dma_start3A_479] : memref<160x125xi32, #tpu.memory_space<vmem>> -> memref<1x125xi32, #tpu.memory_space<vmem>>
        %dma_start3A_481 = tpu.memref_squeeze %dma_start3A_480 : memref<1x125xi32, #tpu.memory_space<vmem>> -> memref<125xi32, #tpu.memory_space<vmem>>
        %dma_start3A_482 = arith.constant 0 : i32
        %dma_start3A_483 = arith.constant 0 : i32
        %dma_start3A_484 = tpu.memref_slice %arg28[%dma_start3A_482, %dma_start3A_483] : memref<10000x8xf32, #tpu.memory_space<vmem_shared>> -> memref<10000x8xf32, #tpu.memory_space<vmem_shared>>
        tpu.enqueue_indirect_dma source(%dma_start3A_484 : memref<10000x8xf32, #tpu.memory_space<vmem_shared>>) target(%arg13 : memref<125x8xf32, #tpu.memory_space<vmem>>) offsets(%dma_start3A_481 : memref<125xi32, #tpu.memory_space<vmem>>) semaphore(%arg35 : memref<!tpu.dma_semaphore, #tpu.memory_space<semaphore_mem>>)
      } else {
      }
      %mul3A_421 = arith.constant 10 : i32
      %mul3A_422 = arith.muli %scan3A_201, %mul3A_421 : i32
      %add3A_423 = arith.constant 8 : i32
      %add3A_424 = arith.addi %mul3A_422, %add3A_423 : i32
      %dma_wait3A_425 = arith.constant 0 : i32
      %dma_wait3A_426 = tpu.memref_slice %arg8[%add3A_424, %dma_wait3A_425] : memref<160x125xi32, #tpu.memory_space<vmem>> -> memref<1x125xi32, #tpu.memory_space<vmem>>
      %dma_wait3A_427 = tpu.memref_squeeze %dma_wait3A_426 : memref<1x125xi32, #tpu.memory_space<vmem>> -> memref<125xi32, #tpu.memory_space<vmem>>
      %dma_wait3A_428 = arith.constant 0 : i32
      %dma_wait3A_429 = arith.constant 0 : i32
      %dma_wait3A_430 = tpu.memref_slice %arg28[%dma_wait3A_428, %dma_wait3A_429] : memref<10000x8xf32, #tpu.memory_space<vmem_shared>> -> memref<10000x8xf32, #tpu.memory_space<vmem_shared>>
      tpu.wait_indirect_dma semaphore(%arg41 : memref<!tpu.dma_semaphore, #tpu.memory_space<semaphore_mem>>) src(%dma_wait3A_430 : memref<10000x8xf32, #tpu.memory_space<vmem_shared>>) dst(%arg19 : memref<125x8xf32, #tpu.memory_space<vmem>>)
      %dma_start3A_431 = arith.constant 0 : i32
      %dma_start3A_432 = tpu.memref_slice %arg9[%add3A_424, %dma_start3A_431] : memref<160x125xi32, #tpu.memory_space<vmem>> -> memref<1x125xi32, #tpu.memory_space<vmem>>
      %dma_start3A_433 = tpu.memref_squeeze %dma_start3A_432 : memref<1x125xi32, #tpu.memory_space<vmem>> -> memref<125xi32, #tpu.memory_space<vmem>>
      %dma_start3A_434 = arith.constant 0 : i32
      %dma_start3A_435 = arith.constant 0 : i32
      %dma_start3A_436 = tpu.memref_slice %arg30[%dma_start3A_434, %dma_start3A_435] : memref<10000x8xf32, #tpu.memory_space<vmem_shared>> -> memref<10000x8xf32, #tpu.memory_space<vmem_shared>>
      tpu.enqueue_indirect_dma source(%arg19 : memref<125x8xf32, #tpu.memory_space<vmem>>) target(%dma_start3A_436 : memref<10000x8xf32, #tpu.memory_space<vmem_shared>>) offsets(%dma_start3A_433 : memref<125xi32, #tpu.memory_space<vmem>>) semaphore(%arg51 : memref<!tpu.dma_semaphore, #tpu.memory_space<semaphore_mem>>) {add = true}
      %ge3A_437 = arith.constant 5 : i32
      %ge3A_438 = arith.cmpi sge, %add3A_424, %ge3A_437 : i32
      %convert_element_type3A_439 = arith.extui %ge3A_438 : i1 to i32
      %cond3A_440 = arith.constant 0 : i32
      %cond3A_441 = arith.cmpi ne, %convert_element_type3A_439, %cond3A_440 : i32
      scf.if %cond3A_441 {
        %sub3A = arith.constant 5 : i32
        %sub3A_477 = arith.subi %add3A_424, %sub3A : i32
        %dma_wait3A_478 = arith.constant 0 : i32
        %dma_wait3A_479 = tpu.memref_slice %arg9[%sub3A_477, %dma_wait3A_478] : memref<160x125xi32, #tpu.memory_space<vmem>> -> memref<1x125xi32, #tpu.memory_space<vmem>>
        %dma_wait3A_480 = tpu.memref_squeeze %dma_wait3A_479 : memref<1x125xi32, #tpu.memory_space<vmem>> -> memref<125xi32, #tpu.memory_space<vmem>>
        %dma_wait3A_481 = arith.constant 0 : i32
        %dma_wait3A_482 = arith.constant 0 : i32
        %dma_wait3A_483 = tpu.memref_slice %arg30[%dma_wait3A_481, %dma_wait3A_482] : memref<10000x8xf32, #tpu.memory_space<vmem_shared>> -> memref<10000x8xf32, #tpu.memory_space<vmem_shared>>
        tpu.wait_indirect_dma semaphore(%arg46 : memref<!tpu.dma_semaphore, #tpu.memory_space<semaphore_mem>>) src(%arg14 : memref<125x8xf32, #tpu.memory_space<vmem>>) dst(%dma_wait3A_483 : memref<10000x8xf32, #tpu.memory_space<vmem_shared>>)
      } else {
      }
      %add3A_442 = arith.constant 5 : i32
      %add3A_443 = arith.addi %add3A_424, %add3A_442 : i32
      %lt3A_444 = arith.constant 160 : i32
      %lt3A_445 = arith.cmpi slt, %add3A_443, %lt3A_444 : i32
      %convert_element_type3A_446 = arith.extui %lt3A_445 : i1 to i32
      %cond3A_447 = arith.constant 0 : i32
      %cond3A_448 = arith.cmpi ne, %convert_element_type3A_446, %cond3A_447 : i32
      scf.if %cond3A_448 {
        %add3A_477 = arith.constant 5 : i32
        %add3A_478 = arith.addi %add3A_424, %add3A_477 : i32
        %dma_start3A_479 = arith.constant 0 : i32
        %dma_start3A_480 = tpu.memref_slice %arg8[%add3A_478, %dma_start3A_479] : memref<160x125xi32, #tpu.memory_space<vmem>> -> memref<1x125xi32, #tpu.memory_space<vmem>>
        %dma_start3A_481 = tpu.memref_squeeze %dma_start3A_480 : memref<1x125xi32, #tpu.memory_space<vmem>> -> memref<125xi32, #tpu.memory_space<vmem>>
        %dma_start3A_482 = arith.constant 0 : i32
        %dma_start3A_483 = arith.constant 0 : i32
        %dma_start3A_484 = tpu.memref_slice %arg28[%dma_start3A_482, %dma_start3A_483] : memref<10000x8xf32, #tpu.memory_space<vmem_shared>> -> memref<10000x8xf32, #tpu.memory_space<vmem_shared>>
        tpu.enqueue_indirect_dma source(%dma_start3A_484 : memref<10000x8xf32, #tpu.memory_space<vmem_shared>>) target(%arg14 : memref<125x8xf32, #tpu.memory_space<vmem>>) offsets(%dma_start3A_481 : memref<125xi32, #tpu.memory_space<vmem>>) semaphore(%arg36 : memref<!tpu.dma_semaphore, #tpu.memory_space<semaphore_mem>>)
      } else {
      }
      %mul3A_449 = arith.constant 10 : i32
      %mul3A_450 = arith.muli %scan3A_201, %mul3A_449 : i32
      %add3A_451 = arith.constant 9 : i32
      %add3A_452 = arith.addi %mul3A_450, %add3A_451 : i32
      %dma_wait3A_453 = arith.constant 0 : i32
      %dma_wait3A_454 = tpu.memref_slice %arg8[%add3A_452, %dma_wait3A_453] : memref<160x125xi32, #tpu.memory_space<vmem>> -> memref<1x125xi32, #tpu.memory_space<vmem>>
      %dma_wait3A_455 = tpu.memref_squeeze %dma_wait3A_454 : memref<1x125xi32, #tpu.memory_space<vmem>> -> memref<125xi32, #tpu.memory_space<vmem>>
      %dma_wait3A_456 = arith.constant 0 : i32
      %dma_wait3A_457 = arith.constant 0 : i32
      %dma_wait3A_458 = tpu.memref_slice %arg28[%dma_wait3A_456, %dma_wait3A_457] : memref<10000x8xf32, #tpu.memory_space<vmem_shared>> -> memref<10000x8xf32, #tpu.memory_space<vmem_shared>>
      tpu.wait_indirect_dma semaphore(%arg42 : memref<!tpu.dma_semaphore, #tpu.memory_space<semaphore_mem>>) src(%dma_wait3A_458 : memref<10000x8xf32, #tpu.memory_space<vmem_shared>>) dst(%arg20 : memref<125x8xf32, #tpu.memory_space<vmem>>)
      %dma_start3A_459 = arith.constant 0 : i32
      %dma_start3A_460 = tpu.memref_slice %arg9[%add3A_452, %dma_start3A_459] : memref<160x125xi32, #tpu.memory_space<vmem>> -> memref<1x125xi32, #tpu.memory_space<vmem>>
      %dma_start3A_461 = tpu.memref_squeeze %dma_start3A_460 : memref<1x125xi32, #tpu.memory_space<vmem>> -> memref<125xi32, #tpu.memory_space<vmem>>
      %dma_start3A_462 = arith.constant 0 : i32
      %dma_start3A_463 = arith.constant 0 : i32
      %dma_start3A_464 = tpu.memref_slice %arg30[%dma_start3A_462, %dma_start3A_463] : memref<10000x8xf32, #tpu.memory_space<vmem_shared>> -> memref<10000x8xf32, #tpu.memory_space<vmem_shared>>
      tpu.enqueue_indirect_dma source(%arg20 : memref<125x8xf32, #tpu.memory_space<vmem>>) target(%dma_start3A_464 : memref<10000x8xf32, #tpu.memory_space<vmem_shared>>) offsets(%dma_start3A_461 : memref<125xi32, #tpu.memory_space<vmem>>) semaphore(%arg52 : memref<!tpu.dma_semaphore, #tpu.memory_space<semaphore_mem>>) {add = true}
      %ge3A_465 = arith.constant 5 : i32
      %ge3A_466 = arith.cmpi sge, %add3A_452, %ge3A_465 : i32
      %convert_element_type3A_467 = arith.extui %ge3A_466 : i1 to i32
      %cond3A_468 = arith.constant 0 : i32
      %cond3A_469 = arith.cmpi ne, %convert_element_type3A_467, %cond3A_468 : i32
      scf.if %cond3A_469 {
        %sub3A = arith.constant 5 : i32
        %sub3A_477 = arith.subi %add3A_452, %sub3A : i32
        %dma_wait3A_478 = arith.constant 0 : i32
        %dma_wait3A_479 = tpu.memref_slice %arg9[%sub3A_477, %dma_wait3A_478] : memref<160x125xi32, #tpu.memory_space<vmem>> -> memref<1x125xi32, #tpu.memory_space<vmem>>
        %dma_wait3A_480 = tpu.memref_squeeze %dma_wait3A_479 : memref<1x125xi32, #tpu.memory_space<vmem>> -> memref<125xi32, #tpu.memory_space<vmem>>
        %dma_wait3A_481 = arith.constant 0 : i32
        %dma_wait3A_482 = arith.constant 0 : i32
        %dma_wait3A_483 = tpu.memref_slice %arg30[%dma_wait3A_481, %dma_wait3A_482] : memref<10000x8xf32, #tpu.memory_space<vmem_shared>> -> memref<10000x8xf32, #tpu.memory_space<vmem_shared>>
        tpu.wait_indirect_dma semaphore(%arg47 : memref<!tpu.dma_semaphore, #tpu.memory_space<semaphore_mem>>) src(%arg15 : memref<125x8xf32, #tpu.memory_space<vmem>>) dst(%dma_wait3A_483 : memref<10000x8xf32, #tpu.memory_space<vmem_shared>>)
      } else {
      }
      %add3A_470 = arith.constant 5 : i32
      %add3A_471 = arith.addi %add3A_452, %add3A_470 : i32
      %lt3A_472 = arith.constant 160 : i32
      %lt3A_473 = arith.cmpi slt, %add3A_471, %lt3A_472 : i32
      %convert_element_type3A_474 = arith.extui %lt3A_473 : i1 to i32
      %cond3A_475 = arith.constant 0 : i32
      %cond3A_476 = arith.cmpi ne, %convert_element_type3A_474, %cond3A_475 : i32
      scf.if %cond3A_476 {
        %add3A_477 = arith.constant 5 : i32
        %add3A_478 = arith.addi %add3A_452, %add3A_477 : i32
        %dma_start3A_479 = arith.constant 0 : i32
        %dma_start3A_480 = tpu.memref_slice %arg8[%add3A_478, %dma_start3A_479] : memref<160x125xi32, #tpu.memory_space<vmem>> -> memref<1x125xi32, #tpu.memory_space<vmem>>
        %dma_start3A_481 = tpu.memref_squeeze %dma_start3A_480 : memref<1x125xi32, #tpu.memory_space<vmem>> -> memref<125xi32, #tpu.memory_space<vmem>>
        %dma_start3A_482 = arith.constant 0 : i32
        %dma_start3A_483 = arith.constant 0 : i32
        %dma_start3A_484 = tpu.memref_slice %arg28[%dma_start3A_482, %dma_start3A_483] : memref<10000x8xf32, #tpu.memory_space<vmem_shared>> -> memref<10000x8xf32, #tpu.memory_space<vmem_shared>>
        tpu.enqueue_indirect_dma source(%dma_start3A_484 : memref<10000x8xf32, #tpu.memory_space<vmem_shared>>) target(%arg15 : memref<125x8xf32, #tpu.memory_space<vmem>>) offsets(%dma_start3A_481 : memref<125xi32, #tpu.memory_space<vmem>>) semaphore(%arg37 : memref<!tpu.dma_semaphore, #tpu.memory_space<semaphore_mem>>)
      } else {
      }
    }
    %scan3A_156 = arith.constant 16 : i32
    %dma_wait3A_157 = arith.constant 155 : i32
    %dma_wait3A_158 = arith.constant 0 : i32
    %dma_wait3A_159 = tpu.memref_slice %arg9[%dma_wait3A_157, %dma_wait3A_158] : memref<160x125xi32, #tpu.memory_space<vmem>> -> memref<1x125xi32, #tpu.memory_space<vmem>>
    %dma_wait3A_160 = tpu.memref_squeeze %dma_wait3A_159 : memref<1x125xi32, #tpu.memory_space<vmem>> -> memref<125xi32, #tpu.memory_space<vmem>>
    %dma_wait3A_161 = arith.constant 0 : i32
    %dma_wait3A_162 = arith.constant 0 : i32
    %dma_wait3A_163 = tpu.memref_slice %arg30[%dma_wait3A_161, %dma_wait3A_162] : memref<10000x8xf32, #tpu.memory_space<vmem_shared>> -> memref<10000x8xf32, #tpu.memory_space<vmem_shared>>
    tpu.wait_indirect_dma semaphore(%arg48 : memref<!tpu.dma_semaphore, #tpu.memory_space<semaphore_mem>>) src(%arg16 : memref<125x8xf32, #tpu.memory_space<vmem>>) dst(%dma_wait3A_163 : memref<10000x8xf32, #tpu.memory_space<vmem_shared>>)
    %dma_wait3A_164 = arith.constant 156 : i32
    %dma_wait3A_165 = arith.constant 0 : i32
    %dma_wait3A_166 = tpu.memref_slice %arg9[%dma_wait3A_164, %dma_wait3A_165] : memref<160x125xi32, #tpu.memory_space<vmem>> -> memref<1x125xi32, #tpu.memory_space<vmem>>
    %dma_wait3A_167 = tpu.memref_squeeze %dma_wait3A_166 : memref<1x125xi32, #tpu.memory_space<vmem>> -> memref<125xi32, #tpu.memory_space<vmem>>
    %dma_wait3A_168 = arith.constant 0 : i32
    %dma_wait3A_169 = arith.constant 0 : i32
    %dma_wait3A_170 = tpu.memref_slice %arg30[%dma_wait3A_168, %dma_wait3A_169] : memref<10000x8xf32, #tpu.memory_space<vmem_shared>> -> memref<10000x8xf32, #tpu.memory_space<vmem_shared>>
    tpu.wait_indirect_dma semaphore(%arg49 : memref<!tpu.dma_semaphore, #tpu.memory_space<semaphore_mem>>) src(%arg17 : memref<125x8xf32, #tpu.memory_space<vmem>>) dst(%dma_wait3A_170 : memref<10000x8xf32, #tpu.memory_space<vmem_shared>>)
    %dma_wait3A_171 = arith.constant 157 : i32
    %dma_wait3A_172 = arith.constant 0 : i32
    %dma_wait3A_173 = tpu.memref_slice %arg9[%dma_wait3A_171, %dma_wait3A_172] : memref<160x125xi32, #tpu.memory_space<vmem>> -> memref<1x125xi32, #tpu.memory_space<vmem>>
    %dma_wait3A_174 = tpu.memref_squeeze %dma_wait3A_173 : memref<1x125xi32, #tpu.memory_space<vmem>> -> memref<125xi32, #tpu.memory_space<vmem>>
    %dma_wait3A_175 = arith.constant 0 : i32
    %dma_wait3A_176 = arith.constant 0 : i32
    %dma_wait3A_177 = tpu.memref_slice %arg30[%dma_wait3A_175, %dma_wait3A_176] : memref<10000x8xf32, #tpu.memory_space<vmem_shared>> -> memref<10000x8xf32, #tpu.memory_space<vmem_shared>>
    tpu.wait_indirect_dma semaphore(%arg50 : memref<!tpu.dma_semaphore, #tpu.memory_space<semaphore_mem>>) src(%arg18 : memref<125x8xf32, #tpu.memory_space<vmem>>) dst(%dma_wait3A_177 : memref<10000x8xf32, #tpu.memory_space<vmem_shared>>)
    %dma_wait3A_178 = arith.constant 158 : i32
    %dma_wait3A_179 = arith.constant 0 : i32
    %dma_wait3A_180 = tpu.memref_slice %arg9[%dma_wait3A_178, %dma_wait3A_179] : memref<160x125xi32, #tpu.memory_space<vmem>> -> memref<1x125xi32, #tpu.memory_space<vmem>>
    %dma_wait3A_181 = tpu.memref_squeeze %dma_wait3A_180 : memref<1x125xi32, #tpu.memory_space<vmem>> -> memref<125xi32, #tpu.memory_space<vmem>>
    %dma_wait3A_182 = arith.constant 0 : i32
    %dma_wait3A_183 = arith.constant 0 : i32
    %dma_wait3A_184 = tpu.memref_slice %arg30[%dma_wait3A_182, %dma_wait3A_183] : memref<10000x8xf32, #tpu.memory_space<vmem_shared>> -> memref<10000x8xf32, #tpu.memory_space<vmem_shared>>
    tpu.wait_indirect_dma semaphore(%arg51 : memref<!tpu.dma_semaphore, #tpu.memory_space<semaphore_mem>>) src(%arg19 : memref<125x8xf32, #tpu.memory_space<vmem>>) dst(%dma_wait3A_184 : memref<10000x8xf32, #tpu.memory_space<vmem_shared>>)
    %dma_wait3A_185 = arith.constant 159 : i32
    %dma_wait3A_186 = arith.constant 0 : i32
    %dma_wait3A_187 = tpu.memref_slice %arg9[%dma_wait3A_185, %dma_wait3A_186] : memref<160x125xi32, #tpu.memory_space<vmem>> -> memref<1x125xi32, #tpu.memory_space<vmem>>
    %dma_wait3A_188 = tpu.memref_squeeze %dma_wait3A_187 : memref<1x125xi32, #tpu.memory_space<vmem>> -> memref<125xi32, #tpu.memory_space<vmem>>
    %dma_wait3A_189 = arith.constant 0 : i32
    %dma_wait3A_190 = arith.constant 0 : i32
    %dma_wait3A_191 = tpu.memref_slice %arg30[%dma_wait3A_189, %dma_wait3A_190] : memref<10000x8xf32, #tpu.memory_space<vmem_shared>> -> memref<10000x8xf32, #tpu.memory_space<vmem_shared>>
    tpu.wait_indirect_dma semaphore(%arg52 : memref<!tpu.dma_semaphore, #tpu.memory_space<semaphore_mem>>) src(%arg20 : memref<125x8xf32, #tpu.memory_space<vmem>>) dst(%dma_wait3A_191 : memref<10000x8xf32, #tpu.memory_space<vmem_shared>>)
    %barrier3A_192 = arith.constant 0 : index
    tpu.barrier barrier_id(%barrier3A_192)
    %iota3A = tpu.iota {dimensions = array<i32: 0>} : vector<16xi32>
    %mul3A = arith.constant 0 : i32
    %mul3A_193 = vector.broadcast %mul3A : i32 to vector<16xi32>
    %mul3A_194 = arith.muli %iota3A, %mul3A_193 : vector<16xi32>
    %scan3A_195 = arith.constant 0 : i32
    %scan3A_196 = arith.constant 0 : i32
    %scan3A_197 = arith.constant 2 : i32
    %scan3A_198 = arith.addi %scan3A_196, %scan3A_197 : i32
    %scan3A_199 = arith.constant 1 : i32
    scf.for %scan3A_201 = %scan3A_196 to %scan3A_198 step %scan3A_199  : i32 {
      %mul3A_202 = arith.constant 16 : i32
      %mul3A_203 = arith.muli %scan3A_201, %mul3A_202 : i32
      %add3A = arith.addi %arg1, %mul3A_203 : i32
      %lt3A = arith.constant 25 : i32
      %lt3A_204 = arith.cmpi slt, %add3A, %lt3A : i32
      %convert_element_type3A = arith.extui %lt3A_204 : i1 to i32
      %cond3A = arith.constant 0 : i32
      %cond3A_205 = arith.cmpi ne, %convert_element_type3A, %cond3A : i32
      scf.if %cond3A_205 {
        %mul3A_206 = arith.constant 400 : i32
        %mul3A_207 = arith.muli %add3A, %mul3A_206 : i32
        %multiple_of3A = tpu.assume_multiple %mul3A_207, 8 : i32
        %jit3A = arith.constant 2 : i32
        %eq3A = arith.constant 0 : i32
        %eq3A_208 = arith.cmpi eq, %jit3A, %eq3A : i32
        %jit3A_209 = arith.constant 1 : i32
        %select_n3A = arith.select %eq3A_208, %jit3A_209, %jit3A : i32
        %rem3A = arith.remsi %add3A, %select_n3A : i32
        %ne3A = arith.constant 0 : i32
        %ne3A_210 = arith.cmpi ne, %rem3A, %ne3A : i32
        %lt3A_211 = arith.constant 0 : i32
        %lt3A_212 = arith.cmpi slt, %rem3A, %lt3A_211 : i32
        %lt3A_213 = arith.constant 0 : i32
        %lt3A_214 = arith.cmpi slt, %select_n3A, %lt3A_213 : i32
        %ne3A_215 = arith.xori %lt3A_212, %lt3A_214 : i1
        %and3A = arith.andi %ne3A_215, %ne3A_210 : i1
        %add3A_216 = arith.addi %rem3A, %select_n3A : i32
        %select_n3A_217 = arith.select %and3A, %add3A_216, %rem3A : i32
        %eq3A_218 = arith.cmpi eq, %select_n3A_217, %arg0 : i32
        %convert_element_type3A_219 = arith.extui %eq3A_218 : i1 to i32
        %cond3A_220 = arith.constant 0 : i32
        %cond3A_221 = arith.cmpi ne, %convert_element_type3A_219, %cond3A_220 : i32
        scf.if %cond3A_221 {
          "tpu.region"() ({
            %run_scoped3A_243 = tpu.sem_alloc : memref<!tpu.dma_semaphore, #tpu.memory_space<semaphore_mem>>
            %dma_start3A_244 = arith.constant 0 : i32
            %dma_start3A_245 = tpu.memref_slice %arg30[%multiple_of3A, %dma_start3A_244] : memref<10000x8xf32, #tpu.memory_space<vmem_shared>> -> memref<400x8xf32, #tpu.memory_space<vmem_shared>>
            %dma_start3A_246 = arith.constant 0 : i32
            %dma_start3A_247 = tpu.memref_slice %arg30[%multiple_of3A, %dma_start3A_246] : memref<10000x8xf32, #tpu.memory_space<vmem_shared>> -> memref<400x8xf32, #tpu.memory_space<vmem_shared>>
            tpu.enqueue_dma source(%dma_start3A_247 : memref<400x8xf32, #tpu.memory_space<vmem_shared>>) target(%arg21 : memref<400x8xf32, #tpu.memory_space<vmem>>) target_semaphore(%run_scoped3A_243 : memref<!tpu.dma_semaphore, #tpu.memory_space<semaphore_mem>>)
            %dma_wait3A_248 = arith.constant 0 : i32
            %dma_wait3A_249 = tpu.memref_slice %arg30[%multiple_of3A, %dma_wait3A_248] : memref<10000x8xf32, #tpu.memory_space<vmem_shared>> -> memref<400x8xf32, #tpu.memory_space<vmem_shared>>
            %dma_wait3A_250 = arith.constant 0 : i32
            %dma_wait3A_251 = tpu.memref_slice %arg30[%multiple_of3A, %dma_wait3A_250] : memref<10000x8xf32, #tpu.memory_space<vmem_shared>> -> memref<400x8xf32, #tpu.memory_space<vmem_shared>>
            tpu.wait_dma2 semaphore(%run_scoped3A_243 : memref<!tpu.dma_semaphore, #tpu.memory_space<semaphore_mem>>) src(%dma_wait3A_251 : memref<400x8xf32, #tpu.memory_space<vmem_shared>>) dst(%arg21 : memref<400x8xf32, #tpu.memory_space<vmem>>)
            tpu.yield
          }) : () -> ()
          "tpu.region"() ({
            %run_scoped3A_243 = tpu.sem_alloc : memref<!tpu.dma_semaphore, #tpu.memory_space<semaphore_mem>>
            %dma_start3A_244 = arith.constant 0 : i32
            %dma_start3A_245 = tpu.memref_slice %arg27[%multiple_of3A, %dma_start3A_244] : memref<10000x8xf32, #tpu.memory_space<vmem_shared>> -> memref<400x8xf32, #tpu.memory_space<vmem_shared>>
            %dma_start3A_246 = arith.constant 0 : i32
            %dma_start3A_247 = tpu.memref_slice %arg27[%multiple_of3A, %dma_start3A_246] : memref<10000x8xf32, #tpu.memory_space<vmem_shared>> -> memref<400x8xf32, #tpu.memory_space<vmem_shared>>
            tpu.enqueue_dma source(%dma_start3A_247 : memref<400x8xf32, #tpu.memory_space<vmem_shared>>) target(%arg24 : memref<400x8xf32, #tpu.memory_space<vmem>>) target_semaphore(%run_scoped3A_243 : memref<!tpu.dma_semaphore, #tpu.memory_space<semaphore_mem>>)
            %dma_wait3A_248 = arith.constant 0 : i32
            %dma_wait3A_249 = tpu.memref_slice %arg27[%multiple_of3A, %dma_wait3A_248] : memref<10000x8xf32, #tpu.memory_space<vmem_shared>> -> memref<400x8xf32, #tpu.memory_space<vmem_shared>>
            %dma_wait3A_250 = arith.constant 0 : i32
            %dma_wait3A_251 = tpu.memref_slice %arg27[%multiple_of3A, %dma_wait3A_250] : memref<10000x8xf32, #tpu.memory_space<vmem_shared>> -> memref<400x8xf32, #tpu.memory_space<vmem_shared>>
            tpu.wait_dma2 semaphore(%run_scoped3A_243 : memref<!tpu.dma_semaphore, #tpu.memory_space<semaphore_mem>>) src(%dma_wait3A_251 : memref<400x8xf32, #tpu.memory_space<vmem_shared>>) dst(%arg24 : memref<400x8xf32, #tpu.memory_space<vmem>>)
            tpu.yield
          }) : () -> ()
          "tpu.region"() ({
            %run_scoped3A_243 = tpu.sem_alloc : memref<!tpu.dma_semaphore, #tpu.memory_space<semaphore_mem>>
            %dma_start3A_244 = arith.constant 0 : i32
            %dma_start3A_245 = tpu.memref_slice %arg29[%multiple_of3A, %dma_start3A_244] : memref<10000x8xf32, #tpu.memory_space<vmem_shared>> -> memref<400x8xf32, #tpu.memory_space<vmem_shared>>
            %dma_start3A_246 = arith.constant 0 : i32
            %dma_start3A_247 = tpu.memref_slice %arg29[%multiple_of3A, %dma_start3A_246] : memref<10000x8xf32, #tpu.memory_space<vmem_shared>> -> memref<400x8xf32, #tpu.memory_space<vmem_shared>>
            tpu.enqueue_dma source(%dma_start3A_247 : memref<400x8xf32, #tpu.memory_space<vmem_shared>>) target(%arg22 : memref<400x8xf32, #tpu.memory_space<vmem>>) target_semaphore(%run_scoped3A_243 : memref<!tpu.dma_semaphore, #tpu.memory_space<semaphore_mem>>)
            %dma_wait3A_248 = arith.constant 0 : i32
            %dma_wait3A_249 = tpu.memref_slice %arg29[%multiple_of3A, %dma_wait3A_248] : memref<10000x8xf32, #tpu.memory_space<vmem_shared>> -> memref<400x8xf32, #tpu.memory_space<vmem_shared>>
            %dma_wait3A_250 = arith.constant 0 : i32
            %dma_wait3A_251 = tpu.memref_slice %arg29[%multiple_of3A, %dma_wait3A_250] : memref<10000x8xf32, #tpu.memory_space<vmem_shared>> -> memref<400x8xf32, #tpu.memory_space<vmem_shared>>
            tpu.wait_dma2 semaphore(%run_scoped3A_243 : memref<!tpu.dma_semaphore, #tpu.memory_space<semaphore_mem>>) src(%dma_wait3A_251 : memref<400x8xf32, #tpu.memory_space<vmem_shared>>) dst(%arg22 : memref<400x8xf32, #tpu.memory_space<vmem>>)
            tpu.yield
          }) : () -> ()
          %gather3A = tpu.vector_load_idx %arg26[%mul3A_194, %mul3A_194] : memref<8x8xf32, #tpu.memory_space<vmem>>[vector<16xi32>, vector<16xi32>], vector<16xf32>,
          %add3A_222 = arith.constant 1 : i32
          %add3A_223 = vector.broadcast %add3A_222 : i32 to vector<16xi32>
          %add3A_224 = arith.addi %mul3A_194, %add3A_223 : vector<16xi32>
          %gather3A_225 = tpu.vector_load_idx %arg26[%mul3A_194, %add3A_224] : memref<8x8xf32, #tpu.memory_space<vmem>>[vector<16xi32>, vector<16xi32>], vector<16xf32>,
          %add3A_226 = arith.constant 1 : i32
          %add3A_227 = vector.broadcast %add3A_226 : i32 to vector<16xi32>
          %add3A_228 = arith.addi %mul3A_194, %add3A_227 : vector<16xi32>
          %gather3A_229 = tpu.vector_load_idx %arg26[%add3A_228, %mul3A_194] : memref<8x8xf32, #tpu.memory_space<vmem>>[vector<16xi32>, vector<16xi32>], vector<16xf32>,
          %add3A_230 = arith.constant 1 : i32
          %add3A_231 = vector.broadcast %add3A_230 : i32 to vector<16xi32>
          %add3A_232 = arith.addi %mul3A_194, %add3A_231 : vector<16xi32>
          %add3A_233 = arith.constant 1 : i32
          %add3A_234 = vector.broadcast %add3A_233 : i32 to vector<16xi32>
          %add3A_235 = arith.addi %mul3A_194, %add3A_234 : vector<16xi32>
          %gather3A_236 = tpu.vector_load_idx %arg26[%add3A_232, %add3A_235] : memref<8x8xf32, #tpu.memory_space<vmem>>[vector<16xi32>, vector<16xi32>], vector<16xf32>,
          %scan3A_237 = arith.constant 0 : i32
          %scan3A_238 = arith.constant 0 : i32
          %scan3A_239 = arith.constant 25 : i32
          %scan3A_240 = arith.addi %scan3A_238, %scan3A_239 : i32
          %scan3A_241 = arith.constant 1 : i32
          scf.for %scan3A_243 = %scan3A_238 to %scan3A_240 step %scan3A_241  : i32 {
            %mul3A_244 = arith.constant 16 : i32
            %mul3A_245 = arith.muli %mul3A_244, %scan3A_243 : i32
            %add3A_246 = vector.broadcast %mul3A_245 : i32 to vector<16xi32>
            %add3A_247 = arith.addi %add3A_246, %iota3A : vector<16xi32>
            %gather3A_248 = tpu.vector_load_idx %arg21[%add3A_247, %mul3A_194] : memref<400x8xf32, #tpu.memory_space<vmem>>[vector<16xi32>, vector<16xi32>], vector<16xf32>,
            %add3A_249 = arith.constant 1 : i32
            %add3A_250 = vector.broadcast %add3A_249 : i32 to vector<16xi32>
            %add3A_251 = arith.addi %mul3A_194, %add3A_250 : vector<16xi32>
            %gather3A_252 = tpu.vector_load_idx %arg21[%add3A_247, %add3A_251] : memref<400x8xf32, #tpu.memory_space<vmem>>[vector<16xi32>, vector<16xi32>], vector<16xf32>,
            %gather3A_253 = tpu.vector_load_idx %arg24[%add3A_247, %mul3A_194] : memref<400x8xf32, #tpu.memory_space<vmem>>[vector<16xi32>, vector<16xi32>], vector<16xf32>,
            %add3A_254 = arith.constant 2 : i32
            %add3A_255 = vector.broadcast %add3A_254 : i32 to vector<16xi32>
            %add3A_256 = arith.addi %mul3A_194, %add3A_255 : vector<16xi32>
            %gather3A_257 = tpu.vector_load_idx %arg22[%add3A_247, %add3A_256] : memref<400x8xf32, #tpu.memory_space<vmem>>[vector<16xi32>, vector<16xi32>], vector<16xf32>,
            %mul3A_258 = arith.mulf %gather3A_253, %gather3A_248 : vector<16xf32>
            %mul3A_259 = arith.mulf %gather3A_257, %gather3A : vector<16xf32>
            %add3A_260 = arith.addf %mul3A_258, %mul3A_259 : vector<16xf32>
            %add3A_261 = arith.addf %add3A_260, %gather3A_229 : vector<16xf32>
            %mul3A_262 = arith.mulf %gather3A_253, %gather3A_252 : vector<16xf32>
            %mul3A_263 = arith.mulf %gather3A_257, %gather3A_225 : vector<16xf32>
            %add3A_264 = arith.addf %mul3A_262, %mul3A_263 : vector<16xf32>
            %add3A_265 = arith.addf %add3A_264, %gather3A_236 : vector<16xf32>
            %max3A = arith.maximumf %add3A_261, %add3A_265 : vector<16xf32>
            %sub3A = arith.subf %add3A_261, %max3A : vector<16xf32>
            %exp3A = math.exp %sub3A : vector<16xf32>
            %sub3A_266 = arith.subf %add3A_265, %max3A : vector<16xf32>
            %exp3A_267 = math.exp %sub3A_266 : vector<16xf32>
            %add3A_268 = arith.addf %exp3A, %exp3A_267 : vector<16xf32>
            %div3A = arith.divf %exp3A, %add3A_268 : vector<16xf32>
            tpu.vector_store_idx %arg25[%add3A_247, %mul3A_194], %div3A : memref<400x2xf32, #tpu.memory_space<vmem>>[vector<16xi32>, vector<16xi32>], vector<16xf32>,
            %add3A_269 = arith.constant 1 : i32
            %add3A_270 = vector.broadcast %add3A_269 : i32 to vector<16xi32>
            %add3A_271 = arith.addi %mul3A_194, %add3A_270 : vector<16xi32>
            %div3A_272 = arith.divf %exp3A_267, %add3A_268 : vector<16xf32>
            tpu.vector_store_idx %arg25[%add3A_247, %add3A_271], %div3A_272 : memref<400x2xf32, #tpu.memory_space<vmem>>[vector<16xi32>, vector<16xi32>], vector<16xf32>,
          }
          %scan3A_242 = arith.constant 25 : i32
          "tpu.region"() ({
            %run_scoped3A_243 = tpu.sem_alloc : memref<!tpu.dma_semaphore, #tpu.memory_space<semaphore_mem>>
            %dma_start3A_244 = arith.constant 0 : i32
            %dma_start3A_245 = tpu.memref_slice %arg7[%multiple_of3A, %dma_start3A_244] : memref<10000x2xf32, #tpu.memory_space<hbm>> -> memref<400x2xf32, #tpu.memory_space<hbm>>
            %dma_start3A_246 = arith.constant 0 : i32
            %dma_start3A_247 = tpu.memref_slice %arg7[%multiple_of3A, %dma_start3A_246] : memref<10000x2xf32, #tpu.memory_space<hbm>> -> memref<400x2xf32, #tpu.memory_space<hbm>>
            tpu.enqueue_dma source(%arg25 : memref<400x2xf32, #tpu.memory_space<vmem>>) target(%dma_start3A_247 : memref<400x2xf32, #tpu.memory_space<hbm>>) target_semaphore(%run_scoped3A_243 : memref<!tpu.dma_semaphore, #tpu.memory_space<semaphore_mem>>)
            %dma_wait3A_248 = arith.constant 0 : i32
            %dma_wait3A_249 = tpu.memref_slice %arg7[%multiple_of3A, %dma_wait3A_248] : memref<10000x2xf32, #tpu.memory_space<hbm>> -> memref<400x2xf32, #tpu.memory_space<hbm>>
            %dma_wait3A_250 = arith.constant 0 : i32
            %dma_wait3A_251 = tpu.memref_slice %arg7[%multiple_of3A, %dma_wait3A_250] : memref<10000x2xf32, #tpu.memory_space<hbm>> -> memref<400x2xf32, #tpu.memory_space<hbm>>
            tpu.wait_dma2 semaphore(%run_scoped3A_243 : memref<!tpu.dma_semaphore, #tpu.memory_space<semaphore_mem>>) src(%arg25 : memref<400x2xf32, #tpu.memory_space<vmem>>) dst(%dma_wait3A_251 : memref<400x2xf32, #tpu.memory_space<hbm>>)
            tpu.yield
          }) : () -> ()
        } else {
        }
      } else {
      }
    }
    %scan3A_200 = arith.constant 2 : i32
    return
  }
}

module attributes {stable_mosaic.version = 14 : i64} {
  func.func @ka(%arg0: i32, %arg1: memref<1000x128xf32, #tpu.memory_space<vmem>>, %arg2: memref<128x128xf32, #tpu.memory_space<vmem>>, %arg3: memref<128x8xf32, #tpu.memory_space<vmem>>, %arg4: memref<1x128xf32, #tpu.memory_space<vmem>>, %arg5: memref<1x8xf32, #tpu.memory_space<vmem>>, %arg6: memref<1000x8xf32, #tpu.memory_space<vmem>>, %arg7: memref<8x8xf32, #tpu.memory_space<vmem>>) attributes {dimension_semantics = [#tpu.dimension_semantics<arbitrary>], iteration_bounds = array<i64: 10>, scalar_prefetch = 0 : i64, scratch_operands = 0 : i64, tpu.core_type = #tpu.core_type<tc>, window_params = [{transform_indices = @transform_0, window_bounds = array<i64: 1000, 128>}, {pipeline_mode = #tpu.pipeline_mode<synchronous>, transform_indices = @transform_1, window_bounds = array<i64: 128, 128>}, {pipeline_mode = #tpu.pipeline_mode<synchronous>, transform_indices = @transform_2, window_bounds = array<i64: 128, 8>}, {pipeline_mode = #tpu.pipeline_mode<synchronous>, transform_indices = @transform_3, window_bounds = array<i64: 1, 128>}, {pipeline_mode = #tpu.pipeline_mode<synchronous>, transform_indices = @transform_4, window_bounds = array<i64: 1, 8>}, {transform_indices = @transform_5, window_bounds = array<i64: 1000, 8>}, {pipeline_mode = #tpu.pipeline_mode<synchronous>, transform_indices = @transform_6, window_bounds = array<i64: 8, 8>}]} {
    %get3A = arith.constant 0 : index
    %get3A_0 = arith.constant 0 : index
    %get3A_1 = vector.load %arg2[%get3A, %get3A_0] : memref<128x128xf32, #tpu.memory_space<vmem>>, vector<128x128xf32>
    %get3A_2 = arith.constant 0 : index
    %get3A_3 = arith.constant 0 : index
    %get3A_4 = vector.load %arg3[%get3A_2, %get3A_3] : memref<128x8xf32, #tpu.memory_space<vmem>>, vector<128x8xf32>
    %dot_general3A = arith.constant dense<0.000000e+00> : vector<128x8xf32>
    %dot_general3A_5 = tpu.matmul %get3A_1, %get3A_4, %dot_general3A {dimension_numbers = #tpu.dot_dimension_numbers<[1], [0], [0], [1], [0, 0, 1, 1], [], []>, transpose_lhs_hint = false} : vector<128x128xf32>, vector<128x8xf32>, vector<128x8xf32> -> vector<128x8xf32>
    %get3A_6 = arith.constant 0 : index
    %get3A_7 = arith.constant 0 : index
    %get3A_8 = vector.load %arg1[%get3A_6, %get3A_7] : memref<1000x128xf32, #tpu.memory_space<vmem>>, vector<1000x128xf32>
    %dot_general3A_9 = arith.constant dense<0.000000e+00> : vector<1000x8xf32>
    %dot_general3A_10 = tpu.matmul %get3A_8, %dot_general3A_5, %dot_general3A_9 {dimension_numbers = #tpu.dot_dimension_numbers<[1], [0], [0], [1], [0, 0, 1, 1], [], []>, transpose_lhs_hint = false} : vector<1000x128xf32>, vector<128x8xf32>, vector<1000x8xf32> -> vector<1000x8xf32>
    %iota3A = tpu.iota {dimensions = array<i32: 1>} : vector<1000x8xi32>
    %eq3A = arith.constant 2 : i32
    %eq3A_11 = vector.broadcast %eq3A : i32 to vector<1000x8xi32>
    %eq3A_12 = arith.cmpi eq, %iota3A, %eq3A_11 : vector<1000x8xi32>
    %jit3A = arith.constant 1.000000e+00 : f32
    %jit3A_13 = arith.constant 0.000000e+00 : f32
    %broadcast_in_dim3A = vector.broadcast %jit3A : f32 to vector<1000x8xf32>
    %broadcast_in_dim3A_14 = vector.broadcast %jit3A_13 : f32 to vector<1000x8xf32>
    %select_n3A = arith.select %eq3A_12, %broadcast_in_dim3A, %broadcast_in_dim3A_14 : vector<1000x8xi1>, vector<1000x8xf32>
    %add3A = arith.addf %dot_general3A_10, %select_n3A : vector<1000x8xf32>
    %swap3A = arith.constant 0 : index
    %swap3A_15 = arith.constant 0 : index
    %swap3A_16 = vector.load %arg6[%swap3A, %swap3A_15] : memref<1000x8xf32, #tpu.memory_space<vmem>>, vector<1000x8xf32>
    tpu.vector_store %arg6[%swap3A, %swap3A_15], %add3A {strides = array<i32>} : memref<1000x8xf32, #tpu.memory_space<vmem>>, vector<1000x8xf32>,
    %get3A_17 = arith.constant 0 : index
    %get3A_18 = arith.constant 0 : index
    %get3A_19 = vector.load %arg4[%get3A_17, %get3A_18] : memref<1x128xf32, #tpu.memory_space<vmem>>, vector<1x128xf32>
    %get3A_20 = arith.constant 0 : index
    %get3A_21 = arith.constant 0 : index
    %get3A_22 = vector.load %arg3[%get3A_20, %get3A_21] : memref<128x8xf32, #tpu.memory_space<vmem>>, vector<128x8xf32>
    %dot_general3A_23 = arith.constant dense<0.000000e+00> : vector<1x8xf32>
    %dot_general3A_24 = tpu.matmul %get3A_19, %get3A_22, %dot_general3A_23 {dimension_numbers = #tpu.dot_dimension_numbers<[1], [0], [0], [1], [0, 0, 1, 1], [], []>, transpose_lhs_hint = false} : vector<1x128xf32>, vector<128x8xf32>, vector<1x8xf32> -> vector<1x8xf32>
    %iota3A_25 = tpu.iota {dimensions = array<i32: 0>} : vector<8x8xi32>
    %eq3A_26 = arith.constant 0 : i32
    %eq3A_27 = vector.broadcast %eq3A_26 : i32 to vector<8x8xi32>
    %eq3A_28 = arith.cmpi eq, %iota3A_25, %eq3A_27 : vector<8x8xi32>
    %eq3A_29 = arith.constant 1 : i32
    %eq3A_30 = vector.broadcast %eq3A_29 : i32 to vector<8x8xi32>
    %eq3A_31 = arith.cmpi eq, %iota3A_25, %eq3A_30 : vector<8x8xi32>
    %get3A_32 = arith.constant 0 : index
    %get3A_33 = arith.constant 0 : index
    %get3A_34 = vector.load %arg5[%get3A_32, %get3A_33] : memref<1x8xf32, #tpu.memory_space<vmem>>, vector<1x8xf32>
    %jit3A_35 = arith.constant 0.000000e+00 : f32
    %broadcast_in_dim3A_36 = vector.shape_cast %get3A_34 : vector<1x8xf32> to vector<1x8xf32>
    %broadcast_in_dim3A_37 = vector.broadcast %broadcast_in_dim3A_36 : vector<1x8xf32> to vector<8x8xf32>
    %broadcast_in_dim3A_38 = vector.broadcast %jit3A_35 : f32 to vector<8x8xf32>
    %select_n3A_39 = arith.select %eq3A_31, %broadcast_in_dim3A_37, %broadcast_in_dim3A_38 : vector<8x8xi1>, vector<8x8xf32>
    %broadcast_in_dim3A_40 = vector.shape_cast %dot_general3A_24 : vector<1x8xf32> to vector<1x8xf32>
    %broadcast_in_dim3A_41 = vector.broadcast %broadcast_in_dim3A_40 : vector<1x8xf32> to vector<8x8xf32>
    %select_n3A_42 = arith.select %eq3A_28, %broadcast_in_dim3A_41, %select_n3A_39 : vector<8x8xi1>, vector<8x8xf32>
    %swap3A_43 = arith.constant 0 : index
    %swap3A_44 = arith.constant 0 : index
    %swap3A_45 = vector.load %arg7[%swap3A_43, %swap3A_44] : memref<8x8xf32, #tpu.memory_space<vmem>>, vector<8x8xf32>
    tpu.vector_store %arg7[%swap3A_43, %swap3A_44], %select_n3A_42 {strides = array<i32>} : memref<8x8xf32, #tpu.memory_space<vmem>>, vector<8x8xf32>,
    return
  }
  func.func @transform_0(%arg0: i32) -> (i32, i32) {
    %c0_i32 = arith.constant 0 : i32
    %c0_i32_0 = arith.constant 0 : i32
    return %arg0, %c0_i32 : i32, i32
  }
  func.func @transform_1(%arg0: i32) -> (i32, i32) {
    %c0_i32 = arith.constant 0 : i32
    %c0_i32_0 = arith.constant 0 : i32
    %c0_i32_1 = arith.constant 0 : i32
    return %c0_i32, %c0_i32_0 : i32, i32
  }
  func.func @transform_2(%arg0: i32) -> (i32, i32) {
    %c0_i32 = arith.constant 0 : i32
    %c0_i32_0 = arith.constant 0 : i32
    %c0_i32_1 = arith.constant 0 : i32
    return %c0_i32, %c0_i32_0 : i32, i32
  }
  func.func @transform_3(%arg0: i32) -> (i32, i32) {
    %c0_i32 = arith.constant 0 : i32
    %c0_i32_0 = arith.constant 0 : i32
    %c0_i32_1 = arith.constant 0 : i32
    return %c0_i32, %c0_i32_0 : i32, i32
  }
  func.func @transform_4(%arg0: i32) -> (i32, i32) {
    %c0_i32 = arith.constant 0 : i32
    %c0_i32_0 = arith.constant 0 : i32
    %c0_i32_1 = arith.constant 0 : i32
    return %c0_i32, %c0_i32_0 : i32, i32
  }
  func.func @transform_5(%arg0: i32) -> (i32, i32) {
    %c0_i32 = arith.constant 0 : i32
    %c0_i32_0 = arith.constant 0 : i32
    return %arg0, %c0_i32 : i32, i32
  }
  func.func @transform_6(%arg0: i32) -> (i32, i32) {
    %c0_i32 = arith.constant 0 : i32
    %c0_i32_0 = arith.constant 0 : i32
    %c0_i32_1 = arith.constant 0 : i32
    return %c0_i32, %c0_i32_0 : i32, i32
  }
}

</mosaic_0001>

<sc_bundles>
// kernel: kernel.4.cloned.1.call-start
scs
__scs_entry_jumppad:
0x0: {  	(pc) =	sbr.rel $0x88, $3  }
0x1: {  	(tag) =	ssettag $0x0;
	lr =	simm.s32 $0x1  }
0x2: {  	[smem:$0x3F9B] =	sst lr;
	_ =	strace $0xD0000000  }
0x3: {  	_ = 	snop  }
0x4: {  	_ = 	snop  }
0x5: {  	_ = 	snop  }
0x6: {  	_ = 	snop  }
0x7: {  	_ = 	snop  }
__scs_overlays_trampoline_lowered:
0x8: {  	[smem:$0x3FAA] =	sst s0  }
0x9: {  	[smem:$0x3FAB] =	sst s1  }
0xa: {  	[smem:$0x3FAC] =	sst s2  }
0xb: {  	[smem:$0x3FAD] =	sst s3  }
0xc: {  	[smem:$0x3FAE] =	sst s4  }
0xd: {  	[smem:$0x3FAF] =	sst s5  }
0xe: {  	[smem:$0x3FB0] =	sst s6  }
0xf: {  	[smem:$0x3FB1] =	sst s7  }
0x10: {  	[smem:$0x3FB2] =	sst s8  }
0x11: {  	[smem:$0x3FB3] =	sst s9;
	s0 =	simm.s32 @!p0 $0x0  }
0x12: {  	s1 =	sld [smem:$0x3F99];
	s0 =	simm.s32 @p0 $0x1  }
0x13: {  	[smem:$0x3FB4] =	sst s0;
	s0 =	simm.s32 @!p1 $0x0  }
0x14: {  	s2 =	sld [smem:$0x3F98];
	s0 =	simm.s32 @p1 $0x1  }
0x15: {  	[smem:$0x3FB5] =	sst s0;
	s0 =	simm.s32 @!p2 $0x0  }
0x16: {  	s3 =	sld [smem:$0x3FDB];
	s0 =	simm.s32 @p2 $0x1  }
0x17: {  	s4 =	simm.s32 $0x1BF5;
	[smem:$0x3FB7] =	sst s0  }
0x18: {  	s0 =	sld [smem:$0x3F9A];
	_ =	swait.ge [sflag:s4], $0x0  }
0x19: {  	s7 =	sld [smem:$0x3F9B]  }
0x1a: {  	s8 =	sadd.s32 $0xFFFFE003, lr  }
0x1b: {  	s9 =	sadd.s32 $0xFFFFFEF7, lr;
	s5 =	simm.s32 $0xFFFFFFFF;
	p2 =	slt.u32 s8, $0xFFFFF086  }
0x1c: {  	p1 =	slt.u32 s9, $0xF7A;
	s5 =	simm.s32 @!p2 $0x0  }
0x1d: {  	s5 =	simm.s32 @p1 $0x1;
	p0 =	seq.s32 s7, s2  }
0x1e: {  	s7 =	smul.u32 @!p0 $0xF7A, s2;
	p2 =	seq.s32 @!p0 s5, $0x0  }
0x1f: {  	s9 =	smul.u32 $0xF7A, s1;
	s8 =	simm.s32 @!p0 $0x1BF5;
	p2 =	por !p2, p0  }
0x20: {  	[sflag:s8] =	ssyncset.s32 @!p0 $0xFFFFF086;
	s6 =	sadd.s32 @!p0 s3, s7;
	s7 =	simm.s32 @!p0 $0x108  }
0x21: {  	s3 =	sadd.s32 s3, s9;
	s6 =	sadd.s32 @!p0 $0x88, s6;
	s7 =	simm.s32 @p2 $0x1082  }
0x22: {  	[simem:s7], [sflag:s8] =	dma.local @!p0 [hbm:s6], $0xF7A  }
0x23: {  	s9 =	sor.u32 $0xD0000000, s2;
	s6 =	simm.s32 $0x108;
	_ =	swait.ge @!p0 [sflag:s8], $0x0  }
0x24: {  	s3 =	sadd.s32 $0x88, s3;
	s6 =	simm.s32 @!p1 $0x1082;
	[sflag:s4] =	ssyncset.s32 $0xFFFFF086  }
0x25: {  	[simem:s6], [sflag:s4] =	dma.local [hbm:s3], $0xF7A  }
0x26: {  	[smem:$0x3F9B] =	sst s1;
	(tag) =	ssettag s2;
	_ =	strace s9  }
0x27: {  	s1 =	sld [smem:$0x3FAB]  }
0x28: {  	s2 =	sld [smem:$0x3FAC]  }
0x29: {  	s4 =	sld [smem:$0x3FAE]  }
0x2a: {  	p0 =	seq.s32 s5, $0x0;
	s5 =	sld [smem:$0x3FAF]  }
0x2b: {  	s6 =	sld [smem:$0x3FB0]  }
0x2c: {  	s7 =	sld [smem:$0x3FB1]  }
0x2d: {  	s3 =	simm.s32 $0x108;
	s8 =	sld [smem:$0x3FB2]  }
0x2e: {  	s3 =	simm.s32 @!p0 $0x1082;
	s9 =	sld [smem:$0x3FB3]  }
0x2f: {  	lr =	sadd.s32 s0, s3;
	s0 =	sld [smem:$0x3FAA]  }
0x30: {  	s3 =	sld [smem:$0x3FAD]  }
0x31: {  	[smem:$0x3FB6] =	sst s10  }
0x32: {  	s10 =	sld [smem:$0x3FB4];
	_ =	sdelay $0x3  }
0x33: {  	p0 =	seq.s32 s10, $0x1;
	s10 =	sld [smem:$0x3FB6];
	_ =	sdelay $0x3  }
0x34: {  	[smem:$0x3FB6] =	sst s10  }
0x35: {  	s10 =	sld [smem:$0x3FB5];
	_ =	sdelay $0x3  }
0x36: {  	p1 =	seq.s32 s10, $0x1;
	s10 =	sld [smem:$0x3FB6];
	_ =	sdelay $0x3  }
0x37: {  	[smem:$0x3FB6] =	sst s10  }
0x38: {  	s10 =	sld [smem:$0x3FB7]  }
0x39: {  	_ = 	snop;
	(pc) =	sbr.ind lr, $3  }
0x3a: {  	_ = 	snop  }
0x3b: {  	_ = 	snop  }
0x3c: {  	p2 =	seq.s32 s10, $0x1;
	s10 =	sld [smem:$0x3FB6]  }
0x3d: {  	_ =	shalt  }
0x3e: {  	_ =	shalt  }
0x3f: {  	_ =	shalt  }
0x40: {  	_ =	shalt  }
0x41: {  	_ =	shalt  }
0x42: {  	_ =	shalt  }
0x43: {  	_ =	shalt  }
0x44: {  	_ =	shalt  }
0x45: {  	_ =	shalt  }
0x46: {  	_ =	shalt  }
0x47: {  	_ =	shalt  }
0x48: {  	_ =	shalt  }
0x49: {  	_ =	shalt  }
0x4a: {  	_ =	shalt  }
0x4b: {  	_ =	shalt  }
0x4c: {  	_ =	shalt  }
0x4d: {  	_ =	shalt  }
0x4e: {  	_ =	shalt  }
0x4f: {  	_ =	shalt  }
0x50: {  	_ =	shalt  }
0x51: {  	_ =	shalt  }
0x52: {  	_ =	shalt  }
0x53: {  	_ =	shalt  }
0x54: {  	_ =	shalt  }
0x55: {  	_ =	shalt  }
0x56: {  	_ =	shalt  }
0x57: {  	_ =	shalt  }
0x58: {  	_ =	shalt  }
0x59: {  	_ =	shalt  }
0x5a: {  	_ =	shalt  }
0x5b: {  	_ =	shalt  }
0x5c: {  	_ =	shalt  }
0x5d: {  	_ =	shalt  }
0x5e: {  	_ =	shalt  }
0x5f: {  	_ =	shalt  }
0x60: {  	_ =	shalt  }
0x61: {  	_ =	shalt  }
0x62: {  	_ =	shalt  }
0x63: {  	_ =	shalt  }
0x64: {  	_ =	shalt  }
0x65: {  	_ =	shalt  }
0x66: {  	_ =	shalt  }
0x67: {  	_ =	shalt  }
0x68: {  	_ =	shalt  }
0x69: {  	_ =	shalt  }
0x6a: {  	_ =	shalt  }
0x6b: {  	_ =	shalt  }
0x6c: {  	_ =	shalt  }
0x6d: {  	_ =	shalt  }
0x6e: {  	_ =	shalt  }
0x6f: {  	_ =	shalt  }
0x70: {  	_ =	shalt  }
0x71: {  	_ =	shalt  }
0x72: {  	_ =	shalt  }
0x73: {  	_ =	shalt  }
0x74: {  	_ =	shalt  }
0x75: {  	_ =	shalt  }
0x76: {  	_ =	shalt  }
0x77: {  	_ =	shalt  }
0x78: {  	_ =	shalt  }
0x79: {  	_ =	shalt  }
0x7a: {  	_ =	shalt  }
0x7b: {  	_ =	shalt  }
0x7c: {  	_ =	shalt  }
0x7d: {  	_ =	shalt  }
0x7e: {  	_ =	shalt  }
0x7f: {  	_ =	shalt  }
0x80: {  	_ =	shalt  }
0x81: {  	_ =	shalt  }
0x82: {  	_ =	shalt  }
0x83: {  	_ =	shalt  }
0x84: {  	_ =	shalt  }
0x85: {  	_ =	shalt  }
0x86: {  	_ =	shalt  }
0x87: {  	_ =	shalt  }
.Lfunc_end0:
.L_simem_size_0:
called_computation_lowered:
.L_overlay_start_0:
0x88: {  	s2 =	sld [smem:$0x3FD9]  }
0x89: {  	s3 =	sld [smem:$0x3FFE];
	_ =	sdelay $0x1  }
0x8a: {  	s1 =	srdreg.scid  }
0x8b: {  	s0 =	sand.u32 $0x1, s1  }
0x8c: {  	s17 =	sshll.u32 s0, $0xA;
	s2 =	sadd.s32 s3, s2  }
0x8d: {  	s2 =	sadd.s32 s2, s17  }
0x8e: {  	[smem:$0x3FC2] =	sst s2  }
0x8f: {  	_ = 	snop  }
0x90: {  	s2 =	sld [smem:$0x3FD0];
	(tm) =	ssettm $0x1  }
0x91: {  	s18 =	sld [smem:$0x3FFB];
	_ =	sdelay $0x3  }
0x92: {  	_ =	strace s18  }
0x93: {  	s3 =	sld [smem:$0x3FFC];
	_ =	sdelay $0x3  }
0x94: {  	_ =	strace s3  }
0x95: {  	s3 =	sld [smem:$0x3FFD];
	_ =	sdelay $0x3  }
0x96: {  	_ =	strace s3  }
0x97: {  	_ =	strace $0x8FFFFFFF  }
0x98: {  	s19 =	sld [smem:$0x3FDB];
	_ =	sdelay $0x1  }
0x99: {  	s4 =	simm.s32 $_scs_section_size  }
0x9a: {  	s5 =	simm.s32 $_size__tile_overlayer_lowered;
	s6 =	simm.s32 $_tile_overlayer_lowered  }
0x9b: {  	s22 =	simm.s32 $0x1BFF;
	s21 =	sshll.u32 s6, $0x1;
	s3 =	sadd.s32 s4, s19  }
0x9c: {  	s7 =	simm.s32 $0x0;
	s20 =	sshll.u32 s5, $0x1;
	s5 =	sadd.s32 s21, s3  }
0x9d: {  	[timem:s7], [sflag:s22] =	dma.local [hbm:s5], s20  }
0x9e: {  	_ =	swait.ge [sflag:s22], s20  }
0x9f: {  	s4 =	ssub.s32 $0x0, s20;
	[sflag:s22] =	ssyncset.done $0x0  }
0xa0: {  	[sflag:s22] =	ssyncadd.s32 s4;
	_ =	sdelay $0x1  }
0xa1: {  	s23 =	simm.s32 $0x1B8B  }
0xa2: {  	_ =	swait.ge [sflag:s23], $0x1  }
0xa3: {  	[sflag:s23] =	ssyncset.done $0x0  }
0xa4: {  	s25 =	simm.s32 $0x1B8E;
	s24 =	sld [smem:$0x3FFE];
	[sflag:s23] =	ssyncadd.s32 $0xFFFFFFFF  }
0xa5: {  	s26 =	simm.s32 $execute0_lowered;
	[smem:$0x3FD2] =	sst s25  }
0xa6: {  	s5 =	sshll.u32 s26, $0x1;
	_ =	strace $0x80000046;
	[dreg:$0x1] =	wrdreg $0xFFFFFFFF  }
0xa7: {  	s28 =	simm.s32 $_size_execute0_lowered;
	s3 =	sadd.s32 s3, s5;
	[dreg:$0x0] =	wrdreg $0x0  }
0xa8: {  	s5 =	sshll.u32 s28, $0x1;
	[dreg:$0x2] =	wrdreg s3  }
0xa9: {  	[dreg:$0x3] =	wrdreg s5  }
0xaa: {  	[dreg:$0x4] =	wrdreg $0xC0  }
0xab: {  	_ =	task [dreg:s7], $0x5FFFF  }
0xac: {  	[dreg:$0x1] =	wrdreg $0xFFFFFFFF  }
0xad: {  	[dreg:$0x0] =	wrdreg $0x60  }
0xae: {  	[dreg:$0x2] =	wrdreg s24  }
0xaf: {  	[dreg:$0x3] =	wrdreg s2  }
0xb0: {  	[dreg:$0x4] =	wrdreg $0x109B80  }
0xb1: {  	[dreg:$0x5] =	wrdreg $0x11D400  }
0xb2: {  	[dreg:$0x6] =	wrdreg $0x130C80  }
0xb3: {  	[dreg:$0x7] =	wrdreg $0x144500  }
0xb4: {  	[dreg:$0x8] =	wrdreg $0x9  }
0xb5: {  	_ =	task.clear_ibuf [dreg:s7], $0x9FFFF;
	_ =	strace $0x90000046  }
0xb6: {  	s29 =	simm.s32 $0x9;
	_ =	strace $0x80000048  }
0xb7: {  	_ =	swait.ge [sflag:s29], $0x1  }
0xb8: {  	[sflag:s29] =	ssyncadd.s32 $0xFFFFFFFF  }
0xb9: {  	_ =	strace $0x90000048  }
0xba: {  	_ =	sfence  }
0xbb: {  	s30 =	sld [smem:$0x0];
	_ =	sdelay $0x2  }
0xbc: {  	s31 =	sshll.u32 s1, $0xD;
	s1 =	sshrl.u32 s1, $0x2  }
0xbd: {  	s3 =	sand.u32 $0x4000, s31;
	s1 =	sadd.s32 s1, s30  }
0xbe: {  	s0 =	sor.u32 s3, s0;
	s1 =	sshll.u32 s1, $0x11  }
0xbf: {  	s0 =	sor.u32 s1, s0  }
0xc0: {  	s0 =	sadd.s32 $0x8F2B, s0  }
0xc1: {  	[sflag:s0] =	ssyncadd.remote.s32 $0x1  }
0xc2: {  	_ =	sfence.sel $0xFFFF  }
0xc3: {  	[dreg:$0x0] =	wrdreg $0xFFFFFFFF;
	(pc) =	sbr.abs _section_cstart, $3  }
0xc4: {  	[dreg:$0x1] =	wrdreg $0xFFFFFFFF  }
0xc5: {  	_ =	task.clear_ibuf [dreg:s7], $0x2FFFF;
	_ =	strace $0x9FFFFFFF  }
0xc6: {  	(tm) =	ssettm $0x7FFFFFFF  }
0xc7: {  	_ =	shalt  }
tec
execute0_lowered:
.L_overlay_start_1:
0x0: {  	(tag) =	ssettag $0x1  }
0x1: {  	s0 =	rddreg [dreg:$0x0]  }
0x2: {  	s3 =	rddreg [dreg:$0x2]  }
0x3: {  	s4 =	rddreg [dreg:$0x3]  }
0x4: {  	s5 =	rddreg [dreg:$0x4];
	s12 =	stileid.u32  }
0x5: {  	s6 =	rddreg [dreg:$0x5];
	s14 =	simm.s32 $0x0;
	s2 =	srdreg.scid  }
0x6: {  	s29 =	simm.s32 $0x7D;
	s31 =	simm.s32 $0x1;
	s30 =	simm.s32 $0x18  }
0x7: {  	s1 =	smul.u32 $0x5000, s12;
	[smem:$0x7FF] =	sst s14;
	s2 =	sand.u32 $0x1, s2  }
0x8: {  	s17 =	sadd.s32 $0xE00, s0;
	s8 =	sadd.s32 $0x17800, s0;
	s10 =	sadd.s32 $0x3600, s0  }
0x9: {  	s24 =	sadd.s32 $0x1A000, s0;
	s11 =	sor.u32 $0x10, s12;
	s13 =	sand.u32 $0x1, s12  }
0xa: {  	_ =	strace $0x80000047;
	[dreg:$0x8] =	wrdreg s10;
	s10 =	smul.u32 $0xC80, s12  }
0xb: {  	s7 =	ssub.s32 $0x2, s2;
	s15 =	smul.u32 $0xC80, s11;
	p0 =	sgt.u32 s11, $0x18  }
0xc: {  	p1 =	sne.s32 s13, s2;
	s2 =	simm.s32 $0x2;
	[dreg:$0x7] =	wrdreg s17  }
0xd: {  	s11 =	simm.s32 $0xF;
	s13 =	simm.s32 $0xC;
	[dreg:$0x9] =	wrdreg s24  }
0xe: {  	s1 =	sshrl.u32 s1, $0x3;
	s9 =	sshrl.u32 s7, $0x1;
	s16 =	sadd.s32 s10, s3  }
0xf: {  	s1 =	sadd.s32 s1, s0;
	s19 =	sadd.s32 s15, s3;
	[dreg:$0xd] =	wrdreg s16  }
0x10: {  	s28 =	ssub.s32 s7, s9;
	s21 =	sadd.s32 s10, s5;
	[dreg:$0xf] =	wrdreg s19  }
0x11: {  	s18 =	sshrl.u32 s10, $0x3;
	s22 =	sadd.s32 s10, s4;
	[dreg:$0x11] =	wrdreg s21  }
0x12: {  	s20 =	sshrl.u32 s15, $0x3;
	s23 =	sadd.s32 s10, s6;
	[dreg:$0x12] =	wrdreg s22  }
0x13: {  	s25 =	sadd.s32 s15, s5;
	s26 =	sadd.s32 s15, s4;
	[dreg:$0x13] =	wrdreg s23  }
0x14: {  	s7 =	simm.s32 $0xA;
	s9 =	sadd.s32 $0x3800, s1;
	[dreg:$0x14] =	wrdreg s25  }
0x15: {  	s1 =	sadd.s32 $0xD800, s1;
	s0 =	smax.u32 s28, $0x1;
	[dreg:$0x15] =	wrdreg s26  }
0x16: {  	s28 =	sadd.s32 s15, s6;
	s25 =	simm.s32 $0x17;
	s26 =	simm.s32 $0xA000  }
0x17: {  	s22 =	simm.s32 $0xD778;
	s23 =	simm.s32 $0xE3F8;
	[dreg:$0xa] =	wrdreg s9  }
.Ltmp0:
0x18: {  	s15 =	simm.s32 $0x11;
	[dreg:$0xb] =	wrdreg s1;
	(pc) =	sbr.rel .LBB2_1-.Ltmp0, $4  }
0x19: {  	v5 =	vlaneseq.u32;
	s19 =	simm.s32 $0xFCF8;
	[dreg:$0xc] =	wrdreg s0;
	s0 =	sadd.s32 s8, s18  }
0x1a: {  	v0 =	vshrl.u32 v5, $0x3;
	[dreg:$0x16] =	wrdreg s28;
	s1 =	simm.s32 $0xCAF8;
	s9 =	simm.s32 $0xF078  }
0x1b: {  	v2 =	vimm.s32 $0x1;
	v3 =	vimm.s32 $0x8;
	v0 =	vmul.u32 $0x8, v0;
	[dreg:$0xe] =	wrdreg s0;
	s0 =	sadd.s32 s8, s20;
	s20 =	simm.s32 $0xD  }
0x1c: {  	v4 =	vimm.s32 $0x9;
	v1 =	vand.u32 $0x7, v5;
	v5 =	vmul.u32 $0x8, v5;
	s8 =	simm.s32 $0x0;
	[dreg:$0x10] =	wrdreg s0;
	s0 =	simm.s32 $0x8  }
.LBB2_27:
0x1d: {  	s8 =	sadd.s32 $0x1, s8;
	s10 =	rddreg [dreg:$0xc]  }
0x1e: {  	p2 =	sne.s32 s8, s10  }
.Ltmp1:
0x1f: {  	_ = 	snop;
	(pc) =	sbr.rel @!p2 .LBB2_28-.Ltmp1, $1  }
0x20: {  	_ =	sdelay $0x3  }
.LBB2_1:
0x21: {  	s10 =	rddreg [dreg:$0xa]  }
0x22: {  	[tilespmem:s14], [sflag:$0x17] =	stream.linear.gather [hbm4b:s10+s14], $0x5000, $0x38;
	[tilespmem:$0x157D8] =	vst v63  }
0x23: {  	_ =	swait.ge [sflag:s25], $0x5000  }
0x24: {  	[sflag:s25] =	ssyncset.done $0x0  }
0x25: {  	s24 =	simm.s32 $0x5000;
	s21 =	rddreg [dreg:$0xb];
	[sflag:s25] =	ssyncadd.s32 $0xFFFFB000  }
0x26: {  	[tilespmem:s24], [sflag:$0x17] =	stream.linear.gather [hbm4b:s21+s14], $0x5000, $0x38;
	[tilespmem:$0x157D8] =	vst v63  }
0x27: {  	_ =	swait.ge [sflag:s25], $0x5000  }
0x28: {  	[sflag:s25] =	ssyncset.done $0x0  }
0x29: {  	[sflag:s25] =	ssyncadd.s32 $0xFFFFB000  }
0x2a: {  	s28 =	rddreg [dreg:$0x1]  }
0x2b: {  	[tilespmem:s26], [sflag:$0x17] =	stream.linear.gather [hbm4b:s28+s14], $0x3E8, $0x38;
	[tilespmem:$0x157D8] =	vst v63  }
0x2c: {  	_ =	swait.ge [sflag:s25], $0x3E8  }
0x2d: {  	[sflag:s25] =	ssyncset.done $0x0  }
0x2e: {  	s21 =	simm.s32 $0x10978;
	s16 =	rddreg [dreg:$0x8];
	[sflag:s25] =	ssyncadd.s32 $0xFFFFFC18  }
0x2f: {  	[tilespmem:s21], [sflag:$0x17] =	stream.linear.gather [hbm4b:s16+s14], $0x40, $0x38;
	[tilespmem:$0x157D8] =	vst v63  }
0x30: {  	_ =	swait.ge [sflag:s25], $0x40  }
0x31: {  	s18 =	sshll.u32 s12, $0x6;
	[sflag:s25] =	ssyncset.done $0x0  }
0x32: {  	s28 =	simm.s32 $0x17;
	[sflag:s25] =	ssyncadd.s32 $0xFFFFFFC0;
	s25 =	rddreg [dreg:$0xd]  }
0x33: {  	s21 =	sor.u32 $0x1C17, s18;
	s18 =	rddreg [dreg:$0xe];
	s16 =	sshrl.u32 s25, $0x3  }
0x34: {  	[spmem:s16], [sflag:s21] =	dma.local [hbm:s18], $0x190  }
0x35: {  	_ =	swait.ge [sflag:s28], $0x190  }
0x36: {  	[sflag:s28] =	ssyncset.done $0x0;
	s10 =	rddreg [dreg:$0xf]  }
0x37: {  	[sflag:s28] =	ssyncadd.s32 $0xFFFFFE70;
	s25 =	sshrl.u32 @!p0 s10, $0x3;
	s10 =	rddreg [dreg:$0x10]  }
0x38: {  	[spmem:s25], [sflag:s21] =	dma.local @!p0 [hbm:s10], $0x190  }
0x39: {  	s21 =	simm.s32 @!p0 $0x17  }
0x3a: {  	_ =	swait.ge @!p0 [sflag:s21], $0x190  }
0x3b: {  	[sflag:s21] =	ssyncset.done @!p0 $0x0  }
0x3c: {  	[sflag:s21] =	ssyncadd.s32 @!p0 $0xFFFFFE70  }
0x3d: {  	[bflag:$0x0] =	sbarrier.arrive $0xFFFF  }
0x3e: {  	[spmem:s3] =	stream.indirect.scatter.add.f32 [tilespmem:s26], [sflag:$0x1], $0x8, s24, s29, $0xb8;
	[tilespmem:$0x157D8] =	vst v63  }
0x3f: {  	s24 =	simm.s32 $0x5080  }
0x40: {  	[spmem:s3] =	stream.indirect.scatter.add.f32 [tilespmem:s26], [sflag:$0x2], $0x8, s24, s29, $0xb8;
	[tilespmem:$0x157D8] =	vst v63  }
0x41: {  	s25 =	simm.s32 $0x5100  }
0x42: {  	[spmem:s3] =	stream.indirect.scatter.add.f32 [tilespmem:s26], [sflag:$0x1], $0x8, s25, s29, $0xb8;
	[tilespmem:$0x157D8] =	vst v63  }
0x43: {  	_ =	swait.ge [sflag:s31], $0x3E8  }
0x44: {  	[sflag:s31] =	ssyncset.done $0x0  }
0x45: {  	s28 =	simm.s32 $0x5180;
	[sflag:s31] =	ssyncadd.s32 $0xFFFFFC18  }
0x46: {  	[spmem:s3] =	stream.indirect.scatter.add.f32 [tilespmem:s26], [sflag:$0x2], $0x8, s28, s29, $0xb8;
	[tilespmem:$0x157D8] =	vst v63  }
0x47: {  	_ =	swait.ge [sflag:s2], $0x3E8  }
0x48: {  	s21 =	simm.s32 $0xFFFFB200;
	s25 =	simm.s32 $0xFFFECC00;
	[sflag:s2] =	ssyncset.done $0x0  }
.LBB2_2:
0x49: {  	s28 =	sadd.s32 $0xA000, s21  }
0x4a: {  	[sflag:s2] =	ssyncadd.s32 $0xFFFFFC18;
	s14 =	smov.u32 s25;
	s24 =	sadd.s32 $0x400, s25  }
0x4b: {  	[spmem:s3] =	stream.indirect.scatter.add.f32 [tilespmem:s26], [sflag:$0x1], $0x8, s28, s29, $0xb8;
	[tilespmem:$0x157D8] =	vst v63  }
0x4c: {  	p2 =	sne.s32 s25, $0xFFFFFC00;
	_ =	swait.ge [sflag:s31], $0x3E8  }
.Ltmp2:
0x4d: {  	[sflag:s31] =	ssyncset.done $0x0;
	(pc) =	sbr.rel @p2 .LBB2_2-.Ltmp2, $4  }
0x4e: {  	s21 =	sadd.s32 $0xA080, s21;
	[sflag:s31] =	ssyncadd.s32 $0xFFFFFC18  }
0x4f: {  	[spmem:s3] =	stream.indirect.scatter.add.f32 [tilespmem:s26], [sflag:$0x2], $0x8, s21, s29, $0xb8;
	[tilespmem:$0x157D8] =	vst v63  }
0x50: {  	_ =	swait.ge [sflag:s2], $0x3E8  }
0x51: {  	s25 =	smov.u32 s24;
	s21 =	sshra.s32 s14, $0x2;
	[sflag:s2] =	ssyncset.done $0x0  }
0x52: {  	s14 =	sadd.s32 $0xA000, s21;
	[sflag:s2] =	ssyncadd.s32 $0xFFFFFC18  }
0x53: {  	[spmem:s3] =	stream.indirect.scatter.add.f32 [tilespmem:s26], [sflag:$0x1], $0x8, s14, s29, $0xb8;
	[tilespmem:$0x157D8] =	vst v63  }
0x54: {  	_ =	swait.ge [sflag:s31], $0x3E8  }
0x55: {  	[sflag:s31] =	ssyncset.done $0x0  }
0x56: {  	s28 =	sadd.s32 $0xA080, s21;
	[sflag:s31] =	ssyncadd.s32 $0xFFFFFC18  }
0x57: {  	[spmem:s3] =	stream.indirect.scatter.add.f32 [tilespmem:s26], [sflag:$0x2], $0x8, s28, s29, $0xb8;
	[tilespmem:$0x157D8] =	vst v63  }
0x58: {  	_ =	swait.ge [sflag:s2], $0x3E8  }
0x59: {  	[sflag:s2] =	ssyncset.done $0x0  }
0x5a: {  	[sflag:s2] =	ssyncadd.s32 $0xFFFFFC18  }
0x5b: {  	_ =	swait.ge [sflag:s31], $0x3E8  }
0x5c: {  	[sflag:s31] =	ssyncset.done $0x0  }
0x5d: {  	[sflag:s31] =	ssyncadd.s32 $0xFFFFFC18  }
.Ltmp3:
0x5e: {  	_ =	swait.ge [sflag:s2], $0x3E8;
	(pc) =	sbr.rel .LBB2_4-.Ltmp3, $4  }
0x5f: {  	[sflag:s2] =	ssyncset.done $0x0  }
0x60: {  	[sflag:s2] =	ssyncadd.s32 $0xFFFFFC18  }
0x61: {  	[bflag:$0x0] =	sbarrier.arrive $0xFFFF  }
0x62: {  	s21 =	simm.s32 $0x0;
	p3 =	por $0x1, $0x1  }
.LBB2_8:
.Ltmp4:
0x63: {  	(pc) =	sbr.rel @!p2 .LBB2_9-.Ltmp4, $2  }
0x64: {  	_ =	sdelay $0x2  }
0x65: {  	s21 =	simm.s32 $0x10;
	p3 =	por $0x0, $0x0  }
.LBB2_4:
0x66: {  	s21 =	sor.u32 s12, s21  }
0x67: {  	p4 =	sgt.u32 s21, $0x18  }
.Ltmp5:
0x68: {  	_ = 	snop;
	(pc) =	sbr.rel @p4 .LBB2_8-.Ltmp5, $2  }
0x69: {  	_ =	sdelay $0x2  }
0x6a: {  	p2 =	por p3, p3  }
0x6b: {  	s28 =	smul.u32 $0xC80, s21;
	_ =	sdelay $0x1  }
0x6c: {  	s14 =	simm.s32 $0x0;
	s21 =	sadd.s32 s28, s3  }
0x6d: {  	v6 =	vmov s14;
	[tilespmem:s1], [sflag:$0x18] =	stream.linear.gather [spmem:s21], $0xC80, $0x38;
	[tilespmem:$0x157D8] =	vst v63  }
0x6e: {  	v6 =	vshll.u32 v6, $0x3;
	_ =	swait.ge [sflag:s30], $0xC80  }
0x6f: {  	s24 =	sshrl.u32 s28, $0x3;
	v6 =	vor.u32 v0, v6;
	[sflag:s30] =	ssyncset.done $0x0  }
0x70: {  	s24 =	sadd.s32 s17, s24;
	v6 =	vor.u32 v1, v6;
	[sflag:s30] =	ssyncadd.s32 $0xFFFFF380  }
0x71: {  	[tilespmem:s22], [sflag:$0x18] =	stream.linear.gather [hbm4b:s24+s14], $0xC80, $0x38;
	[tilespmem:$0x157D8] =	vst v63  }
0x72: {  	_ =	swait.ge [sflag:s30], $0xC80  }
0x73: {  	[sflag:s30] =	ssyncset.done $0x0  }
0x74: {  	[sflag:s30] =	ssyncadd.s32 $0xFFFFF380  }
0x75: {  	v7 =	vld.idx.msk [tilespmem:v6+s1+$0x0], $0xffff;
	_ =	sdelay $0x4  }
0x76: {  	v7 =	vadd.f32 $1.000000000e+00, v7;
	_ =	sdelay $0x1  }
0x77: {  	v8 =	vshra.s32 v7, $0x1;
	v9 =	vmul.f32 $5.000000000e-01, v7  }
0x78: {  	v7 =	vsub.s32 $0x5F3759DF, v8  }
0x79: {  	v8 =	vmul.f32 v7, v9;
	_ =	sdelay $0x1  }
0x7a: {  	v8 =	vmul.f32 v7, v8;
	_ =	sdelay $0x1  }
0x7b: {  	v8 =	vsub.f32 $1.500000000e+00, v8;
	_ =	sdelay $0x1  }
0x7c: {  	v7 =	vmul.f32 v7, v8;
	_ =	sdelay $0x1  }
0x7d: {  	v8 =	vmul.f32 v7, v9;
	_ =	sdelay $0x1  }
0x7e: {  	v8 =	vmul.f32 v8, v7;
	_ =	sdelay $0x1  }
0x7f: {  	v8 =	vsub.f32 $1.500000000e+00, v8;
	_ =	sdelay $0x1  }
0x80: {  	v7 =	vmul.f32 v8, v7;
	_ =	sdelay $0x1  }
0x81: {  	v8 =	vmul.f32 v7, v9;
	_ =	sdelay $0x1  }
0x82: {  	v9 =	vmul.f32 v8, v7  }
0x83: {  	s25 =	simm.s32 $0x2;
	v8 =	vld.idx.msk [tilespmem:v6+s22+$0x0], $0xffff  }
0x84: {  	v10 =	vmov s25;
	v9 =	vsub.f32 $1.500000000e+00, v9  }
0x85: {  	s25 =	simm.s32 $0x4;
	v10 =	vshll.u32 v10, $0x3  }
.LBB2_6:
0x86: {  	p3 =	sne.s32 s25, $0x18E;
	v10 =	vor.u32 v0, v10;
	v7 =	vmul.f32 v9, v7  }
0x87: {  	v9 =	vor.u32 v1, v10  }
0x88: {  	v8 =	vmul.f32 v7, v8;
	_ =	sdelay $0x1  }
0x89: {  	[tilespmem:v6+s23+$0x0] =	vst.idx.msk $0xffff, v8  }
0x8a: {  	[tilespmem:v6+s9+$0x0] =	vst.idx.msk $0xffff, v7;
	v6 =	vmov v9  }
0x8b: {  	v7 =	vld.idx.msk [tilespmem:v9+s1+$0x0], $0xffff;
	_ =	sdelay $0x5  }
0x8c: {  	v7 =	vadd.f32 $1.000000000e+00, v7;
	_ =	sdelay $0x1  }
0x8d: {  	v8 =	vshra.s32 v7, $0x1;
	v9 =	vmul.f32 $5.000000000e-01, v7  }
0x8e: {  	v7 =	vsub.s32 $0x5F3759DF, v8  }
0x8f: {  	v8 =	vmul.f32 v7, v9;
	_ =	sdelay $0x1  }
0x90: {  	v8 =	vmul.f32 v7, v8;
	_ =	sdelay $0x1  }
0x91: {  	v8 =	vsub.f32 $1.500000000e+00, v8;
	_ =	sdelay $0x1  }
0x92: {  	v7 =	vmul.f32 v7, v8;
	_ =	sdelay $0x1  }
0x93: {  	v8 =	vmul.f32 v7, v9;
	_ =	sdelay $0x1  }
0x94: {  	v8 =	vmul.f32 v8, v7;
	_ =	sdelay $0x1  }
0x95: {  	v8 =	vsub.f32 $1.500000000e+00, v8;
	_ =	sdelay $0x1  }
0x96: {  	v7 =	vmul.f32 v8, v7;
	_ =	sdelay $0x1  }
0x97: {  	v8 =	vmul.f32 v7, v9  }
.Ltmp6:
0x98: {  	(pc) =	sbr.rel @p3 .LBB2_6-.Ltmp6, $3  }
0x99: {  	v9 =	vmul.f32 v8, v7;
	v8 =	vld.idx.msk [tilespmem:v6+s22+$0x0], $0xffff;
	_ =	sdelay $0x1  }
0x9a: {  	v10 =	vmov s25;
	v9 =	vsub.f32 $1.500000000e+00, v9  }
0x9b: {  	s25 =	sadd.s32 $0x2, s25;
	v10 =	vshll.u32 v10, $0x3  }
0x9c: {  	v10 =	vor.u32 v0, v10;
	v7 =	vmul.f32 v9, v7  }
0x9d: {  	v61 =	vor.u32 v1, v10  }
0x9e: {  	v8 =	vmul.f32 v7, v8;
	_ =	sdelay $0x1  }
0x9f: {  	[tilespmem:v6+s23+$0x0] =	vst.idx.msk $0xffff, v8  }
0xa0: {  	[tilespmem:v6+s9+$0x0] =	vst.idx.msk $0xffff, v7  }
0xa1: {  	v6 =	vld.idx.msk [tilespmem:v61+s1+$0x0], $0xffff;
	_ =	sdelay $0x4  }
0xa2: {  	v6 =	vadd.f32 $1.000000000e+00, v6;
	_ =	sdelay $0x1  }
0xa3: {  	v7 =	vshra.s32 v6, $0x1;
	v6 =	vmul.f32 $5.000000000e-01, v6  }
0xa4: {  	v7 =	vsub.s32 $0x5F3759DF, v7  }
0xa5: {  	v62 =	vmul.f32 v7, v6;
	_ =	sdelay $0x1  }
0xa6: {  	v8 =	vmul.f32 v7, v62;
	_ =	sdelay $0x1  }
0xa7: {  	v8 =	vsub.f32 $1.500000000e+00, v8;
	_ =	sdelay $0x1  }
0xa8: {  	v7 =	vmul.f32 v7, v8;
	_ =	sdelay $0x1  }
0xa9: {  	v8 =	vmul.f32 v7, v6;
	_ =	sdelay $0x1  }
0xaa: {  	v8 =	vmul.f32 v8, v7;
	_ =	sdelay $0x1  }
0xab: {  	v8 =	vsub.f32 $1.500000000e+00, v8;
	_ =	sdelay $0x1  }
0xac: {  	v7 =	vmul.f32 v8, v7;
	_ =	sdelay $0x1  }
0xad: {  	v6 =	vmul.f32 v7, v6;
	_ =	sdelay $0x1  }
0xae: {  	v6 =	vmul.f32 v6, v7  }
0xaf: {  	v63 =	vld.idx.msk [tilespmem:v61+s22+$0x0], $0xffff  }
0xb0: {  	v6 =	vsub.f32 $1.500000000e+00, v6;
	_ =	sdelay $0x1  }
0xb1: {  	v6 =	vmul.f32 v6, v7;
	_ =	sdelay $0x1  }
0xb2: {  	v7 =	vmul.f32 v6, v63;
	_ =	sdelay $0x1  }
0xb3: {  	[tilespmem:v61+s23+$0x0] =	vst.idx.msk $0xffff, v7  }
0xb4: {  	[tilespmem:v61+s9+$0x0] =	vst.idx.msk $0xffff, v6  }
0xb5: {  	[spmem:s21] =	stream.linear.scatter [tilespmem:s9], [sflag:$0x18], $0xC80, $0x38;
	[tilespmem:$0x157D8] =	vst v63  }
0xb6: {  	_ =	swait.ge [sflag:s30], $0xC80  }
0xb7: {  	[sflag:s30] =	ssyncset.done $0x0  }
0xb8: {  	s14 =	sadd.s32 s28, s4;
	[sflag:s30] =	ssyncadd.s32 $0xFFFFF380  }
0xb9: {  	[spmem:s14] =	stream.linear.scatter [tilespmem:s23], [sflag:$0x18], $0xC80, $0x38;
	[tilespmem:$0x157D8] =	vst v63  }
0xba: {  	_ =	swait.ge [sflag:s30], $0xC80  }
0xbb: {  	s28 =	sadd.s32 s28, s5;
	[sflag:s30] =	ssyncset.done $0x0  }
.Ltmp7:
0xbc: {  	s10 =	simm.s32 $0x17;
	[sflag:s30] =	ssyncadd.s32 $0xFFFFF380;
	(pc) =	sbr.rel .LBB2_8-.Ltmp7, $4  }
0xbd: {  	[spmem:s28] =	stream.linear.scatter [tilespmem:s23], [sflag:$0x17], $0xC80, $0x38;
	[tilespmem:$0x157D8] =	vst v63  }
0xbe: {  	_ =	swait.ge [sflag:s10], $0xC80  }
0xbf: {  	[sflag:s10] =	ssyncset.done $0x0  }
0xc0: {  	[sflag:s10] =	ssyncadd.s32 $0xFFFFF380  }
.LBB2_9:
0xc1: {  	[dreg:$0x17] =	wrdreg s8  }
0xc2: {  	s28 =	simm.s32 $0x0;
	s10 =	simm.s32 $0xA3E8;
	[bflag:$0x0] =	sbarrier.arrive $0xFFFF  }
0xc3: {  	[tilespmem:s10], [sflag:$0x3] =	stream.indirect.gather [spmem:s4], $0x8, s28, s29, $0xb8;
	[tilespmem:$0x157D8] =	vst v63  }
0xc4: {  	s16 =	simm.s32 $0x80;
	s12 =	simm.s32 $0xA7D0  }
0xc5: {  	[tilespmem:s12], [sflag:$0x4] =	stream.indirect.gather [spmem:s4], $0x8, s16, s29, $0xb8;
	[tilespmem:$0x157D8] =	vst v63  }
0xc6: {  	s17 =	simm.s32 $0x100;
	s18 =	simm.s32 $0xABB8  }
0xc7: {  	[tilespmem:s18], [sflag:$0x5] =	stream.indirect.gather [spmem:s4], $0x8, s17, s29, $0xb8;
	[tilespmem:$0x157D8] =	vst v63  }
0xc8: {  	s21 =	simm.s32 $0x180;
	s24 =	simm.s32 $0xAFA0  }
0xc9: {  	[tilespmem:s24], [sflag:$0x6] =	stream.indirect.gather [spmem:s4], $0x8, s21, s29, $0xb8;
	[tilespmem:$0x157D8] =	vst v63  }
0xca: {  	s25 =	simm.s32 $0x200;
	s12 =	simm.s32 $0xB388  }
0xcb: {  	[tilespmem:s12], [sflag:$0x7] =	stream.indirect.gather [spmem:s4], $0x8, s25, s29, $0xb8;
	[tilespmem:$0x157D8] =	vst v63  }
.LBB2_10:
0xcc: {  	s10 =	simm.s32 $0x3  }
0xcd: {  	_ =	swait.ge [sflag:s10], $0x3E8  }
0xce: {  	s21 =	sshra.s32 s28, $0x2;
	s17 =	simm.s32 $0xA3E8;
	[sflag:s10] =	ssyncset.done $0x0  }
0xcf: {  	p2 =	seq.s32 s28, $0x0;
	s14 =	sadd.s32 $0x5000, s21;
	[sflag:s10] =	ssyncadd.s32 $0xFFFFFC18  }
0xd0: {  	[spmem:s5] =	stream.indirect.scatter.add.f32 [tilespmem:s17], [sflag:$0xD], $0x8, s14, s29, $0xb8;
	[tilespmem:$0x157D8] =	vst v63  }
0xd1: {  	s14 =	simm.s32 @!p2 $0x12  }
0xd2: {  	_ =	swait.ge @!p2 [sflag:s14], $0x3E8  }
0xd3: {  	s16 =	simm.s32 $0xB770;
	[sflag:s14] =	ssyncset.done @!p2 $0x0  }
0xd4: {  	s24 =	simm.s32 $0x4;
	s18 =	sadd.s32 $0x280, s21;
	[sflag:s14] =	ssyncadd.s32 @!p2 $0xFFFFFC18  }
0xd5: {  	[tilespmem:s16], [sflag:$0x8] =	stream.indirect.gather [spmem:s4], $0x8, s18, s29, $0xb8;
	[tilespmem:$0x157D8] =	vst v63  }
0xd6: {  	_ =	swait.ge [sflag:s24], $0x3E8  }
0xd7: {  	s8 =	simm.s32 $0xA7D0;
	[sflag:s24] =	ssyncset.done $0x0  }
0xd8: {  	s25 =	sadd.s32 $0x5080, s21;
	s14 =	simm.s32 @!p2 $0x13;
	[sflag:s24] =	ssyncadd.s32 $0xFFFFFC18  }
0xd9: {  	[spmem:s5] =	stream.indirect.scatter.add.f32 [tilespmem:s8], [sflag:$0xE], $0x8, s25, s29, $0xb8;
	[tilespmem:$0x157D8] =	vst v63  }
0xda: {  	_ =	swait.ge @!p2 [sflag:s14], $0x3E8  }
0xdb: {  	s17 =	sadd.s32 $0x300, s21;
	[sflag:s14] =	ssyncset.done @!p2 $0x0  }
0xdc: {  	s18 =	simm.s32 $0xBB58;
	s24 =	simm.s32 $0x5;
	[sflag:s14] =	ssyncadd.s32 @!p2 $0xFFFFFC18  }
0xdd: {  	[tilespmem:s18], [sflag:$0x9] =	stream.indirect.gather [spmem:s4], $0x8, s17, s29, $0xb8;
	[tilespmem:$0x157D8] =	vst v63  }
0xde: {  	_ =	swait.ge [sflag:s24], $0x3E8  }
0xdf: {  	s25 =	sadd.s32 $0x5100, s21;
	[sflag:s24] =	ssyncset.done $0x0  }
0xe0: {  	s8 =	simm.s32 $0xABB8;
	s14 =	simm.s32 @!p2 $0x14;
	[sflag:s24] =	ssyncadd.s32 $0xFFFFFC18  }
0xe1: {  	[spmem:s5] =	stream.indirect.scatter.add.f32 [tilespmem:s8], [sflag:$0xF], $0x8, s25, s29, $0xb8;
	[tilespmem:$0x157D8] =	vst v63  }
0xe2: {  	_ =	swait.ge @!p2 [sflag:s14], $0x3E8  }
0xe3: {  	s10 =	sadd.s32 $0x380, s21;
	[sflag:s14] =	ssyncset.done @!p2 $0x0  }
0xe4: {  	s18 =	simm.s32 $0xBF40;
	[sflag:s14] =	ssyncadd.s32 @!p2 $0xFFFFFC18;
	s14 =	simm.s32 $0x6  }
0xe5: {  	[tilespmem:s18], [sflag:$0xA] =	stream.indirect.gather [spmem:s4], $0x8, s10, s29, $0xb8;
	[tilespmem:$0x157D8] =	vst v63  }
0xe6: {  	_ =	swait.ge [sflag:s14], $0x3E8  }
0xe7: {  	s17 =	sadd.s32 $0x5180, s21;
	[sflag:s14] =	ssyncset.done $0x0  }
0xe8: {  	s24 =	simm.s32 $0xAFA0;
	[sflag:s14] =	ssyncadd.s32 $0xFFFFFC18;
	s14 =	simm.s32 @!p2 $0x15  }
0xe9: {  	[spmem:s5] =	stream.indirect.scatter.add.f32 [tilespmem:s24], [sflag:$0x10], $0x8, s17, s29, $0xb8;
	[tilespmem:$0x157D8] =	vst v63  }
0xea: {  	_ =	swait.ge @!p2 [sflag:s14], $0x3E8  }
0xeb: {  	[sflag:s14] =	ssyncset.done @!p2 $0x0  }
0xec: {  	s25 =	sadd.s32 $0x400, s21;
	s8 =	simm.s32 $0xC328;
	[sflag:s14] =	ssyncadd.s32 @!p2 $0xFFFFFC18  }
0xed: {  	[tilespmem:s8], [sflag:$0xB] =	stream.indirect.gather [spmem:s4], $0x8, s25, s29, $0xb8;
	[tilespmem:$0x157D8] =	vst v63  }
0xee: {  	s8 =	simm.s32 $0x7  }
0xef: {  	_ =	swait.ge [sflag:s8], $0x3E8  }
0xf0: {  	[sflag:s8] =	ssyncset.done $0x0  }
0xf1: {  	s10 =	sadd.s32 $0x5200, s21;
	s14 =	simm.s32 @!p2 $0x16;
	[sflag:s8] =	ssyncadd.s32 $0xFFFFFC18  }
0xf2: {  	[spmem:s5] =	stream.indirect.scatter.add.f32 [tilespmem:s12], [sflag:$0x11], $0x8, s10, s29, $0xb8;
	[tilespmem:$0x157D8] =	vst v63  }
0xf3: {  	_ =	swait.ge @!p2 [sflag:s14], $0x3E8  }
0xf4: {  	[sflag:s14] =	ssyncset.done @!p2 $0x0  }
0xf5: {  	s8 =	simm.s32 $0xC710;
	s12 =	sadd.s32 $0x480, s21;
	[sflag:s14] =	ssyncadd.s32 @!p2 $0xFFFFFC18  }
0xf6: {  	[tilespmem:s8], [sflag:$0xC] =	stream.indirect.gather [spmem:s4], $0x8, s12, s29, $0xb8;
	[tilespmem:$0x157D8] =	vst v63  }
0xf7: {  	_ =	swait.ge [sflag:s0], $0x3E8  }
0xf8: {  	[sflag:s0] =	ssyncset.done $0x0  }
0xf9: {  	s17 =	sadd.s32 $0x5280, s21;
	[sflag:s0] =	ssyncadd.s32 $0xFFFFFC18  }
0xfa: {  	[spmem:s5] =	stream.indirect.scatter.add.f32 [tilespmem:s16], [sflag:$0x12], $0x8, s17, s29, $0xb8;
	[tilespmem:$0x157D8] =	vst v63  }
0xfb: {  	_ =	swait.ge [sflag:s20], $0x3E8  }
0xfc: {  	p2 =	seq.s32 s28, $0x12C00;
	[sflag:s20] =	ssyncset.done $0x0  }
0xfd: {  	s14 =	simm.s32 @p2 $0x9;
	[sflag:s20] =	ssyncadd.s32 $0xFFFFFC18  }
0xfe: {  	_ =	swait.ge @p2 [sflag:s14], $0x3E8  }
0xff: {  	[sflag:s14] =	ssyncset.done @p2 $0x0  }
0x100: {  	[sflag:s14] =	ssyncadd.s32 @p2 $0xFFFFFC18;
	s14 =	sshra.s32 @p2 s28, $0x2  }
0x101: {  	s25 =	simm.s32 @p2 $0x7D;
	s10 =	simm.s32 @p2 $0xBB58;
	s24 =	sadd.s32 @p2 $0x5300, s14  }
0x102: {  	[spmem:s5] =	stream.indirect.scatter.add.f32 @p2 [tilespmem:s10], [sflag:$0x13], $0x8, s24, s25, $0xb8;
	[tilespmem:$0x157D8] =	vst v63  }
0x103: {  	s10 =	simm.s32 @p2 $0xE  }
0x104: {  	_ =	swait.ge @p2 [sflag:s10], $0x3E8  }
0x105: {  	[sflag:s10] =	ssyncset.done @p2 $0x0  }
0x106: {  	[sflag:s10] =	ssyncadd.s32 @p2 $0xFFFFFC18;
	s10 =	sshra.s32 @!p2 s28, $0x2  }
0x107: {  	s12 =	simm.s32 @!p2 $0x7D;
	s17 =	simm.s32 @!p2 $0xA3E8;
	s24 =	sadd.s32 @!p2 $0x500, s10  }
0x108: {  	[tilespmem:s17], [sflag:$0x3] =	stream.indirect.gather @!p2 [spmem:s4], $0x8, s24, s12, $0xb8;
	[tilespmem:$0x157D8] =	vst v63  }
0x109: {  	s17 =	simm.s32 @!p2 $0x9  }
0x10a: {  	_ =	swait.ge @!p2 [sflag:s17], $0x3E8  }
0x10b: {  	[sflag:s17] =	ssyncset.done @!p2 $0x0  }
0x10c: {  	s24 =	simm.s32 @!p2 $0xBB58;
	[sflag:s17] =	ssyncadd.s32 @!p2 $0xFFFFFC18;
	s17 =	sadd.s32 @!p2 $0x5300, s10  }
0x10d: {  	[spmem:s5] =	stream.indirect.scatter.add.f32 @!p2 [tilespmem:s24], [sflag:$0x13], $0x8, s17, s12, $0xb8;
	[tilespmem:$0x157D8] =	vst v63  }
0x10e: {  	s17 =	simm.s32 @!p2 $0xE  }
0x10f: {  	_ =	swait.ge @!p2 [sflag:s17], $0x3E8  }
0x110: {  	[sflag:s17] =	ssyncset.done @!p2 $0x0  }
0x111: {  	s24 =	simm.s32 @!p2 $0xA7D0;
	[sflag:s17] =	ssyncadd.s32 @!p2 $0xFFFFFC18;
	s17 =	sadd.s32 @!p2 $0x580, s10  }
0x112: {  	[tilespmem:s24], [sflag:$0x4] =	stream.indirect.gather @!p2 [spmem:s4], $0x8, s17, s12, $0xb8;
	[tilespmem:$0x157D8] =	vst v63  }
0x113: {  	_ =	swait.ge [sflag:s7], $0x3E8  }
0x114: {  	[sflag:s7] =	ssyncset.done $0x0  }
0x115: {  	s24 =	sadd.s32 $0x5380, s21;
	[sflag:s7] =	ssyncadd.s32 $0xFFFFFC18  }
0x116: {  	[spmem:s5] =	stream.indirect.scatter.add.f32 [tilespmem:s18], [sflag:$0x14], $0x8, s24, s29, $0xb8;
	[tilespmem:$0x157D8] =	vst v63  }
0x117: {  	_ =	swait.ge [sflag:s11], $0x3E8  }
0x118: {  	[sflag:s11] =	ssyncset.done $0x0  }
0x119: {  	s17 =	simm.s32 @p2 $0xB;
	[sflag:s11] =	ssyncadd.s32 $0xFFFFFC18  }
0x11a: {  	_ =	swait.ge @p2 [sflag:s17], $0x3E8  }
0x11b: {  	[sflag:s17] =	ssyncset.done @p2 $0x0  }
0x11c: {  	s14 =	sadd.s32 @p2 $0x5400, s14;
	[sflag:s17] =	ssyncadd.s32 @p2 $0xFFFFFC18;
	s17 =	simm.s32 @p2 $0xC328  }
0x11d: {  	[spmem:s5] =	stream.indirect.scatter.add.f32 @p2 [tilespmem:s17], [sflag:$0x15], $0x8, s14, s25, $0xb8;
	[tilespmem:$0x157D8] =	vst v63  }
0x11e: {  	s14 =	simm.s32 @p2 $0x10  }
0x11f: {  	_ =	swait.ge @p2 [sflag:s14], $0x3E8  }
0x120: {  	[sflag:s14] =	ssyncset.done @p2 $0x0  }
0x121: {  	s17 =	simm.s32 @!p2 $0xABB8;
	[sflag:s14] =	ssyncadd.s32 @p2 $0xFFFFFC18;
	s14 =	sadd.s32 @!p2 $0x600, s10  }
0x122: {  	[tilespmem:s17], [sflag:$0x5] =	stream.indirect.gather @!p2 [spmem:s4], $0x8, s14, s12, $0xb8;
	[tilespmem:$0x157D8] =	vst v63  }
0x123: {  	s14 =	simm.s32 @!p2 $0xB  }
0x124: {  	_ =	swait.ge @!p2 [sflag:s14], $0x3E8  }
0x125: {  	[sflag:s14] =	ssyncset.done @!p2 $0x0  }
0x126: {  	s17 =	simm.s32 @!p2 $0xC328;
	[sflag:s14] =	ssyncadd.s32 @!p2 $0xFFFFFC18;
	s14 =	sadd.s32 @!p2 $0x5400, s10  }
0x127: {  	[spmem:s5] =	stream.indirect.scatter.add.f32 @!p2 [tilespmem:s17], [sflag:$0x15], $0x8, s14, s12, $0xb8;
	[tilespmem:$0x157D8] =	vst v63  }
0x128: {  	s14 =	simm.s32 @!p2 $0x10  }
0x129: {  	_ =	swait.ge @!p2 [sflag:s14], $0x3E8  }
0x12a: {  	[sflag:s14] =	ssyncset.done @!p2 $0x0  }
0x12b: {  	s10 =	sadd.s32 @!p2 $0x680, s10;
	[sflag:s14] =	ssyncadd.s32 @!p2 $0xFFFFFC18;
	s14 =	simm.s32 @!p2 $0xAFA0  }
0x12c: {  	[tilespmem:s14], [sflag:$0x6] =	stream.indirect.gather @!p2 [spmem:s4], $0x8, s10, s12, $0xb8;
	[tilespmem:$0x157D8] =	vst v63  }
0x12d: {  	_ =	swait.ge [sflag:s13], $0x3E8  }
0x12e: {  	[sflag:s13] =	ssyncset.done $0x0  }
.Ltmp8:
0x12f: {  	s25 =	sadd.s32 $0x5480, s21;
	[sflag:s13] =	ssyncadd.s32 $0xFFFFFC18;
	(pc) =	sbr.rel @p2 .LBB2_12-.Ltmp8, $4  }
0x130: {  	[spmem:s5] =	stream.indirect.scatter.add.f32 [tilespmem:s8], [sflag:$0x16], $0x8, s25, s29, $0xb8;
	[tilespmem:$0x157D8] =	vst v63  }
0x131: {  	_ =	swait.ge [sflag:s15], $0x3E8  }
0x132: {  	[sflag:s15] =	ssyncset.done $0x0  }
0x133: {  	s16 =	simm.s32 $0xB388;
	[sflag:s15] =	ssyncadd.s32 $0xFFFFFC18  }
.Ltmp9:
0x134: {  	(pc) =	sbr.rel .LBB2_10-.Ltmp9, $3  }
0x135: {  	_ =	sdelay $0x1  }
0x136: {  	s10 =	sadd.s32 $0x700, s21;
	s28 =	sadd.s32 $0x1400, s28;
	s12 =	simm.s32 $0xB388  }
0x137: {  	[tilespmem:s16], [sflag:$0x7] =	stream.indirect.gather [spmem:s4], $0x8, s10, s29, $0xb8;
	[tilespmem:$0x157D8] =	vst v63  }
.LBB2_12:
0x138: {  	s8 =	simm.s32 $0x12  }
0x139: {  	_ =	swait.ge [sflag:s8], $0x3E8  }
0x13a: {  	[sflag:s8] =	ssyncset.done $0x0  }
0x13b: {  	s17 =	simm.s32 $0x13;
	[sflag:s8] =	ssyncadd.s32 $0xFFFFFC18  }
0x13c: {  	_ =	swait.ge [sflag:s17], $0x3E8  }
0x13d: {  	[sflag:s17] =	ssyncset.done $0x0  }
0x13e: {  	s18 =	simm.s32 $0x14;
	[sflag:s17] =	ssyncadd.s32 $0xFFFFFC18  }
0x13f: {  	_ =	swait.ge [sflag:s18], $0x3E8  }
0x140: {  	[sflag:s18] =	ssyncset.done $0x0  }
0x141: {  	s21 =	simm.s32 $0x15;
	[sflag:s18] =	ssyncadd.s32 $0xFFFFFC18  }
0x142: {  	_ =	swait.ge [sflag:s21], $0x3E8  }
0x143: {  	[sflag:s21] =	ssyncset.done $0x0  }
0x144: {  	s24 =	simm.s32 $0x16;
	[sflag:s21] =	ssyncadd.s32 $0xFFFFFC18  }
0x145: {  	_ =	swait.ge [sflag:s24], $0x3E8  }
0x146: {  	[sflag:s24] =	ssyncset.done $0x0  }
0x147: {  	[sflag:s24] =	ssyncadd.s32 $0xFFFFFC18  }
0x148: {  	[bflag:$0x0] =	sbarrier.arrive $0xFFFF  }
0x149: {  	s10 =	simm.s32 $0x0;
	s12 =	rddreg [dreg:$0x11]  }
0x14a: {  	v6 =	vmov s10;
	[tilespmem:s1], [sflag:$0x18] =	stream.linear.gather [spmem:s12], $0xC80, $0x38;
	[tilespmem:$0x157D8] =	vst v63  }
0x14b: {  	v6 =	vshll.u32 v6, $0x3;
	_ =	swait.ge [sflag:s30], $0xC80  }
0x14c: {  	v6 =	vor.u32 v0, v6;
	[sflag:s30] =	ssyncset.done $0x0  }
0x14d: {  	v6 =	vor.u32 v1, v6;
	s25 =	rddreg [dreg:$0xd];
	[sflag:s30] =	ssyncadd.s32 $0xFFFFF380  }
0x14e: {  	[tilespmem:s9], [sflag:$0x18] =	stream.linear.gather [spmem:s25], $0xC80, $0x38;
	[tilespmem:$0x157D8] =	vst v63  }
0x14f: {  	_ =	swait.ge [sflag:s30], $0xC80  }
0x150: {  	[sflag:s30] =	ssyncset.done $0x0  }
0x151: {  	[sflag:s30] =	ssyncadd.s32 $0xFFFFF380  }
0x152: {  	v7 =	vld.idx.msk [tilespmem:v6+s9+$0x0], $0xffff;
	_ =	sdelay $0x1  }
0x153: {  	s28 =	simm.s32 $0x2;
	v8 =	vld.idx.msk [tilespmem:v6+s1+$0x0], $0xffff  }
0x154: {  	v9 =	vmov s28  }
0x155: {  	v9 =	vshll.u32 v9, $0x3;
	s21 =	simm.s32 $0x4  }
.LBB2_13:
0x156: {  	p2 =	sne.s32 s21, $0x18E;
	v9 =	vor.u32 v0, v9;
	v10 =	vmul.f32 v7, v7  }
0x157: {  	v9 =	vor.u32 v1, v9  }
0x158: {  	v7 =	vmul.f32 v7, v8;
	v10 =	vmul.f32 v10, v8;
	_ =	sdelay $0x1  }
0x159: {  	[tilespmem:v6+s23+$0x0] =	vst.idx.msk $0xffff, v10  }
0x15a: {  	[tilespmem:v6+s22+$0x0] =	vst.idx.msk $0xffff, v7;
	v6 =	vmov v9  }
0x15b: {  	v7 =	vld.idx.msk [tilespmem:v9+s9+$0x0], $0xffff  }
.Ltmp10:
0x15c: {  	(pc) =	sbr.rel @p2 .LBB2_13-.Ltmp10, $3  }
0x15d: {  	v8 =	vld.idx.msk [tilespmem:v9+s1+$0x0], $0xffff;
	_ =	sdelay $0x1  }
0x15e: {  	v9 =	vmov s21  }
0x15f: {  	s21 =	sadd.s32 $0x2, s21;
	v9 =	vshll.u32 v9, $0x3  }
0x160: {  	v9 =	vor.u32 v0, v9;
	v10 =	vmul.f32 v7, v7  }
0x161: {  	v9 =	vor.u32 v1, v9  }
0x162: {  	v10 =	vmul.f32 v10, v8  }
0x163: {  	v7 =	vmul.f32 v7, v8  }
0x164: {  	[tilespmem:v6+s23+$0x0] =	vst.idx.msk $0xffff, v10  }
0x165: {  	[tilespmem:v6+s22+$0x0] =	vst.idx.msk $0xffff, v7  }
0x166: {  	v6 =	vld.idx.msk [tilespmem:v9+s9+$0x0], $0xffff;
	_ =	sdelay $0x1  }
0x167: {  	v7 =	vld.idx.msk [tilespmem:v9+s1+$0x0], $0xffff;
	_ =	sdelay $0x2  }
0x168: {  	v63 =	vmul.f32 v6, v6;
	_ =	sdelay $0x1  }
0x169: {  	v8 =	vmul.f32 v63, v7  }
0x16a: {  	v6 =	vmul.f32 v6, v7  }
0x16b: {  	[tilespmem:v9+s23+$0x0] =	vst.idx.msk $0xffff, v8  }
0x16c: {  	s10 =	rddreg [dreg:$0x12];
	[tilespmem:v9+s22+$0x0] =	vst.idx.msk $0xffff, v6  }
0x16d: {  	[spmem:s10] =	stream.linear.scatter [tilespmem:s23], [sflag:$0x18], $0xC80, $0x38;
	[tilespmem:$0x157D8] =	vst v63  }
0x16e: {  	_ =	swait.ge [sflag:s30], $0xC80  }
0x16f: {  	[sflag:s30] =	ssyncset.done $0x0  }
0x170: {  	s25 =	rddreg [dreg:$0x13];
	[sflag:s30] =	ssyncadd.s32 $0xFFFFF380  }
0x171: {  	[spmem:s25] =	stream.linear.scatter [tilespmem:s23], [sflag:$0x18], $0xC80, $0x38;
	[tilespmem:$0x157D8] =	vst v63  }
0x172: {  	_ =	swait.ge [sflag:s30], $0xC80  }
0x173: {  	s14 =	simm.s32 $0x17;
	[sflag:s30] =	ssyncset.done $0x0  }
.Ltmp11:
0x174: {  	s28 =	rddreg [dreg:$0x11];
	[sflag:s30] =	ssyncadd.s32 $0xFFFFF380;
	(pc) =	sbr.rel @p0 .LBB2_18-.Ltmp11, $4  }
0x175: {  	[spmem:s28] =	stream.linear.scatter [tilespmem:s22], [sflag:$0x17], $0xC80, $0x38;
	[tilespmem:$0x157D8] =	vst v63  }
0x176: {  	_ =	swait.ge [sflag:s14], $0xC80  }
0x177: {  	[sflag:s14] =	ssyncset.done $0x0  }
0x178: {  	s17 =	simm.s32 $0xB388;
	[sflag:s14] =	ssyncadd.s32 $0xFFFFF380  }
0x179: {  	s10 =	simm.s32 $0x0;
	s12 =	rddreg [dreg:$0x14]  }
0x17a: {  	[tilespmem:s1], [sflag:$0x18] =	stream.linear.gather [spmem:s12], $0xC80, $0x38;
	v6 =	vmov s10;
	[tilespmem:$0x157D8] =	vst v63  }
0x17b: {  	_ =	swait.ge [sflag:s30], $0xC80;
	v6 =	vshll.u32 v6, $0x3  }
0x17c: {  	[sflag:s30] =	ssyncset.done $0x0;
	v6 =	vor.u32 v0, v6  }
0x17d: {  	s25 =	rddreg [dreg:$0xf];
	[sflag:s30] =	ssyncadd.s32 $0xFFFFF380;
	v6 =	vor.u32 v1, v6  }
0x17e: {  	[tilespmem:s9], [sflag:$0x18] =	stream.linear.gather [spmem:s25], $0xC80, $0x38;
	[tilespmem:$0x157D8] =	vst v63  }
0x17f: {  	_ =	swait.ge [sflag:s30], $0xC80  }
0x180: {  	[sflag:s30] =	ssyncset.done $0x0  }
0x181: {  	[sflag:s30] =	ssyncadd.s32 $0xFFFFF380  }
0x182: {  	v7 =	vld.idx.msk [tilespmem:v6+s9+$0x0], $0xffff;
	_ =	sdelay $0x1  }
0x183: {  	s28 =	simm.s32 $0x2;
	v8 =	vld.idx.msk [tilespmem:v6+s1+$0x0], $0xffff  }
0x184: {  	v9 =	vmov s28  }
0x185: {  	s21 =	simm.s32 $0x4;
	v9 =	vshll.u32 v9, $0x3  }
.LBB2_16:
0x186: {  	p2 =	sne.s32 s21, $0x18E;
	v9 =	vor.u32 v0, v9;
	v10 =	vmul.f32 v7, v7  }
0x187: {  	v9 =	vor.u32 v1, v9  }
0x188: {  	v7 =	vmul.f32 v7, v8;
	v10 =	vmul.f32 v10, v8;
	_ =	sdelay $0x1  }
0x189: {  	[tilespmem:v6+s23+$0x0] =	vst.idx.msk $0xffff, v10  }
0x18a: {  	[tilespmem:v6+s22+$0x0] =	vst.idx.msk $0xffff, v7;
	v6 =	vmov v9  }
0x18b: {  	v7 =	vld.idx.msk [tilespmem:v9+s9+$0x0], $0xffff  }
.Ltmp12:
0x18c: {  	(pc) =	sbr.rel @p2 .LBB2_16-.Ltmp12, $3  }
0x18d: {  	v8 =	vld.idx.msk [tilespmem:v9+s1+$0x0], $0xffff;
	_ =	sdelay $0x1  }
0x18e: {  	v9 =	vmov s21  }
0x18f: {  	s21 =	sadd.s32 $0x2, s21;
	v9 =	vshll.u32 v9, $0x3  }
0x190: {  	v9 =	vor.u32 v0, v9;
	v10 =	vmul.f32 v7, v7  }
0x191: {  	v9 =	vor.u32 v1, v9  }
0x192: {  	v10 =	vmul.f32 v10, v8  }
0x193: {  	v7 =	vmul.f32 v7, v8  }
0x194: {  	[tilespmem:v6+s23+$0x0] =	vst.idx.msk $0xffff, v10  }
0x195: {  	[tilespmem:v6+s22+$0x0] =	vst.idx.msk $0xffff, v7  }
0x196: {  	v6 =	vld.idx.msk [tilespmem:v9+s9+$0x0], $0xffff;
	_ =	sdelay $0x1  }
0x197: {  	v7 =	vld.idx.msk [tilespmem:v9+s1+$0x0], $0xffff;
	_ =	sdelay $0x2  }
0x198: {  	v63 =	vmul.f32 v6, v6;
	_ =	sdelay $0x1  }
0x199: {  	v8 =	vmul.f32 v63, v7  }
0x19a: {  	v6 =	vmul.f32 v6, v7  }
0x19b: {  	[tilespmem:v9+s23+$0x0] =	vst.idx.msk $0xffff, v8  }
0x19c: {  	s10 =	rddreg [dreg:$0x15];
	[tilespmem:v9+s22+$0x0] =	vst.idx.msk $0xffff, v6  }
0x19d: {  	[spmem:s10] =	stream.linear.scatter [tilespmem:s23], [sflag:$0x18], $0xC80, $0x38;
	[tilespmem:$0x157D8] =	vst v63  }
0x19e: {  	_ =	swait.ge [sflag:s30], $0xC80  }
0x19f: {  	[sflag:s30] =	ssyncset.done $0x0  }
0x1a0: {  	s25 =	rddreg [dreg:$0x16];
	[sflag:s30] =	ssyncadd.s32 $0xFFFFF380  }
0x1a1: {  	[spmem:s25] =	stream.linear.scatter [tilespmem:s23], [sflag:$0x18], $0xC80, $0x38;
	[tilespmem:$0x157D8] =	vst v63  }
0x1a2: {  	_ =	swait.ge [sflag:s30], $0xC80  }
0x1a3: {  	[sflag:s30] =	ssyncset.done $0x0  }
0x1a4: {  	s28 =	rddreg [dreg:$0x14];
	[sflag:s30] =	ssyncadd.s32 $0xFFFFF380  }
0x1a5: {  	[spmem:s28] =	stream.linear.scatter [tilespmem:s22], [sflag:$0x17], $0xC80, $0x38;
	[tilespmem:$0x157D8] =	vst v63  }
0x1a6: {  	_ =	swait.ge [sflag:s14], $0xC80  }
0x1a7: {  	[sflag:s14] =	ssyncset.done $0x0  }
0x1a8: {  	[sflag:s14] =	ssyncadd.s32 $0xFFFFF380  }
.LBB2_18:
0x1a9: {  	[bflag:$0x0] =	sbarrier.arrive $0xFFFF;
	s28 =	simm.s32 $0x0;
	s10 =	simm.s32 $0xA3E8  }
0x1aa: {  	[tilespmem:s10], [sflag:$0x3] =	stream.indirect.gather [spmem:s4], $0x8, s28, s29, $0xb8;
	[tilespmem:$0x157D8] =	vst v63  }
0x1ab: {  	s14 =	simm.s32 $0x80;
	s12 =	simm.s32 $0xA7D0  }
0x1ac: {  	[tilespmem:s12], [sflag:$0x4] =	stream.indirect.gather [spmem:s4], $0x8, s14, s29, $0xb8;
	[tilespmem:$0x157D8] =	vst v63  }
0x1ad: {  	s16 =	simm.s32 $0x100;
	s18 =	simm.s32 $0xABB8  }
0x1ae: {  	[tilespmem:s18], [sflag:$0x5] =	stream.indirect.gather [spmem:s4], $0x8, s16, s29, $0xb8;
	[tilespmem:$0x157D8] =	vst v63  }
0x1af: {  	s21 =	simm.s32 $0x180;
	s24 =	simm.s32 $0xAFA0  }
0x1b0: {  	[tilespmem:s24], [sflag:$0x6] =	stream.indirect.gather [spmem:s4], $0x8, s21, s29, $0xb8;
	[tilespmem:$0x157D8] =	vst v63  }
0x1b1: {  	s25 =	simm.s32 $0x200  }
0x1b2: {  	[tilespmem:s17], [sflag:$0x7] =	stream.indirect.gather [spmem:s4], $0x8, s25, s29, $0xb8;
	[tilespmem:$0x157D8] =	vst v63  }
.LBB2_19:
0x1b3: {  	s10 =	simm.s32 $0x3  }
0x1b4: {  	s21 =	sshra.s32 s28, $0x2;
	_ =	swait.ge [sflag:s10], $0x3E8  }
0x1b5: {  	s12 =	simm.s32 $0xA3E8;
	p2 =	seq.s32 s28, $0x0;
	[sflag:s10] =	ssyncset.done $0x0  }
0x1b6: {  	s16 =	sadd.s32 $0x5000, s21;
	[sflag:s10] =	ssyncadd.s32 $0xFFFFFC18;
	s10 =	simm.s32 @!p2 $0x12  }
0x1b7: {  	[spmem:s6] =	stream.indirect.scatter.add.f32 [tilespmem:s12], [sflag:$0xD], $0x8, s16, s29, $0xb8;
	[tilespmem:$0x157D8] =	vst v63  }
0x1b8: {  	_ =	swait.ge @!p2 [sflag:s10], $0x3E8  }
0x1b9: {  	s14 =	simm.s32 $0xB770;
	[sflag:s10] =	ssyncset.done @!p2 $0x0  }
0x1ba: {  	s24 =	simm.s32 $0x4;
	s18 =	sadd.s32 $0x280, s21;
	[sflag:s10] =	ssyncadd.s32 @!p2 $0xFFFFFC18  }
0x1bb: {  	[tilespmem:s14], [sflag:$0x8] =	stream.indirect.gather [spmem:s4], $0x8, s18, s29, $0xb8;
	[tilespmem:$0x157D8] =	vst v63  }
0x1bc: {  	_ =	swait.ge [sflag:s24], $0x3E8  }
0x1bd: {  	s8 =	simm.s32 $0xA7D0;
	[sflag:s24] =	ssyncset.done $0x0  }
0x1be: {  	s25 =	sadd.s32 $0x5080, s21;
	s10 =	simm.s32 @!p2 $0x13;
	[sflag:s24] =	ssyncadd.s32 $0xFFFFFC18  }
0x1bf: {  	[spmem:s6] =	stream.indirect.scatter.add.f32 [tilespmem:s8], [sflag:$0xE], $0x8, s25, s29, $0xb8;
	[tilespmem:$0x157D8] =	vst v63  }
0x1c0: {  	_ =	swait.ge @!p2 [sflag:s10], $0x3E8  }
0x1c1: {  	s12 =	sadd.s32 $0x300, s21;
	[sflag:s10] =	ssyncset.done @!p2 $0x0  }
0x1c2: {  	s16 =	simm.s32 $0xBB58;
	s18 =	simm.s32 $0x5;
	[sflag:s10] =	ssyncadd.s32 @!p2 $0xFFFFFC18  }
0x1c3: {  	[tilespmem:s16], [sflag:$0x9] =	stream.indirect.gather [spmem:s4], $0x8, s12, s29, $0xb8;
	[tilespmem:$0x157D8] =	vst v63  }
0x1c4: {  	_ =	swait.ge [sflag:s18], $0x3E8  }
0x1c5: {  	s24 =	sadd.s32 $0x5100, s21;
	[sflag:s18] =	ssyncset.done $0x0  }
0x1c6: {  	s25 =	simm.s32 $0xABB8;
	s10 =	simm.s32 @!p2 $0x14;
	[sflag:s18] =	ssyncadd.s32 $0xFFFFFC18  }
0x1c7: {  	[spmem:s6] =	stream.indirect.scatter.add.f32 [tilespmem:s25], [sflag:$0xF], $0x8, s24, s29, $0xb8;
	[tilespmem:$0x157D8] =	vst v63  }
0x1c8: {  	_ =	swait.ge @!p2 [sflag:s10], $0x3E8  }
0x1c9: {  	s8 =	sadd.s32 $0x380, s21;
	[sflag:s10] =	ssyncset.done @!p2 $0x0  }
0x1ca: {  	s12 =	simm.s32 $0x6;
	s18 =	simm.s32 $0xBF40;
	[sflag:s10] =	ssyncadd.s32 @!p2 $0xFFFFFC18  }
0x1cb: {  	[tilespmem:s18], [sflag:$0xA] =	stream.indirect.gather [spmem:s4], $0x8, s8, s29, $0xb8;
	[tilespmem:$0x157D8] =	vst v63  }
0x1cc: {  	_ =	swait.ge [sflag:s12], $0x3E8  }
0x1cd: {  	s16 =	sadd.s32 $0x5180, s21;
	[sflag:s12] =	ssyncset.done $0x0  }
0x1ce: {  	s24 =	simm.s32 $0xAFA0;
	s10 =	simm.s32 @!p2 $0x15;
	[sflag:s12] =	ssyncadd.s32 $0xFFFFFC18  }
0x1cf: {  	[spmem:s6] =	stream.indirect.scatter.add.f32 [tilespmem:s24], [sflag:$0x10], $0x8, s16, s29, $0xb8;
	[tilespmem:$0x157D8] =	vst v63  }
0x1d0: {  	_ =	swait.ge @!p2 [sflag:s10], $0x3E8  }
0x1d1: {  	[sflag:s10] =	ssyncset.done @!p2 $0x0  }
0x1d2: {  	s25 =	sadd.s32 $0x400, s21;
	s8 =	simm.s32 $0xC328;
	[sflag:s10] =	ssyncadd.s32 @!p2 $0xFFFFFC18  }
0x1d3: {  	[tilespmem:s8], [sflag:$0xB] =	stream.indirect.gather [spmem:s4], $0x8, s25, s29, $0xb8;
	[tilespmem:$0x157D8] =	vst v63  }
0x1d4: {  	s8 =	simm.s32 $0x7  }
0x1d5: {  	_ =	swait.ge [sflag:s8], $0x3E8  }
0x1d6: {  	[sflag:s8] =	ssyncset.done $0x0  }
0x1d7: {  	s16 =	sadd.s32 $0x5200, s21;
	s10 =	simm.s32 @!p2 $0x16;
	[sflag:s8] =	ssyncadd.s32 $0xFFFFFC18  }
0x1d8: {  	[spmem:s6] =	stream.indirect.scatter.add.f32 [tilespmem:s17], [sflag:$0x11], $0x8, s16, s29, $0xb8;
	[tilespmem:$0x157D8] =	vst v63  }
0x1d9: {  	_ =	swait.ge @!p2 [sflag:s10], $0x3E8  }
0x1da: {  	[sflag:s10] =	ssyncset.done @!p2 $0x0  }
0x1db: {  	s8 =	simm.s32 $0xC710;
	s17 =	sadd.s32 $0x480, s21;
	[sflag:s10] =	ssyncadd.s32 @!p2 $0xFFFFFC18  }
0x1dc: {  	[tilespmem:s8], [sflag:$0xC] =	stream.indirect.gather [spmem:s4], $0x8, s17, s29, $0xb8;
	[tilespmem:$0x157D8] =	vst v63  }
0x1dd: {  	_ =	swait.ge [sflag:s0], $0x3E8  }
0x1de: {  	[sflag:s0] =	ssyncset.done $0x0  }
0x1df: {  	s24 =	sadd.s32 $0x5280, s21;
	[sflag:s0] =	ssyncadd.s32 $0xFFFFFC18  }
0x1e0: {  	[spmem:s6] =	stream.indirect.scatter.add.f32 [tilespmem:s14], [sflag:$0x12], $0x8, s24, s29, $0xb8;
	[tilespmem:$0x157D8] =	vst v63  }
0x1e1: {  	_ =	swait.ge [sflag:s20], $0x3E8  }
0x1e2: {  	p2 =	seq.s32 s28, $0x12C00;
	[sflag:s20] =	ssyncset.done $0x0  }
0x1e3: {  	s10 =	simm.s32 @p2 $0x9;
	[sflag:s20] =	ssyncadd.s32 $0xFFFFFC18  }
0x1e4: {  	_ =	swait.ge @p2 [sflag:s10], $0x3E8  }
0x1e5: {  	[sflag:s10] =	ssyncset.done @p2 $0x0  }
0x1e6: {  	[sflag:s10] =	ssyncadd.s32 @p2 $0xFFFFFC18;
	s10 =	sshra.s32 @p2 s28, $0x2  }
0x1e7: {  	s17 =	simm.s32 @p2 $0xBB58;
	s14 =	simm.s32 @p2 $0x7D;
	s12 =	sadd.s32 @p2 $0x5300, s10  }
0x1e8: {  	[spmem:s6] =	stream.indirect.scatter.add.f32 @p2 [tilespmem:s17], [sflag:$0x13], $0x8, s12, s14, $0xb8;
	[tilespmem:$0x157D8] =	vst v63  }
0x1e9: {  	s12 =	simm.s32 @p2 $0xE  }
0x1ea: {  	_ =	swait.ge @p2 [sflag:s12], $0x3E8  }
0x1eb: {  	[sflag:s12] =	ssyncset.done @p2 $0x0  }
0x1ec: {  	[sflag:s12] =	ssyncadd.s32 @p2 $0xFFFFFC18;
	s12 =	sshra.s32 @!p2 s28, $0x2  }
0x1ed: {  	s25 =	simm.s32 @!p2 $0xA3E8;
	s24 =	simm.s32 @!p2 $0x7D;
	s17 =	sadd.s32 @!p2 $0x500, s12  }
0x1ee: {  	[tilespmem:s25], [sflag:$0x3] =	stream.indirect.gather @!p2 [spmem:s4], $0x8, s17, s24, $0xb8;
	[tilespmem:$0x157D8] =	vst v63  }
0x1ef: {  	s17 =	simm.s32 @!p2 $0x9  }
0x1f0: {  	_ =	swait.ge @!p2 [sflag:s17], $0x3E8  }
0x1f1: {  	[sflag:s17] =	ssyncset.done @!p2 $0x0  }
0x1f2: {  	s25 =	simm.s32 @!p2 $0xBB58;
	[sflag:s17] =	ssyncadd.s32 @!p2 $0xFFFFFC18;
	s17 =	sadd.s32 @!p2 $0x5300, s12  }
0x1f3: {  	[spmem:s6] =	stream.indirect.scatter.add.f32 @!p2 [tilespmem:s25], [sflag:$0x13], $0x8, s17, s24, $0xb8;
	[tilespmem:$0x157D8] =	vst v63  }
0x1f4: {  	s17 =	simm.s32 @!p2 $0xE  }
0x1f5: {  	_ =	swait.ge @!p2 [sflag:s17], $0x3E8  }
0x1f6: {  	[sflag:s17] =	ssyncset.done @!p2 $0x0  }
0x1f7: {  	s25 =	simm.s32 @!p2 $0xA7D0;
	[sflag:s17] =	ssyncadd.s32 @!p2 $0xFFFFFC18;
	s17 =	sadd.s32 @!p2 $0x580, s12  }
0x1f8: {  	[tilespmem:s25], [sflag:$0x4] =	stream.indirect.gather @!p2 [spmem:s4], $0x8, s17, s24, $0xb8;
	[tilespmem:$0x157D8] =	vst v63  }
0x1f9: {  	_ =	swait.ge [sflag:s7], $0x3E8  }
0x1fa: {  	[sflag:s7] =	ssyncset.done $0x0  }
0x1fb: {  	s25 =	sadd.s32 $0x5380, s21;
	[sflag:s7] =	ssyncadd.s32 $0xFFFFFC18  }
0x1fc: {  	[spmem:s6] =	stream.indirect.scatter.add.f32 [tilespmem:s18], [sflag:$0x14], $0x8, s25, s29, $0xb8;
	[tilespmem:$0x157D8] =	vst v63  }
0x1fd: {  	_ =	swait.ge [sflag:s11], $0x3E8  }
0x1fe: {  	[sflag:s11] =	ssyncset.done $0x0  }
0x1ff: {  	s17 =	simm.s32 @p2 $0xB;
	[sflag:s11] =	ssyncadd.s32 $0xFFFFFC18  }
0x200: {  	_ =	swait.ge @p2 [sflag:s17], $0x3E8  }
0x201: {  	[sflag:s17] =	ssyncset.done @p2 $0x0  }
0x202: {  	s10 =	sadd.s32 @p2 $0x5400, s10;
	[sflag:s17] =	ssyncadd.s32 @p2 $0xFFFFFC18;
	s17 =	simm.s32 @p2 $0xC328  }
0x203: {  	[spmem:s6] =	stream.indirect.scatter.add.f32 @p2 [tilespmem:s17], [sflag:$0x15], $0x8, s10, s14, $0xb8;
	[tilespmem:$0x157D8] =	vst v63  }
0x204: {  	s10 =	simm.s32 @p2 $0x10  }
0x205: {  	_ =	swait.ge @p2 [sflag:s10], $0x3E8  }
0x206: {  	[sflag:s10] =	ssyncset.done @p2 $0x0  }
0x207: {  	s14 =	simm.s32 @!p2 $0xABB8;
	[sflag:s10] =	ssyncadd.s32 @p2 $0xFFFFFC18;
	s10 =	sadd.s32 @!p2 $0x600, s12  }
0x208: {  	[tilespmem:s14], [sflag:$0x5] =	stream.indirect.gather @!p2 [spmem:s4], $0x8, s10, s24, $0xb8;
	[tilespmem:$0x157D8] =	vst v63  }
0x209: {  	s10 =	simm.s32 @!p2 $0xB  }
0x20a: {  	_ =	swait.ge @!p2 [sflag:s10], $0x3E8  }
0x20b: {  	[sflag:s10] =	ssyncset.done @!p2 $0x0  }
0x20c: {  	s14 =	simm.s32 @!p2 $0xC328;
	[sflag:s10] =	ssyncadd.s32 @!p2 $0xFFFFFC18;
	s10 =	sadd.s32 @!p2 $0x5400, s12  }
0x20d: {  	[spmem:s6] =	stream.indirect.scatter.add.f32 @!p2 [tilespmem:s14], [sflag:$0x15], $0x8, s10, s24, $0xb8;
	[tilespmem:$0x157D8] =	vst v63  }
0x20e: {  	s10 =	simm.s32 @!p2 $0x10  }
0x20f: {  	_ =	swait.ge @!p2 [sflag:s10], $0x3E8  }
0x210: {  	[sflag:s10] =	ssyncset.done @!p2 $0x0  }
0x211: {  	[sflag:s10] =	ssyncadd.s32 @!p2 $0xFFFFFC18;
	s10 =	sadd.s32 @!p2 $0x680, s12;
	s12 =	simm.s32 @!p2 $0xAFA0  }
0x212: {  	[tilespmem:s12], [sflag:$0x6] =	stream.indirect.gather @!p2 [spmem:s4], $0x8, s10, s24, $0xb8;
	[tilespmem:$0x157D8] =	vst v63  }
0x213: {  	_ =	swait.ge [sflag:s13], $0x3E8  }
0x214: {  	[sflag:s13] =	ssyncset.done $0x0  }
.Ltmp13:
0x215: {  	s25 =	sadd.s32 $0x5480, s21;
	[sflag:s13] =	ssyncadd.s32 $0xFFFFFC18;
	(pc) =	sbr.rel @p2 .LBB2_21-.Ltmp13, $4  }
0x216: {  	[spmem:s6] =	stream.indirect.scatter.add.f32 [tilespmem:s8], [sflag:$0x16], $0x8, s25, s29, $0xb8;
	[tilespmem:$0x157D8] =	vst v63  }
0x217: {  	_ =	swait.ge [sflag:s15], $0x3E8  }
0x218: {  	[sflag:s15] =	ssyncset.done $0x0  }
0x219: {  	s16 =	simm.s32 $0xB388;
	[sflag:s15] =	ssyncadd.s32 $0xFFFFFC18  }
.Ltmp14:
0x21a: {  	(pc) =	sbr.rel .LBB2_19-.Ltmp14, $3  }
0x21b: {  	_ =	sdelay $0x1  }
0x21c: {  	s10 =	sadd.s32 $0x700, s21;
	s28 =	sadd.s32 $0x1400, s28;
	s17 =	simm.s32 $0xB388  }
0x21d: {  	[tilespmem:s16], [sflag:$0x7] =	stream.indirect.gather [spmem:s4], $0x8, s10, s29, $0xb8;
	[tilespmem:$0x157D8] =	vst v63  }
.LBB2_21:
0x21e: {  	s8 =	simm.s32 $0x12  }
0x21f: {  	_ =	swait.ge [sflag:s8], $0x3E8  }
0x220: {  	[sflag:s8] =	ssyncset.done $0x0  }
0x221: {  	s21 =	simm.s32 $0x13;
	[sflag:s8] =	ssyncadd.s32 $0xFFFFFC18  }
0x222: {  	_ =	swait.ge [sflag:s21], $0x3E8  }
0x223: {  	[sflag:s21] =	ssyncset.done $0x0  }
0x224: {  	s24 =	simm.s32 $0x14;
	[sflag:s21] =	ssyncadd.s32 $0xFFFFFC18  }
0x225: {  	_ =	swait.ge [sflag:s24], $0x3E8  }
0x226: {  	[sflag:s24] =	ssyncset.done $0x0  }
0x227: {  	s25 =	simm.s32 $0x15;
	[sflag:s24] =	ssyncadd.s32 $0xFFFFFC18  }
0x228: {  	_ =	swait.ge [sflag:s25], $0x3E8  }
0x229: {  	[sflag:s25] =	ssyncset.done $0x0  }
0x22a: {  	s28 =	simm.s32 $0x16;
	[sflag:s25] =	ssyncadd.s32 $0xFFFFFC18  }
0x22b: {  	_ =	swait.ge [sflag:s28], $0x3E8  }
0x22c: {  	[sflag:s28] =	ssyncset.done $0x0  }
.Ltmp15:
0x22d: {  	[sflag:s28] =	ssyncadd.s32 $0xFFFFFC18;
	(pc) =	sbr.rel .LBB2_22-.Ltmp15, $4  }
0x22e: {  	[bflag:$0x0] =	sbarrier.arrive $0xFFFF  }
0x22f: {  	p3 =	por $0x1, $0x1;
	s17 =	rddreg [dreg:$0x7]  }
0x230: {  	s12 =	stileid.u32;
	s14 =	simm.s32 $0x0;
	s24 =	rddreg [dreg:$0x9]  }
0x231: {  	s21 =	simm.s32 $0x0;
	s25 =	simm.s32 $0x17;
	s8 =	rddreg [dreg:$0x17]  }
.LBB2_26:
.Ltmp16:
0x232: {  	(pc) =	sbr.rel @!p2 .LBB2_27-.Ltmp16, $2  }
0x233: {  	_ =	sdelay $0x2  }
0x234: {  	s21 =	simm.s32 $0x10;
	p3 =	por $0x0, $0x0  }
.LBB2_22:
0x235: {  	s21 =	sor.u32 s12, s21  }
0x236: {  	p2 =	sgt.u32 @!p1 s21, $0x18  }
0x237: {  	p4 =	por p1, p2  }
.Ltmp17:
0x238: {  	_ = 	snop;
	(pc) =	sbr.rel @p4 .LBB2_26-.Ltmp17, $2  }
0x239: {  	_ =	sdelay $0x2  }
0x23a: {  	p2 =	por p3, p3  }
0x23b: {  	s28 =	smul.u32 $0xC80, s21;
	_ =	sdelay $0x1  }
0x23c: {  	s10 =	sadd.s32 s28, s6  }
0x23d: {  	[tilespmem:s1], [sflag:$0x18] =	stream.linear.gather [spmem:s10], $0xC80, $0x38;
	[tilespmem:$0x157D8] =	vst v63  }
0x23e: {  	_ =	swait.ge [sflag:s30], $0xC80  }
0x23f: {  	[sflag:s30] =	ssyncset.done $0x0  }
0x240: {  	s18 =	sadd.s32 s28, s3;
	[sflag:s30] =	ssyncadd.s32 $0xFFFFF380  }
0x241: {  	[tilespmem:s9], [sflag:$0x18] =	stream.linear.gather [spmem:s18], $0xC80, $0x38;
	[tilespmem:$0x157D8] =	vst v63  }
0x242: {  	s21 =	simm.s32 $0x0;
	_ =	swait.ge [sflag:s30], $0xC80  }
0x243: {  	v6 =	vmov s21;
	[sflag:s30] =	ssyncset.done $0x0  }
0x244: {  	s16 =	sadd.s32 s28, s5;
	v6 =	vshll.u32 v6, $0x3;
	[sflag:s30] =	ssyncadd.s32 $0xFFFFF380  }
0x245: {  	v10 =	vor.u32 v5, v6;
	[tilespmem:s22], [sflag:$0x18] =	stream.linear.gather [spmem:s16], $0xC80, $0x38;
	[tilespmem:$0x157D8] =	vst v63  }
0x246: {  	v11 =	vor.u32 $0x1, v10;
	_ =	swait.ge [sflag:s30], $0xC80  }
0x247: {  	[sflag:s30] =	ssyncset.done $0x0  }
0x248: {  	v8 =	vor.u32 $0x2, v10;
	s18 =	simm.s32 $0x10978;
	[sflag:s30] =	ssyncadd.s32 $0xFFFFF380  }
0x249: {  	v6 =	vld.msk [tilespmem:s18+$0x0], $0xffff  }
0x24a: {  	v7 =	vld.idx.msk [tilespmem:v2+s18+$0x0], $0xffff  }
0x24b: {  	v12 =	vld.idx.msk [tilespmem:v11+s1+$0x0], $0xffff  }
0x24c: {  	v13 =	vld.idx.msk [tilespmem:v10+s1+$0x0], $0xffff  }
0x24d: {  	v14 =	vld.idx.msk [tilespmem:v8+s22+$0x0], $0xffff  }
0x24e: {  	v15 =	vld.idx.msk [tilespmem:v10+s9+$0x0], $0xffff;
	_ =	sdelay $0x2  }
0x24f: {  	v8 =	vld.idx.msk [tilespmem:v3+s18+$0x0], $0xffff  }
0x250: {  	v9 =	vld.idx.msk [tilespmem:v4+s18+$0x0], $0xffff;
	v16 =	vmul.f32 v14, v6;
	v14 =	vmul.f32 v14, v7  }
0x251: {  	v13 =	vmul.f32 v15, v13;
	v12 =	vmul.f32 v15, v12;
	_ =	sdelay $0x1  }
0x252: {  	v13 =	vadd.f32 v16, v13;
	v12 =	vadd.f32 v14, v12;
	_ =	sdelay $0x1  }
0x253: {  	v13 =	vadd.f32 v13, v8;
	v12 =	vadd.f32 v12, v9;
	_ =	sdelay $0x1  }
0x254: {  	v14 =	vmax.f32 v13, v12  }
0x255: {  	v13 =	vsub.f32 v13, v14  }
0x256: {  	v12 =	vsub.f32 v12, v14  }
0x257: {  	v13 =	vmul.f32 $1.442695020e+00, v13  }
0x258: {  	v12 =	vmul.f32 $1.442695020e+00, v12  }
0x259: {  	(erf) = vpow2.f32 v13  }
0x25a: {  	(erf) = vpow2.f32 v12;
	_ =	sdelay $0x7  }
0x25b: {  	v14 =	vpop (erf)  }
0x25c: {  	v15 =	vpop (erf)  }
0x25d: {  	v12 =	vadd.f32 v15, v14;
	_ =	sdelay $0x1  }
0x25e: {  	(erf) = vrcp.f32 v12;
	_ =	sdelay $0x6  }
0x25f: {  	s21 =	simm.s32 $0x10  }
0x260: {  	v12 =	vmov s21  }
0x261: {  	v12 =	vshll.u32 v12, $0x3;
	v17 =	vpop (erf)  }
0x262: {  	v12 =	vor.u32 v5, v12;
	v16 =	vmul.f32 v17, v14  }
0x263: {  	s21 =	simm.s32 $0x20;
	v13 =	vor.u32 $0x1, v12;
	v15 =	vmul.f32 v17, v15;
	v14 =	vor.u32 $0x2, v12  }
.LBB2_24:
0x264: {  	p3 =	sne.s32 s21, $0x180;
	[tilespmem:v10+s19+$0x0] =	vst.idx.msk $0xffff, v16;
	v10 =	vmov v12  }
0x265: {  	[tilespmem:v11+s19+$0x0] =	vst.idx.msk $0xffff, v15;
	v11 =	vmov v13  }
0x266: {  	v13 =	vld.idx.msk [tilespmem:v13+s1+$0x0], $0xffff  }
0x267: {  	v12 =	vld.idx.msk [tilespmem:v12+s1+$0x0], $0xffff  }
0x268: {  	v14 =	vld.idx.msk [tilespmem:v14+s22+$0x0], $0xffff  }
0x269: {  	v15 =	vld.idx.msk [tilespmem:v10+s9+$0x0], $0xffff;
	_ =	sdelay $0x4  }
0x26a: {  	v16 =	vmul.f32 v14, v6;
	v14 =	vmul.f32 v14, v7  }
0x26b: {  	v12 =	vmul.f32 v15, v12;
	v13 =	vmul.f32 v15, v13;
	_ =	sdelay $0x1  }
0x26c: {  	v12 =	vadd.f32 v16, v12;
	v13 =	vadd.f32 v14, v13;
	_ =	sdelay $0x1  }
0x26d: {  	v12 =	vadd.f32 v12, v8;
	v13 =	vadd.f32 v13, v9;
	_ =	sdelay $0x1  }
0x26e: {  	v14 =	vmax.f32 v12, v13  }
0x26f: {  	v12 =	vsub.f32 v12, v14  }
0x270: {  	v13 =	vsub.f32 v13, v14  }
0x271: {  	v12 =	vmul.f32 $1.442695020e+00, v12  }
0x272: {  	v13 =	vmul.f32 $1.442695020e+00, v13  }
0x273: {  	(erf) = vpow2.f32 v12  }
0x274: {  	(erf) = vpow2.f32 v13;
	_ =	sdelay $0x7  }
0x275: {  	v14 =	vpop (erf)  }
0x276: {  	v15 =	vpop (erf)  }
0x277: {  	v12 =	vadd.f32 v15, v14;
	_ =	sdelay $0x1  }
0x278: {  	(erf) = vrcp.f32 v12;
	_ =	sdelay $0x5  }
0x279: {  	v12 =	vmov s21  }
.Ltmp18:
0x27a: {  	v12 =	vshll.u32 v12, $0x3;
	(pc) =	sbr.rel @p3 .LBB2_24-.Ltmp18, $4  }
0x27b: {  	v12 =	vor.u32 v5, v12  }
0x27c: {  	v13 =	vor.u32 $0x1, v12;
	v17 =	vpop (erf)  }
0x27d: {  	v16 =	vmul.f32 v17, v14;
	v15 =	vmul.f32 v17, v15  }
0x27e: {  	s21 =	sadd.s32 $0x10, s21;
	v14 =	vor.u32 $0x2, v12  }
0x27f: {  	_ =	sdelay $0x3  }
0x280: {  	[tilespmem:v10+s19+$0x0] =	vst.idx.msk $0xffff, v16  }
0x281: {  	[tilespmem:v11+s19+$0x0] =	vst.idx.msk $0xffff, v15  }
0x282: {  	v10 =	vld.idx.msk [tilespmem:v13+s1+$0x0], $0xffff  }
0x283: {  	v11 =	vld.idx.msk [tilespmem:v12+s1+$0x0], $0xffff  }
0x284: {  	v14 =	vld.idx.msk [tilespmem:v14+s22+$0x0], $0xffff  }
0x285: {  	v15 =	vld.idx.msk [tilespmem:v12+s9+$0x0], $0xffff;
	_ =	sdelay $0x3  }
0x286: {  	v6 =	vmul.f32 v14, v6;
	v7 =	vmul.f32 v14, v7  }
0x287: {  	v11 =	vmul.f32 v15, v11;
	v10 =	vmul.f32 v15, v10;
	_ =	sdelay $0x1  }
0x288: {  	v6 =	vadd.f32 v6, v11;
	v7 =	vadd.f32 v7, v10;
	_ =	sdelay $0x1  }
0x289: {  	v6 =	vadd.f32 v6, v8;
	v7 =	vadd.f32 v7, v9;
	_ =	sdelay $0x1  }
0x28a: {  	v8 =	vmax.f32 v6, v7  }
0x28b: {  	v6 =	vsub.f32 v6, v8  }
0x28c: {  	v7 =	vsub.f32 v7, v8  }
0x28d: {  	v6 =	vmul.f32 $1.442695020e+00, v6  }
0x28e: {  	v7 =	vmul.f32 $1.442695020e+00, v7  }
0x28f: {  	(erf) = vpow2.f32 v6  }
0x290: {  	(erf) = vpow2.f32 v7;
	_ =	sdelay $0x7  }
0x291: {  	v6 =	vpop (erf)  }
0x292: {  	v7 =	vpop (erf)  }
0x293: {  	v63 =	vadd.f32 v7, v6;
	_ =	sdelay $0x1  }
0x294: {  	(erf) = vrcp.f32 v63;
	_ =	sdelay $0x8  }
0x295: {  	v8 =	vpop (erf)  }
0x296: {  	v6 =	vmul.f32 v8, v6  }
0x297: {  	v7 =	vmul.f32 v8, v7  }
0x298: {  	s10 =	sshrl.u32 s28, $0x3;
	[tilespmem:v12+s19+$0x0] =	vst.idx.msk $0xffff, v6  }
.Ltmp19:
0x299: {  	s10 =	sadd.s32 s24, s10;
	[tilespmem:v13+s19+$0x0] =	vst.idx.msk $0xffff, v7;
	(pc) =	sbr.rel .LBB2_26-.Ltmp19, $4  }
0x29a: {  	[hbm4b:s10+s14] =	stream.linear.scatter [tilespmem:s19], [sflag:$0x17], $0xC80, $0x38;
	[tilespmem:$0x157D8] =	vst v63  }
0x29b: {  	_ =	swait.ge [sflag:s25], $0xC80  }
0x29c: {  	[sflag:s25] =	ssyncset.done $0x0  }
0x29d: {  	[sflag:s25] =	ssyncadd.s32 $0xFFFFF380  }
.LBB2_28:
0x29e: {  	_ =	sfence.sel $0x180000  }
0x29f: {  	[bflag:$0x0] =	sbarrier.arrive $0xFFFF  }
0x2a0: {  	_ =	strace $0x90000047  }
0x2a1: {  	[bflag:$0x2] =	sbarrier.arrive $0xFFFF  }
0x2a2: {  	p0 =	sne.s32 s12, $0x0;
	s0 =	rddreg [dreg:$0x6]  }
0x2a3: {  	s0 =	sadd.s32 @!p0 $0x100000, s0  }
0x2a4: {  	[sflag:s0] =	ssyncadd.tile.s32 @!p0 $0x1;
	_ =	shalt  }
.Lfunc_end2:
_tile_overlayer_lowered:
.L_overlay_start_2:
0x2a5: {  	(tag) =	ssettag $0x2  }
0x2a6: {  	s0 =	rddreg [dreg:$0x0];
	s2 =	stileid.u32  }
0x2a7: {  	s1 =	rddreg [dreg:$0x1];
	p0 =	sne.s32 s2, $0x0  }
0x2a8: {  	s3 =	rddreg [dreg:$0x2];
	[bflag:$0x3] =	sbarrier.arrive $0xFFFF;
	s2 =	simm.s32 @!p0 $0x1C17  }
0x2a9: {  	[timem:s3], [sflag:s2] =	dma.local @!p0 [hbm:s0], s1  }
0x2aa: {  	s0 =	simm.s32 @!p0 $0x17  }
0x2ab: {  	_ =	swait.ge @!p0 [sflag:s0], s1  }
0x2ac: {  	s1 =	ssub.s32 @!p0 $0x0, s1;
	[sflag:s0] =	ssyncset.done @!p0 $0x0  }
0x2ad: {  	[sflag:s0] =	ssyncadd.s32 @!p0 s1  }
0x2ae: {  	[bflag:$0x3] =	sbarrier.arrive $0xFFFF  }
0x2af: {  	_ =	shalt  }

</sc_bundles>
